<compile_context>
chip_gen: v7x
topology: tpu7x:2x2x1
jax: 0.10.2.dev20260603
libtpu: 0.0.44.dev20260713+nightly
codegen_flags: <defaults>
</compile_context>

<pallas_src>
import functools

import jax
import jax.numpy as jnp
from jax import lax
from jax.experimental import pallas as pl
from jax.experimental.pallas import tpu as pltpu
from jax.experimental.pallas import tpu_sc as plsc

B = 100000
D = 128
C = 400
NSUB = 4
SUB = C // NSUB
PIECE = 2 * SUB
NCHUNK = B // C
_info = plsc.get_sparse_core_info()
NC = _info.num_cores
NS = _info.num_subcores
NW = NC * NS
MAX_T = -(-NCHUNK // NW)
NFULL = NCHUNK - NW * (MAX_T - 1)

_mesh = plsc.VectorSubcoreMesh(core_axis_name="c", subcore_axis_name="s")


@functools.partial(
    pl.kernel,
    out_type=jax.ShapeDtypeStruct((B, D), jnp.float32),
    mesh=_mesh,
    scratch_types=[
        pltpu.VMEM((MAX_T, NSUB, SUB), jnp.int32),
        pltpu.VMEM((2, C, D), jnp.float32),
        pltpu.VMEM_SHARED((16, D), jnp.float32),
        pltpu.SemaphoreType.DMA,
        pltpu.SemaphoreType.DMA,
        pltpu.SemaphoreType.DMA,
    ],
)
def _emb_lookup(idx_hbm, table_hbm, out_hbm, idx_v, rows_v, table_sh,
                gsem, ssem0, ssem1):
    sid = lax.axis_index("s")
    wid = sid * NC + lax.axis_index("c")
    full = wid < NFULL
    start = jnp.where(full, wid * MAX_T,
                      NFULL * MAX_T + (wid - NFULL) * (MAX_T - 1))
    ssems = (ssem0, ssem1)

    cp_idx = pltpu.async_copy(idx_hbm.at[pl.ds(start, MAX_T)], idx_v, gsem)

    @pl.when(sid == 0)
    def _():
        pltpu.sync_copy(table_hbm, rows_v.at[0, pl.ds(0, 16)])
        pltpu.sync_copy(rows_v.at[0, pl.ds(0, 16)], table_sh)

    plsc.subcore_barrier()
    cp_idx.wait()

    def wait_scatter(b):
        for p in range(C // PIECE):
            pltpu.make_async_copy(rows_v.at[b, pl.ds(p * PIECE, PIECE)],
                                  out_hbm.at[pl.ds(p * PIECE, PIECE)],
                                  ssems[b]).wait()

    def do_chunk(t):
        b = t % 2
        if t >= 2:
            wait_scatter(b)
        copies = [
            pltpu.async_copy(
                table_sh.at[idx_v.at[t, j]],
                rows_v.at[b, pl.ds(j * SUB, SUB)],
                gsem,
            )
            for j in range(NSUB)
        ]
        per_piece = PIECE // SUB
        for p in range(C // PIECE):
            for cp in copies[p * per_piece:(p + 1) * per_piece]:
                cp.wait()
            pltpu.async_copy(
                rows_v.at[b, pl.ds(p * PIECE, PIECE)],
                out_hbm.at[pl.ds((start + t) * C + p * PIECE, PIECE)],
                ssems[b])

    for t in range(MAX_T - 1):
        do_chunk(t)

    @pl.when(full)
    def _():
        do_chunk(MAX_T - 1)

    wait_scatter(0)
    wait_scatter(1)


def kernel(node_type_indices, table):
    idx = node_type_indices.astype(jnp.int32).reshape(NCHUNK, C)
    idx = jnp.concatenate([idx, jnp.zeros((1, C), jnp.int32)], axis=0)
    idx = idx.reshape(NCHUNK + 1, NSUB, SUB)
    return _emb_lookup(idx, table)

# --- scband reference (transcript-rebuilt; emitter-appended) ---
"""Pipeline reference for scband-node-type-embedding-45749991637159 (READ-ONLY COPY).

The authoritative reference and input builder live on the scoring server;
editing this copy changes nothing except your own understanding.
"""

import jax, jax.numpy as jnp
import numpy as np

def setup_inputs(seed: int = 0) -> dict:
    key = jax.random.key(seed)
    k_idx, k_tab = jax.random.split(key)
    node_type_indices = jax.random.randint(k_idx, (100000,), 0, 16, dtype=jnp.int64)
    table = jax.random.normal(k_tab, (16, 128), dtype=jnp.float32)
    return {"node_type_indices": node_type_indices, "table": table}

def reference(node_type_indices, table):
    return jnp.take(table, node_type_indices, axis=0)

if __name__ == "__main__":
    import jax
    _d = setup_inputs()
    print(jax.jit(kernel)(*tuple(_d.values())))

</pallas_src>

<mosaic_0001>
#map = affine_map<(d0, d1) -> (0, 0, 0)>
#map1 = affine_map<(d0, d1) -> (0, 0)>
module attributes {stable_mosaic.version = 14 : i64} {
  func.func @_emb_lookup(%arg0: i32, %arg1: i32, %arg2: memref<251x4x100xi32, #tpu.memory_space<hbm>>, %arg3: memref<16x128xf32, #tpu.memory_space<hbm>>, %arg4: memref<100000x128xf32, #tpu.memory_space<hbm>>, %arg5: memref<8x4x100xi32, #tpu.memory_space<vmem>>, %arg6: memref<2x400x128xf32, #tpu.memory_space<vmem>>, %arg7: memref<16x128xf32, #tpu.memory_space<vmem_shared>>, %arg8: memref<!tpu.dma_semaphore, #tpu.memory_space<semaphore_mem>>, %arg9: memref<!tpu.dma_semaphore, #tpu.memory_space<semaphore_mem>>, %arg10: memref<!tpu.dma_semaphore, #tpu.memory_space<semaphore_mem>>) attributes {dimension_semantics = [#tpu.dimension_semantics<core_parallel>, #tpu.dimension_semantics<subcore_parallel>], iteration_bounds = array<i64: 2, 16>, scalar_prefetch = 0 : i64, scratch_operands = 6 : i64, tpu.core_type = #tpu.core_type<sc_vector_subcore>, window_params = [{transform_indices = #map}, {transform_indices = #map1}, {transform_indices = #map1}]} {
    %mul3A = arith.constant 2 : i32
    %mul3A_0 = arith.muli %arg1, %mul3A : i32
    %add3A = arith.addi %mul3A_0, %arg0 : i32
    %lt3A = arith.constant 26 : i32
    %lt3A_1 = arith.cmpi slt, %add3A, %lt3A : i32
    %mul3A_2 = arith.constant 8 : i32
    %mul3A_3 = arith.muli %add3A, %mul3A_2 : i32
    %sub3A = arith.constant 26 : i32
    %sub3A_4 = arith.subi %add3A, %sub3A : i32
    %mul3A_5 = arith.constant 7 : i32
    %mul3A_6 = arith.muli %sub3A_4, %mul3A_5 : i32
    %add3A_7 = arith.constant 208 : i32
    %add3A_8 = arith.addi %add3A_7, %mul3A_6 : i32
    %select_n3A = arith.select %lt3A_1, %mul3A_3, %add3A_8 : i32
    %dma_start3A = arith.constant 0 : i32
    %dma_start3A_9 = arith.constant 0 : i32
    %dma_start3A_10 = tpu.memref_slice %arg2[%select_n3A, %dma_start3A, %dma_start3A_9] : memref<251x4x100xi32, #tpu.memory_space<hbm>> -> memref<8x4x100xi32, #tpu.memory_space<hbm>>
    %dma_start3A_11 = arith.constant 0 : i32
    %dma_start3A_12 = arith.constant 0 : i32
    %dma_start3A_13 = tpu.memref_slice %arg2[%select_n3A, %dma_start3A_11, %dma_start3A_12] : memref<251x4x100xi32, #tpu.memory_space<hbm>> -> memref<8x4x100xi32, #tpu.memory_space<hbm>>
    tpu.enqueue_dma source(%dma_start3A_13 : memref<8x4x100xi32, #tpu.memory_space<hbm>>) target(%arg5 : memref<8x4x100xi32, #tpu.memory_space<vmem>>) target_semaphore(%arg8 : memref<!tpu.dma_semaphore, #tpu.memory_space<semaphore_mem>>)
    %eq3A = arith.constant 0 : i32
    %eq3A_14 = arith.cmpi eq, %arg1, %eq3A : i32
    %convert_element_type3A = arith.extui %eq3A_14 : i1 to i32
    %cond3A = arith.constant 0 : i32
    %cond3A_15 = arith.cmpi ne, %convert_element_type3A, %cond3A : i32
    scf.if %cond3A_15 {
      %run_scoped3A = arith.constant 0 : i32
      "tpu.region"() ({
        %run_scoped3A_1229 = tpu.sem_alloc : memref<!tpu.dma_semaphore, #tpu.memory_space<semaphore_mem>>
        %dma_start3A_1230 = arith.constant 0 : i32
        %dma_start3A_1231 = arith.constant 0 : i32
        %dma_start3A_1232 = tpu.memref_slice %arg6[%run_scoped3A, %dma_start3A_1230, %dma_start3A_1231] : memref<2x400x128xf32, #tpu.memory_space<vmem>> -> memref<1x16x128xf32, #tpu.memory_space<vmem>>
        %dma_start3A_1233 = tpu.memref_squeeze %dma_start3A_1232 : memref<1x16x128xf32, #tpu.memory_space<vmem>> -> memref<16x128xf32, #tpu.memory_space<vmem>>
        %dma_start3A_1234 = arith.constant 0 : i32
        %dma_start3A_1235 = arith.constant 0 : i32
        %dma_start3A_1236 = tpu.memref_slice %arg6[%run_scoped3A, %dma_start3A_1234, %dma_start3A_1235] : memref<2x400x128xf32, #tpu.memory_space<vmem>> -> memref<1x16x128xf32, #tpu.memory_space<vmem>>
        %dma_start3A_1237 = tpu.memref_squeeze %dma_start3A_1236 : memref<1x16x128xf32, #tpu.memory_space<vmem>> -> memref<16x128xf32, #tpu.memory_space<vmem>>
        tpu.enqueue_dma source(%arg3 : memref<16x128xf32, #tpu.memory_space<hbm>>) target(%dma_start3A_1237 : memref<16x128xf32, #tpu.memory_space<vmem>>) target_semaphore(%run_scoped3A_1229 : memref<!tpu.dma_semaphore, #tpu.memory_space<semaphore_mem>>)
        %dma_wait3A_1238 = arith.constant 0 : i32
        %dma_wait3A_1239 = arith.constant 0 : i32
        %dma_wait3A_1240 = tpu.memref_slice %arg6[%run_scoped3A, %dma_wait3A_1238, %dma_wait3A_1239] : memref<2x400x128xf32, #tpu.memory_space<vmem>> -> memref<1x16x128xf32, #tpu.memory_space<vmem>>
        %dma_wait3A_1241 = tpu.memref_squeeze %dma_wait3A_1240 : memref<1x16x128xf32, #tpu.memory_space<vmem>> -> memref<16x128xf32, #tpu.memory_space<vmem>>
        %dma_wait3A_1242 = arith.constant 0 : i32
        %dma_wait3A_1243 = arith.constant 0 : i32
        %dma_wait3A_1244 = tpu.memref_slice %arg6[%run_scoped3A, %dma_wait3A_1242, %dma_wait3A_1243] : memref<2x400x128xf32, #tpu.memory_space<vmem>> -> memref<1x16x128xf32, #tpu.memory_space<vmem>>
        %dma_wait3A_1245 = tpu.memref_squeeze %dma_wait3A_1244 : memref<1x16x128xf32, #tpu.memory_space<vmem>> -> memref<16x128xf32, #tpu.memory_space<vmem>>
        tpu.wait_dma2 semaphore(%run_scoped3A_1229 : memref<!tpu.dma_semaphore, #tpu.memory_space<semaphore_mem>>) src(%arg3 : memref<16x128xf32, #tpu.memory_space<hbm>>) dst(%dma_wait3A_1245 : memref<16x128xf32, #tpu.memory_space<vmem>>)
        tpu.yield
      }) : () -> ()
      %run_scoped3A_1228 = arith.constant 0 : i32
      "tpu.region"() ({
        %run_scoped3A_1229 = tpu.sem_alloc : memref<!tpu.dma_semaphore, #tpu.memory_space<semaphore_mem>>
        %dma_start3A_1230 = arith.constant 0 : i32
        %dma_start3A_1231 = arith.constant 0 : i32
        %dma_start3A_1232 = tpu.memref_slice %arg6[%run_scoped3A_1228, %dma_start3A_1230, %dma_start3A_1231] : memref<2x400x128xf32, #tpu.memory_space<vmem>> -> memref<1x16x128xf32, #tpu.memory_space<vmem>>
        %dma_start3A_1233 = tpu.memref_squeeze %dma_start3A_1232 : memref<1x16x128xf32, #tpu.memory_space<vmem>> -> memref<16x128xf32, #tpu.memory_space<vmem>>
        %dma_start3A_1234 = arith.constant 0 : i32
        %dma_start3A_1235 = arith.constant 0 : i32
        %dma_start3A_1236 = tpu.memref_slice %arg6[%run_scoped3A_1228, %dma_start3A_1234, %dma_start3A_1235] : memref<2x400x128xf32, #tpu.memory_space<vmem>> -> memref<1x16x128xf32, #tpu.memory_space<vmem>>
        %dma_start3A_1237 = tpu.memref_squeeze %dma_start3A_1236 : memref<1x16x128xf32, #tpu.memory_space<vmem>> -> memref<16x128xf32, #tpu.memory_space<vmem>>
        tpu.enqueue_dma source(%dma_start3A_1237 : memref<16x128xf32, #tpu.memory_space<vmem>>) target(%arg7 : memref<16x128xf32, #tpu.memory_space<vmem_shared>>) target_semaphore(%run_scoped3A_1229 : memref<!tpu.dma_semaphore, #tpu.memory_space<semaphore_mem>>)
        %dma_wait3A_1238 = arith.constant 0 : i32
        %dma_wait3A_1239 = arith.constant 0 : i32
        %dma_wait3A_1240 = tpu.memref_slice %arg6[%run_scoped3A_1228, %dma_wait3A_1238, %dma_wait3A_1239] : memref<2x400x128xf32, #tpu.memory_space<vmem>> -> memref<1x16x128xf32, #tpu.memory_space<vmem>>
        %dma_wait3A_1241 = tpu.memref_squeeze %dma_wait3A_1240 : memref<1x16x128xf32, #tpu.memory_space<vmem>> -> memref<16x128xf32, #tpu.memory_space<vmem>>
        %dma_wait3A_1242 = arith.constant 0 : i32
        %dma_wait3A_1243 = arith.constant 0 : i32
        %dma_wait3A_1244 = tpu.memref_slice %arg6[%run_scoped3A_1228, %dma_wait3A_1242, %dma_wait3A_1243] : memref<2x400x128xf32, #tpu.memory_space<vmem>> -> memref<1x16x128xf32, #tpu.memory_space<vmem>>
        %dma_wait3A_1245 = tpu.memref_squeeze %dma_wait3A_1244 : memref<1x16x128xf32, #tpu.memory_space<vmem>> -> memref<16x128xf32, #tpu.memory_space<vmem>>
        tpu.wait_dma2 semaphore(%run_scoped3A_1229 : memref<!tpu.dma_semaphore, #tpu.memory_space<semaphore_mem>>) src(%dma_wait3A_1245 : memref<16x128xf32, #tpu.memory_space<vmem>>) dst(%arg7 : memref<16x128xf32, #tpu.memory_space<vmem_shared>>)
        tpu.yield
      }) : () -> ()
    } else {
    }
    %barrier3A = arith.constant 0 : index
    tpu.barrier barrier_id(%barrier3A)
    %dma_wait3A = arith.constant 0 : i32
    %dma_wait3A_16 = arith.constant 0 : i32
    %dma_wait3A_17 = tpu.memref_slice %arg2[%select_n3A, %dma_wait3A, %dma_wait3A_16] : memref<251x4x100xi32, #tpu.memory_space<hbm>> -> memref<8x4x100xi32, #tpu.memory_space<hbm>>
    %dma_wait3A_18 = arith.constant 0 : i32
    %dma_wait3A_19 = arith.constant 0 : i32
    %dma_wait3A_20 = tpu.memref_slice %arg2[%select_n3A, %dma_wait3A_18, %dma_wait3A_19] : memref<251x4x100xi32, #tpu.memory_space<hbm>> -> memref<8x4x100xi32, #tpu.memory_space<hbm>>
    tpu.wait_dma2 semaphore(%arg8 : memref<!tpu.dma_semaphore, #tpu.memory_space<semaphore_mem>>) src(%dma_wait3A_20 : memref<8x4x100xi32, #tpu.memory_space<hbm>>) dst(%arg5 : memref<8x4x100xi32, #tpu.memory_space<vmem>>)
    %dma_start3A_21 = arith.constant 0 : i32
    %dma_start3A_22 = arith.constant 0 : i32
    %dma_start3A_23 = arith.constant 0 : i32
    %dma_start3A_24 = arith.constant 0 : i32
    %dma_start3A_25 = arith.constant 0 : i32
    %dma_start3A_26 = tpu.memref_slice %arg6[%dma_start3A_23, %dma_start3A_24, %dma_start3A_25] : memref<2x400x128xf32, #tpu.memory_space<vmem>> -> memref<1x100x128xf32, #tpu.memory_space<vmem>>
    %dma_start3A_27 = tpu.memref_squeeze %dma_start3A_26 : memref<1x100x128xf32, #tpu.memory_space<vmem>> -> memref<100x128xf32, #tpu.memory_space<vmem>>
    %dma_start3A_28 = arith.constant 0 : i32
    %dma_start3A_29 = tpu.memref_slice %arg5[%dma_start3A_21, %dma_start3A_22, %dma_start3A_28] : memref<8x4x100xi32, #tpu.memory_space<vmem>> -> memref<1x1x100xi32, #tpu.memory_space<vmem>>
    %dma_start3A_30 = tpu.memref_squeeze %dma_start3A_29 : memref<1x1x100xi32, #tpu.memory_space<vmem>> -> memref<100xi32, #tpu.memory_space<vmem>>
    %dma_start3A_31 = arith.constant 0 : i32
    %dma_start3A_32 = arith.constant 0 : i32
    %dma_start3A_33 = tpu.memref_slice %arg7[%dma_start3A_31, %dma_start3A_32] : memref<16x128xf32, #tpu.memory_space<vmem_shared>> -> memref<16x128xf32, #tpu.memory_space<vmem_shared>>
    tpu.enqueue_indirect_dma source(%dma_start3A_33 : memref<16x128xf32, #tpu.memory_space<vmem_shared>>) target(%dma_start3A_27 : memref<100x128xf32, #tpu.memory_space<vmem>>) offsets(%dma_start3A_30 : memref<100xi32, #tpu.memory_space<vmem>>) semaphore(%arg8 : memref<!tpu.dma_semaphore, #tpu.memory_space<semaphore_mem>>)
    %dma_start3A_34 = arith.constant 0 : i32
    %dma_start3A_35 = arith.constant 1 : i32
    %dma_start3A_36 = arith.constant 0 : i32
    %dma_start3A_37 = arith.constant 100 : i32
    %dma_start3A_38 = arith.constant 0 : i32
    %dma_start3A_39 = tpu.memref_slice %arg6[%dma_start3A_36, %dma_start3A_37, %dma_start3A_38] : memref<2x400x128xf32, #tpu.memory_space<vmem>> -> memref<1x100x128xf32, #tpu.memory_space<vmem>>
    %dma_start3A_40 = tpu.memref_squeeze %dma_start3A_39 : memref<1x100x128xf32, #tpu.memory_space<vmem>> -> memref<100x128xf32, #tpu.memory_space<vmem>>
    %dma_start3A_41 = arith.constant 0 : i32
    %dma_start3A_42 = tpu.memref_slice %arg5[%dma_start3A_34, %dma_start3A_35, %dma_start3A_41] : memref<8x4x100xi32, #tpu.memory_space<vmem>> -> memref<1x1x100xi32, #tpu.memory_space<vmem>>
    %dma_start3A_43 = tpu.memref_squeeze %dma_start3A_42 : memref<1x1x100xi32, #tpu.memory_space<vmem>> -> memref<100xi32, #tpu.memory_space<vmem>>
    %dma_start3A_44 = arith.constant 0 : i32
    %dma_start3A_45 = arith.constant 0 : i32
    %dma_start3A_46 = tpu.memref_slice %arg7[%dma_start3A_44, %dma_start3A_45] : memref<16x128xf32, #tpu.memory_space<vmem_shared>> -> memref<16x128xf32, #tpu.memory_space<vmem_shared>>
    tpu.enqueue_indirect_dma source(%dma_start3A_46 : memref<16x128xf32, #tpu.memory_space<vmem_shared>>) target(%dma_start3A_40 : memref<100x128xf32, #tpu.memory_space<vmem>>) offsets(%dma_start3A_43 : memref<100xi32, #tpu.memory_space<vmem>>) semaphore(%arg8 : memref<!tpu.dma_semaphore, #tpu.memory_space<semaphore_mem>>)
    %dma_start3A_47 = arith.constant 0 : i32
    %dma_start3A_48 = arith.constant 2 : i32
    %dma_start3A_49 = arith.constant 0 : i32
    %dma_start3A_50 = arith.constant 200 : i32
    %dma_start3A_51 = arith.constant 0 : i32
    %dma_start3A_52 = tpu.memref_slice %arg6[%dma_start3A_49, %dma_start3A_50, %dma_start3A_51] : memref<2x400x128xf32, #tpu.memory_space<vmem>> -> memref<1x100x128xf32, #tpu.memory_space<vmem>>
    %dma_start3A_53 = tpu.memref_squeeze %dma_start3A_52 : memref<1x100x128xf32, #tpu.memory_space<vmem>> -> memref<100x128xf32, #tpu.memory_space<vmem>>
    %dma_start3A_54 = arith.constant 0 : i32
    %dma_start3A_55 = tpu.memref_slice %arg5[%dma_start3A_47, %dma_start3A_48, %dma_start3A_54] : memref<8x4x100xi32, #tpu.memory_space<vmem>> -> memref<1x1x100xi32, #tpu.memory_space<vmem>>
    %dma_start3A_56 = tpu.memref_squeeze %dma_start3A_55 : memref<1x1x100xi32, #tpu.memory_space<vmem>> -> memref<100xi32, #tpu.memory_space<vmem>>
    %dma_start3A_57 = arith.constant 0 : i32
    %dma_start3A_58 = arith.constant 0 : i32
    %dma_start3A_59 = tpu.memref_slice %arg7[%dma_start3A_57, %dma_start3A_58] : memref<16x128xf32, #tpu.memory_space<vmem_shared>> -> memref<16x128xf32, #tpu.memory_space<vmem_shared>>
    tpu.enqueue_indirect_dma source(%dma_start3A_59 : memref<16x128xf32, #tpu.memory_space<vmem_shared>>) target(%dma_start3A_53 : memref<100x128xf32, #tpu.memory_space<vmem>>) offsets(%dma_start3A_56 : memref<100xi32, #tpu.memory_space<vmem>>) semaphore(%arg8 : memref<!tpu.dma_semaphore, #tpu.memory_space<semaphore_mem>>)
    %dma_start3A_60 = arith.constant 0 : i32
    %dma_start3A_61 = arith.constant 3 : i32
    %dma_start3A_62 = arith.constant 0 : i32
    %dma_start3A_63 = arith.constant 300 : i32
    %dma_start3A_64 = arith.constant 0 : i32
    %dma_start3A_65 = tpu.memref_slice %arg6[%dma_start3A_62, %dma_start3A_63, %dma_start3A_64] : memref<2x400x128xf32, #tpu.memory_space<vmem>> -> memref<1x100x128xf32, #tpu.memory_space<vmem>>
    %dma_start3A_66 = tpu.memref_squeeze %dma_start3A_65 : memref<1x100x128xf32, #tpu.memory_space<vmem>> -> memref<100x128xf32, #tpu.memory_space<vmem>>
    %dma_start3A_67 = arith.constant 0 : i32
    %dma_start3A_68 = tpu.memref_slice %arg5[%dma_start3A_60, %dma_start3A_61, %dma_start3A_67] : memref<8x4x100xi32, #tpu.memory_space<vmem>> -> memref<1x1x100xi32, #tpu.memory_space<vmem>>
    %dma_start3A_69 = tpu.memref_squeeze %dma_start3A_68 : memref<1x1x100xi32, #tpu.memory_space<vmem>> -> memref<100xi32, #tpu.memory_space<vmem>>
    %dma_start3A_70 = arith.constant 0 : i32
    %dma_start3A_71 = arith.constant 0 : i32
    %dma_start3A_72 = tpu.memref_slice %arg7[%dma_start3A_70, %dma_start3A_71] : memref<16x128xf32, #tpu.memory_space<vmem_shared>> -> memref<16x128xf32, #tpu.memory_space<vmem_shared>>
    tpu.enqueue_indirect_dma source(%dma_start3A_72 : memref<16x128xf32, #tpu.memory_space<vmem_shared>>) target(%dma_start3A_66 : memref<100x128xf32, #tpu.memory_space<vmem>>) offsets(%dma_start3A_69 : memref<100xi32, #tpu.memory_space<vmem>>) semaphore(%arg8 : memref<!tpu.dma_semaphore, #tpu.memory_space<semaphore_mem>>)
    %dma_wait3A_73 = arith.constant 0 : i32
    %dma_wait3A_74 = arith.constant 0 : i32
    %dma_wait3A_75 = arith.constant 0 : i32
    %dma_wait3A_76 = arith.constant 0 : i32
    %dma_wait3A_77 = arith.constant 0 : i32
    %dma_wait3A_78 = tpu.memref_slice %arg6[%dma_wait3A_75, %dma_wait3A_76, %dma_wait3A_77] : memref<2x400x128xf32, #tpu.memory_space<vmem>> -> memref<1x100x128xf32, #tpu.memory_space<vmem>>
    %dma_wait3A_79 = tpu.memref_squeeze %dma_wait3A_78 : memref<1x100x128xf32, #tpu.memory_space<vmem>> -> memref<100x128xf32, #tpu.memory_space<vmem>>
    %dma_wait3A_80 = arith.constant 0 : i32
    %dma_wait3A_81 = tpu.memref_slice %arg5[%dma_wait3A_73, %dma_wait3A_74, %dma_wait3A_80] : memref<8x4x100xi32, #tpu.memory_space<vmem>> -> memref<1x1x100xi32, #tpu.memory_space<vmem>>
    %dma_wait3A_82 = tpu.memref_squeeze %dma_wait3A_81 : memref<1x1x100xi32, #tpu.memory_space<vmem>> -> memref<100xi32, #tpu.memory_space<vmem>>
    %dma_wait3A_83 = arith.constant 0 : i32
    %dma_wait3A_84 = arith.constant 0 : i32
    %dma_wait3A_85 = tpu.memref_slice %arg7[%dma_wait3A_83, %dma_wait3A_84] : memref<16x128xf32, #tpu.memory_space<vmem_shared>> -> memref<16x128xf32, #tpu.memory_space<vmem_shared>>
    tpu.wait_indirect_dma semaphore(%arg8 : memref<!tpu.dma_semaphore, #tpu.memory_space<semaphore_mem>>) src(%dma_wait3A_85 : memref<16x128xf32, #tpu.memory_space<vmem_shared>>) dst(%dma_wait3A_79 : memref<100x128xf32, #tpu.memory_space<vmem>>)
    %dma_wait3A_86 = arith.constant 0 : i32
    %dma_wait3A_87 = arith.constant 1 : i32
    %dma_wait3A_88 = arith.constant 0 : i32
    %dma_wait3A_89 = arith.constant 100 : i32
    %dma_wait3A_90 = arith.constant 0 : i32
    %dma_wait3A_91 = tpu.memref_slice %arg6[%dma_wait3A_88, %dma_wait3A_89, %dma_wait3A_90] : memref<2x400x128xf32, #tpu.memory_space<vmem>> -> memref<1x100x128xf32, #tpu.memory_space<vmem>>
    %dma_wait3A_92 = tpu.memref_squeeze %dma_wait3A_91 : memref<1x100x128xf32, #tpu.memory_space<vmem>> -> memref<100x128xf32, #tpu.memory_space<vmem>>
    %dma_wait3A_93 = arith.constant 0 : i32
    %dma_wait3A_94 = tpu.memref_slice %arg5[%dma_wait3A_86, %dma_wait3A_87, %dma_wait3A_93] : memref<8x4x100xi32, #tpu.memory_space<vmem>> -> memref<1x1x100xi32, #tpu.memory_space<vmem>>
    %dma_wait3A_95 = tpu.memref_squeeze %dma_wait3A_94 : memref<1x1x100xi32, #tpu.memory_space<vmem>> -> memref<100xi32, #tpu.memory_space<vmem>>
    %dma_wait3A_96 = arith.constant 0 : i32
    %dma_wait3A_97 = arith.constant 0 : i32
    %dma_wait3A_98 = tpu.memref_slice %arg7[%dma_wait3A_96, %dma_wait3A_97] : memref<16x128xf32, #tpu.memory_space<vmem_shared>> -> memref<16x128xf32, #tpu.memory_space<vmem_shared>>
    tpu.wait_indirect_dma semaphore(%arg8 : memref<!tpu.dma_semaphore, #tpu.memory_space<semaphore_mem>>) src(%dma_wait3A_98 : memref<16x128xf32, #tpu.memory_space<vmem_shared>>) dst(%dma_wait3A_92 : memref<100x128xf32, #tpu.memory_space<vmem>>)
    %add3A_99 = arith.constant 0 : i32
    %add3A_100 = arith.addi %select_n3A, %add3A_99 : i32
    %mul3A_101 = arith.constant 400 : i32
    %mul3A_102 = arith.muli %add3A_100, %mul3A_101 : i32
    %add3A_103 = arith.constant 0 : i32
    %add3A_104 = arith.addi %mul3A_102, %add3A_103 : i32
    %dma_start3A_105 = arith.constant 0 : i32
    %dma_start3A_106 = arith.constant 0 : i32
    %dma_start3A_107 = arith.constant 0 : i32
    %dma_start3A_108 = tpu.memref_slice %arg6[%dma_start3A_105, %dma_start3A_106, %dma_start3A_107] : memref<2x400x128xf32, #tpu.memory_space<vmem>> -> memref<1x200x128xf32, #tpu.memory_space<vmem>>
    %dma_start3A_109 = tpu.memref_squeeze %dma_start3A_108 : memref<1x200x128xf32, #tpu.memory_space<vmem>> -> memref<200x128xf32, #tpu.memory_space<vmem>>
    %dma_start3A_110 = arith.constant 0 : i32
    %dma_start3A_111 = tpu.memref_slice %arg4[%add3A_104, %dma_start3A_110] : memref<100000x128xf32, #tpu.memory_space<hbm>> -> memref<200x128xf32, #tpu.memory_space<hbm>>
    %dma_start3A_112 = arith.constant 0 : i32
    %dma_start3A_113 = tpu.memref_slice %arg4[%add3A_104, %dma_start3A_112] : memref<100000x128xf32, #tpu.memory_space<hbm>> -> memref<200x128xf32, #tpu.memory_space<hbm>>
    %dma_start3A_114 = arith.constant 0 : i32
    %dma_start3A_115 = arith.constant 0 : i32
    %dma_start3A_116 = tpu.memref_slice %arg6[%dma_start3A_105, %dma_start3A_114, %dma_start3A_115] : memref<2x400x128xf32, #tpu.memory_space<vmem>> -> memref<1x200x128xf32, #tpu.memory_space<vmem>>
    %dma_start3A_117 = tpu.memref_squeeze %dma_start3A_116 : memref<1x200x128xf32, #tpu.memory_space<vmem>> -> memref<200x128xf32, #tpu.memory_space<vmem>>
    tpu.enqueue_dma source(%dma_start3A_117 : memref<200x128xf32, #tpu.memory_space<vmem>>) target(%dma_start3A_113 : memref<200x128xf32, #tpu.memory_space<hbm>>) target_semaphore(%arg9 : memref<!tpu.dma_semaphore, #tpu.memory_space<semaphore_mem>>)
    %dma_wait3A_118 = arith.constant 0 : i32
    %dma_wait3A_119 = arith.constant 2 : i32
    %dma_wait3A_120 = arith.constant 0 : i32
    %dma_wait3A_121 = arith.constant 200 : i32
    %dma_wait3A_122 = arith.constant 0 : i32
    %dma_wait3A_123 = tpu.memref_slice %arg6[%dma_wait3A_120, %dma_wait3A_121, %dma_wait3A_122] : memref<2x400x128xf32, #tpu.memory_space<vmem>> -> memref<1x100x128xf32, #tpu.memory_space<vmem>>
    %dma_wait3A_124 = tpu.memref_squeeze %dma_wait3A_123 : memref<1x100x128xf32, #tpu.memory_space<vmem>> -> memref<100x128xf32, #tpu.memory_space<vmem>>
    %dma_wait3A_125 = arith.constant 0 : i32
    %dma_wait3A_126 = tpu.memref_slice %arg5[%dma_wait3A_118, %dma_wait3A_119, %dma_wait3A_125] : memref<8x4x100xi32, #tpu.memory_space<vmem>> -> memref<1x1x100xi32, #tpu.memory_space<vmem>>
    %dma_wait3A_127 = tpu.memref_squeeze %dma_wait3A_126 : memref<1x1x100xi32, #tpu.memory_space<vmem>> -> memref<100xi32, #tpu.memory_space<vmem>>
    %dma_wait3A_128 = arith.constant 0 : i32
    %dma_wait3A_129 = arith.constant 0 : i32
    %dma_wait3A_130 = tpu.memref_slice %arg7[%dma_wait3A_128, %dma_wait3A_129] : memref<16x128xf32, #tpu.memory_space<vmem_shared>> -> memref<16x128xf32, #tpu.memory_space<vmem_shared>>
    tpu.wait_indirect_dma semaphore(%arg8 : memref<!tpu.dma_semaphore, #tpu.memory_space<semaphore_mem>>) src(%dma_wait3A_130 : memref<16x128xf32, #tpu.memory_space<vmem_shared>>) dst(%dma_wait3A_124 : memref<100x128xf32, #tpu.memory_space<vmem>>)
    %dma_wait3A_131 = arith.constant 0 : i32
    %dma_wait3A_132 = arith.constant 3 : i32
    %dma_wait3A_133 = arith.constant 0 : i32
    %dma_wait3A_134 = arith.constant 300 : i32
    %dma_wait3A_135 = arith.constant 0 : i32
    %dma_wait3A_136 = tpu.memref_slice %arg6[%dma_wait3A_133, %dma_wait3A_134, %dma_wait3A_135] : memref<2x400x128xf32, #tpu.memory_space<vmem>> -> memref<1x100x128xf32, #tpu.memory_space<vmem>>
    %dma_wait3A_137 = tpu.memref_squeeze %dma_wait3A_136 : memref<1x100x128xf32, #tpu.memory_space<vmem>> -> memref<100x128xf32, #tpu.memory_space<vmem>>
    %dma_wait3A_138 = arith.constant 0 : i32
    %dma_wait3A_139 = tpu.memref_slice %arg5[%dma_wait3A_131, %dma_wait3A_132, %dma_wait3A_138] : memref<8x4x100xi32, #tpu.memory_space<vmem>> -> memref<1x1x100xi32, #tpu.memory_space<vmem>>
    %dma_wait3A_140 = tpu.memref_squeeze %dma_wait3A_139 : memref<1x1x100xi32, #tpu.memory_space<vmem>> -> memref<100xi32, #tpu.memory_space<vmem>>
    %dma_wait3A_141 = arith.constant 0 : i32
    %dma_wait3A_142 = arith.constant 0 : i32
    %dma_wait3A_143 = tpu.memref_slice %arg7[%dma_wait3A_141, %dma_wait3A_142] : memref<16x128xf32, #tpu.memory_space<vmem_shared>> -> memref<16x128xf32, #tpu.memory_space<vmem_shared>>
    tpu.wait_indirect_dma semaphore(%arg8 : memref<!tpu.dma_semaphore, #tpu.memory_space<semaphore_mem>>) src(%dma_wait3A_143 : memref<16x128xf32, #tpu.memory_space<vmem_shared>>) dst(%dma_wait3A_137 : memref<100x128xf32, #tpu.memory_space<vmem>>)
    %add3A_144 = arith.constant 0 : i32
    %add3A_145 = arith.addi %select_n3A, %add3A_144 : i32
    %mul3A_146 = arith.constant 400 : i32
    %mul3A_147 = arith.muli %add3A_145, %mul3A_146 : i32
    %add3A_148 = arith.constant 200 : i32
    %add3A_149 = arith.addi %mul3A_147, %add3A_148 : i32
    %dma_start3A_150 = arith.constant 0 : i32
    %dma_start3A_151 = arith.constant 200 : i32
    %dma_start3A_152 = arith.constant 0 : i32
    %dma_start3A_153 = tpu.memref_slice %arg6[%dma_start3A_150, %dma_start3A_151, %dma_start3A_152] : memref<2x400x128xf32, #tpu.memory_space<vmem>> -> memref<1x200x128xf32, #tpu.memory_space<vmem>>
    %dma_start3A_154 = tpu.memref_squeeze %dma_start3A_153 : memref<1x200x128xf32, #tpu.memory_space<vmem>> -> memref<200x128xf32, #tpu.memory_space<vmem>>
    %dma_start3A_155 = arith.constant 0 : i32
    %dma_start3A_156 = tpu.memref_slice %arg4[%add3A_149, %dma_start3A_155] : memref<100000x128xf32, #tpu.memory_space<hbm>> -> memref<200x128xf32, #tpu.memory_space<hbm>>
    %dma_start3A_157 = arith.constant 0 : i32
    %dma_start3A_158 = tpu.memref_slice %arg4[%add3A_149, %dma_start3A_157] : memref<100000x128xf32, #tpu.memory_space<hbm>> -> memref<200x128xf32, #tpu.memory_space<hbm>>
    %dma_start3A_159 = arith.constant 200 : i32
    %dma_start3A_160 = arith.constant 0 : i32
    %dma_start3A_161 = tpu.memref_slice %arg6[%dma_start3A_150, %dma_start3A_159, %dma_start3A_160] : memref<2x400x128xf32, #tpu.memory_space<vmem>> -> memref<1x200x128xf32, #tpu.memory_space<vmem>>
    %dma_start3A_162 = tpu.memref_squeeze %dma_start3A_161 : memref<1x200x128xf32, #tpu.memory_space<vmem>> -> memref<200x128xf32, #tpu.memory_space<vmem>>
    tpu.enqueue_dma source(%dma_start3A_162 : memref<200x128xf32, #tpu.memory_space<vmem>>) target(%dma_start3A_158 : memref<200x128xf32, #tpu.memory_space<hbm>>) target_semaphore(%arg9 : memref<!tpu.dma_semaphore, #tpu.memory_space<semaphore_mem>>)
    %dma_start3A_163 = arith.constant 1 : i32
    %dma_start3A_164 = arith.constant 0 : i32
    %dma_start3A_165 = arith.constant 1 : i32
    %dma_start3A_166 = arith.constant 0 : i32
    %dma_start3A_167 = arith.constant 0 : i32
    %dma_start3A_168 = tpu.memref_slice %arg6[%dma_start3A_165, %dma_start3A_166, %dma_start3A_167] : memref<2x400x128xf32, #tpu.memory_space<vmem>> -> memref<1x100x128xf32, #tpu.memory_space<vmem>>
    %dma_start3A_169 = tpu.memref_squeeze %dma_start3A_168 : memref<1x100x128xf32, #tpu.memory_space<vmem>> -> memref<100x128xf32, #tpu.memory_space<vmem>>
    %dma_start3A_170 = arith.constant 0 : i32
    %dma_start3A_171 = tpu.memref_slice %arg5[%dma_start3A_163, %dma_start3A_164, %dma_start3A_170] : memref<8x4x100xi32, #tpu.memory_space<vmem>> -> memref<1x1x100xi32, #tpu.memory_space<vmem>>
    %dma_start3A_172 = tpu.memref_squeeze %dma_start3A_171 : memref<1x1x100xi32, #tpu.memory_space<vmem>> -> memref<100xi32, #tpu.memory_space<vmem>>
    %dma_start3A_173 = arith.constant 0 : i32
    %dma_start3A_174 = arith.constant 0 : i32
    %dma_start3A_175 = tpu.memref_slice %arg7[%dma_start3A_173, %dma_start3A_174] : memref<16x128xf32, #tpu.memory_space<vmem_shared>> -> memref<16x128xf32, #tpu.memory_space<vmem_shared>>
    tpu.enqueue_indirect_dma source(%dma_start3A_175 : memref<16x128xf32, #tpu.memory_space<vmem_shared>>) target(%dma_start3A_169 : memref<100x128xf32, #tpu.memory_space<vmem>>) offsets(%dma_start3A_172 : memref<100xi32, #tpu.memory_space<vmem>>) semaphore(%arg8 : memref<!tpu.dma_semaphore, #tpu.memory_space<semaphore_mem>>)
    %dma_start3A_176 = arith.constant 1 : i32
    %dma_start3A_177 = arith.constant 1 : i32
    %dma_start3A_178 = arith.constant 1 : i32
    %dma_start3A_179 = arith.constant 100 : i32
    %dma_start3A_180 = arith.constant 0 : i32
    %dma_start3A_181 = tpu.memref_slice %arg6[%dma_start3A_178, %dma_start3A_179, %dma_start3A_180] : memref<2x400x128xf32, #tpu.memory_space<vmem>> -> memref<1x100x128xf32, #tpu.memory_space<vmem>>
    %dma_start3A_182 = tpu.memref_squeeze %dma_start3A_181 : memref<1x100x128xf32, #tpu.memory_space<vmem>> -> memref<100x128xf32, #tpu.memory_space<vmem>>
    %dma_start3A_183 = arith.constant 0 : i32
    %dma_start3A_184 = tpu.memref_slice %arg5[%dma_start3A_176, %dma_start3A_177, %dma_start3A_183] : memref<8x4x100xi32, #tpu.memory_space<vmem>> -> memref<1x1x100xi32, #tpu.memory_space<vmem>>
    %dma_start3A_185 = tpu.memref_squeeze %dma_start3A_184 : memref<1x1x100xi32, #tpu.memory_space<vmem>> -> memref<100xi32, #tpu.memory_space<vmem>>
    %dma_start3A_186 = arith.constant 0 : i32
    %dma_start3A_187 = arith.constant 0 : i32
    %dma_start3A_188 = tpu.memref_slice %arg7[%dma_start3A_186, %dma_start3A_187] : memref<16x128xf32, #tpu.memory_space<vmem_shared>> -> memref<16x128xf32, #tpu.memory_space<vmem_shared>>
    tpu.enqueue_indirect_dma source(%dma_start3A_188 : memref<16x128xf32, #tpu.memory_space<vmem_shared>>) target(%dma_start3A_182 : memref<100x128xf32, #tpu.memory_space<vmem>>) offsets(%dma_start3A_185 : memref<100xi32, #tpu.memory_space<vmem>>) semaphore(%arg8 : memref<!tpu.dma_semaphore, #tpu.memory_space<semaphore_mem>>)
    %dma_start3A_189 = arith.constant 1 : i32
    %dma_start3A_190 = arith.constant 2 : i32
    %dma_start3A_191 = arith.constant 1 : i32
    %dma_start3A_192 = arith.constant 200 : i32
    %dma_start3A_193 = arith.constant 0 : i32
    %dma_start3A_194 = tpu.memref_slice %arg6[%dma_start3A_191, %dma_start3A_192, %dma_start3A_193] : memref<2x400x128xf32, #tpu.memory_space<vmem>> -> memref<1x100x128xf32, #tpu.memory_space<vmem>>
    %dma_start3A_195 = tpu.memref_squeeze %dma_start3A_194 : memref<1x100x128xf32, #tpu.memory_space<vmem>> -> memref<100x128xf32, #tpu.memory_space<vmem>>
    %dma_start3A_196 = arith.constant 0 : i32
    %dma_start3A_197 = tpu.memref_slice %arg5[%dma_start3A_189, %dma_start3A_190, %dma_start3A_196] : memref<8x4x100xi32, #tpu.memory_space<vmem>> -> memref<1x1x100xi32, #tpu.memory_space<vmem>>
    %dma_start3A_198 = tpu.memref_squeeze %dma_start3A_197 : memref<1x1x100xi32, #tpu.memory_space<vmem>> -> memref<100xi32, #tpu.memory_space<vmem>>
    %dma_start3A_199 = arith.constant 0 : i32
    %dma_start3A_200 = arith.constant 0 : i32
    %dma_start3A_201 = tpu.memref_slice %arg7[%dma_start3A_199, %dma_start3A_200] : memref<16x128xf32, #tpu.memory_space<vmem_shared>> -> memref<16x128xf32, #tpu.memory_space<vmem_shared>>
    tpu.enqueue_indirect_dma source(%dma_start3A_201 : memref<16x128xf32, #tpu.memory_space<vmem_shared>>) target(%dma_start3A_195 : memref<100x128xf32, #tpu.memory_space<vmem>>) offsets(%dma_start3A_198 : memref<100xi32, #tpu.memory_space<vmem>>) semaphore(%arg8 : memref<!tpu.dma_semaphore, #tpu.memory_space<semaphore_mem>>)
    %dma_start3A_202 = arith.constant 1 : i32
    %dma_start3A_203 = arith.constant 3 : i32
    %dma_start3A_204 = arith.constant 1 : i32
    %dma_start3A_205 = arith.constant 300 : i32
    %dma_start3A_206 = arith.constant 0 : i32
    %dma_start3A_207 = tpu.memref_slice %arg6[%dma_start3A_204, %dma_start3A_205, %dma_start3A_206] : memref<2x400x128xf32, #tpu.memory_space<vmem>> -> memref<1x100x128xf32, #tpu.memory_space<vmem>>
    %dma_start3A_208 = tpu.memref_squeeze %dma_start3A_207 : memref<1x100x128xf32, #tpu.memory_space<vmem>> -> memref<100x128xf32, #tpu.memory_space<vmem>>
    %dma_start3A_209 = arith.constant 0 : i32
    %dma_start3A_210 = tpu.memref_slice %arg5[%dma_start3A_202, %dma_start3A_203, %dma_start3A_209] : memref<8x4x100xi32, #tpu.memory_space<vmem>> -> memref<1x1x100xi32, #tpu.memory_space<vmem>>
    %dma_start3A_211 = tpu.memref_squeeze %dma_start3A_210 : memref<1x1x100xi32, #tpu.memory_space<vmem>> -> memref<100xi32, #tpu.memory_space<vmem>>
    %dma_start3A_212 = arith.constant 0 : i32
    %dma_start3A_213 = arith.constant 0 : i32
    %dma_start3A_214 = tpu.memref_slice %arg7[%dma_start3A_212, %dma_start3A_213] : memref<16x128xf32, #tpu.memory_space<vmem_shared>> -> memref<16x128xf32, #tpu.memory_space<vmem_shared>>
    tpu.enqueue_indirect_dma source(%dma_start3A_214 : memref<16x128xf32, #tpu.memory_space<vmem_shared>>) target(%dma_start3A_208 : memref<100x128xf32, #tpu.memory_space<vmem>>) offsets(%dma_start3A_211 : memref<100xi32, #tpu.memory_space<vmem>>) semaphore(%arg8 : memref<!tpu.dma_semaphore, #tpu.memory_space<semaphore_mem>>)
    %dma_wait3A_215 = arith.constant 1 : i32
    %dma_wait3A_216 = arith.constant 0 : i32
    %dma_wait3A_217 = arith.constant 1 : i32
    %dma_wait3A_218 = arith.constant 0 : i32
    %dma_wait3A_219 = arith.constant 0 : i32
    %dma_wait3A_220 = tpu.memref_slice %arg6[%dma_wait3A_217, %dma_wait3A_218, %dma_wait3A_219] : memref<2x400x128xf32, #tpu.memory_space<vmem>> -> memref<1x100x128xf32, #tpu.memory_space<vmem>>
    %dma_wait3A_221 = tpu.memref_squeeze %dma_wait3A_220 : memref<1x100x128xf32, #tpu.memory_space<vmem>> -> memref<100x128xf32, #tpu.memory_space<vmem>>
    %dma_wait3A_222 = arith.constant 0 : i32
    %dma_wait3A_223 = tpu.memref_slice %arg5[%dma_wait3A_215, %dma_wait3A_216, %dma_wait3A_222] : memref<8x4x100xi32, #tpu.memory_space<vmem>> -> memref<1x1x100xi32, #tpu.memory_space<vmem>>
    %dma_wait3A_224 = tpu.memref_squeeze %dma_wait3A_223 : memref<1x1x100xi32, #tpu.memory_space<vmem>> -> memref<100xi32, #tpu.memory_space<vmem>>
    %dma_wait3A_225 = arith.constant 0 : i32
    %dma_wait3A_226 = arith.constant 0 : i32
    %dma_wait3A_227 = tpu.memref_slice %arg7[%dma_wait3A_225, %dma_wait3A_226] : memref<16x128xf32, #tpu.memory_space<vmem_shared>> -> memref<16x128xf32, #tpu.memory_space<vmem_shared>>
    tpu.wait_indirect_dma semaphore(%arg8 : memref<!tpu.dma_semaphore, #tpu.memory_space<semaphore_mem>>) src(%dma_wait3A_227 : memref<16x128xf32, #tpu.memory_space<vmem_shared>>) dst(%dma_wait3A_221 : memref<100x128xf32, #tpu.memory_space<vmem>>)
    %dma_wait3A_228 = arith.constant 1 : i32
    %dma_wait3A_229 = arith.constant 1 : i32
    %dma_wait3A_230 = arith.constant 1 : i32
    %dma_wait3A_231 = arith.constant 100 : i32
    %dma_wait3A_232 = arith.constant 0 : i32
    %dma_wait3A_233 = tpu.memref_slice %arg6[%dma_wait3A_230, %dma_wait3A_231, %dma_wait3A_232] : memref<2x400x128xf32, #tpu.memory_space<vmem>> -> memref<1x100x128xf32, #tpu.memory_space<vmem>>
    %dma_wait3A_234 = tpu.memref_squeeze %dma_wait3A_233 : memref<1x100x128xf32, #tpu.memory_space<vmem>> -> memref<100x128xf32, #tpu.memory_space<vmem>>
    %dma_wait3A_235 = arith.constant 0 : i32
    %dma_wait3A_236 = tpu.memref_slice %arg5[%dma_wait3A_228, %dma_wait3A_229, %dma_wait3A_235] : memref<8x4x100xi32, #tpu.memory_space<vmem>> -> memref<1x1x100xi32, #tpu.memory_space<vmem>>
    %dma_wait3A_237 = tpu.memref_squeeze %dma_wait3A_236 : memref<1x1x100xi32, #tpu.memory_space<vmem>> -> memref<100xi32, #tpu.memory_space<vmem>>
    %dma_wait3A_238 = arith.constant 0 : i32
    %dma_wait3A_239 = arith.constant 0 : i32
    %dma_wait3A_240 = tpu.memref_slice %arg7[%dma_wait3A_238, %dma_wait3A_239] : memref<16x128xf32, #tpu.memory_space<vmem_shared>> -> memref<16x128xf32, #tpu.memory_space<vmem_shared>>
    tpu.wait_indirect_dma semaphore(%arg8 : memref<!tpu.dma_semaphore, #tpu.memory_space<semaphore_mem>>) src(%dma_wait3A_240 : memref<16x128xf32, #tpu.memory_space<vmem_shared>>) dst(%dma_wait3A_234 : memref<100x128xf32, #tpu.memory_space<vmem>>)
    %add3A_241 = arith.constant 1 : i32
    %add3A_242 = arith.addi %select_n3A, %add3A_241 : i32
    %mul3A_243 = arith.constant 400 : i32
    %mul3A_244 = arith.muli %add3A_242, %mul3A_243 : i32
    %add3A_245 = arith.constant 0 : i32
    %add3A_246 = arith.addi %mul3A_244, %add3A_245 : i32
    %dma_start3A_247 = arith.constant 1 : i32
    %dma_start3A_248 = arith.constant 0 : i32
    %dma_start3A_249 = arith.constant 0 : i32
    %dma_start3A_250 = tpu.memref_slice %arg6[%dma_start3A_247, %dma_start3A_248, %dma_start3A_249] : memref<2x400x128xf32, #tpu.memory_space<vmem>> -> memref<1x200x128xf32, #tpu.memory_space<vmem>>
    %dma_start3A_251 = tpu.memref_squeeze %dma_start3A_250 : memref<1x200x128xf32, #tpu.memory_space<vmem>> -> memref<200x128xf32, #tpu.memory_space<vmem>>
    %dma_start3A_252 = arith.constant 0 : i32
    %dma_start3A_253 = tpu.memref_slice %arg4[%add3A_246, %dma_start3A_252] : memref<100000x128xf32, #tpu.memory_space<hbm>> -> memref<200x128xf32, #tpu.memory_space<hbm>>
    %dma_start3A_254 = arith.constant 0 : i32
    %dma_start3A_255 = tpu.memref_slice %arg4[%add3A_246, %dma_start3A_254] : memref<100000x128xf32, #tpu.memory_space<hbm>> -> memref<200x128xf32, #tpu.memory_space<hbm>>
    %dma_start3A_256 = arith.constant 0 : i32
    %dma_start3A_257 = arith.constant 0 : i32
    %dma_start3A_258 = tpu.memref_slice %arg6[%dma_start3A_247, %dma_start3A_256, %dma_start3A_257] : memref<2x400x128xf32, #tpu.memory_space<vmem>> -> memref<1x200x128xf32, #tpu.memory_space<vmem>>
    %dma_start3A_259 = tpu.memref_squeeze %dma_start3A_258 : memref<1x200x128xf32, #tpu.memory_space<vmem>> -> memref<200x128xf32, #tpu.memory_space<vmem>>
    tpu.enqueue_dma source(%dma_start3A_259 : memref<200x128xf32, #tpu.memory_space<vmem>>) target(%dma_start3A_255 : memref<200x128xf32, #tpu.memory_space<hbm>>) target_semaphore(%arg10 : memref<!tpu.dma_semaphore, #tpu.memory_space<semaphore_mem>>)
    %dma_wait3A_260 = arith.constant 1 : i32
    %dma_wait3A_261 = arith.constant 2 : i32
    %dma_wait3A_262 = arith.constant 1 : i32
    %dma_wait3A_263 = arith.constant 200 : i32
    %dma_wait3A_264 = arith.constant 0 : i32
    %dma_wait3A_265 = tpu.memref_slice %arg6[%dma_wait3A_262, %dma_wait3A_263, %dma_wait3A_264] : memref<2x400x128xf32, #tpu.memory_space<vmem>> -> memref<1x100x128xf32, #tpu.memory_space<vmem>>
    %dma_wait3A_266 = tpu.memref_squeeze %dma_wait3A_265 : memref<1x100x128xf32, #tpu.memory_space<vmem>> -> memref<100x128xf32, #tpu.memory_space<vmem>>
    %dma_wait3A_267 = arith.constant 0 : i32
    %dma_wait3A_268 = tpu.memref_slice %arg5[%dma_wait3A_260, %dma_wait3A_261, %dma_wait3A_267] : memref<8x4x100xi32, #tpu.memory_space<vmem>> -> memref<1x1x100xi32, #tpu.memory_space<vmem>>
    %dma_wait3A_269 = tpu.memref_squeeze %dma_wait3A_268 : memref<1x1x100xi32, #tpu.memory_space<vmem>> -> memref<100xi32, #tpu.memory_space<vmem>>
    %dma_wait3A_270 = arith.constant 0 : i32
    %dma_wait3A_271 = arith.constant 0 : i32
    %dma_wait3A_272 = tpu.memref_slice %arg7[%dma_wait3A_270, %dma_wait3A_271] : memref<16x128xf32, #tpu.memory_space<vmem_shared>> -> memref<16x128xf32, #tpu.memory_space<vmem_shared>>
    tpu.wait_indirect_dma semaphore(%arg8 : memref<!tpu.dma_semaphore, #tpu.memory_space<semaphore_mem>>) src(%dma_wait3A_272 : memref<16x128xf32, #tpu.memory_space<vmem_shared>>) dst(%dma_wait3A_266 : memref<100x128xf32, #tpu.memory_space<vmem>>)
    %dma_wait3A_273 = arith.constant 1 : i32
    %dma_wait3A_274 = arith.constant 3 : i32
    %dma_wait3A_275 = arith.constant 1 : i32
    %dma_wait3A_276 = arith.constant 300 : i32
    %dma_wait3A_277 = arith.constant 0 : i32
    %dma_wait3A_278 = tpu.memref_slice %arg6[%dma_wait3A_275, %dma_wait3A_276, %dma_wait3A_277] : memref<2x400x128xf32, #tpu.memory_space<vmem>> -> memref<1x100x128xf32, #tpu.memory_space<vmem>>
    %dma_wait3A_279 = tpu.memref_squeeze %dma_wait3A_278 : memref<1x100x128xf32, #tpu.memory_space<vmem>> -> memref<100x128xf32, #tpu.memory_space<vmem>>
    %dma_wait3A_280 = arith.constant 0 : i32
    %dma_wait3A_281 = tpu.memref_slice %arg5[%dma_wait3A_273, %dma_wait3A_274, %dma_wait3A_280] : memref<8x4x100xi32, #tpu.memory_space<vmem>> -> memref<1x1x100xi32, #tpu.memory_space<vmem>>
    %dma_wait3A_282 = tpu.memref_squeeze %dma_wait3A_281 : memref<1x1x100xi32, #tpu.memory_space<vmem>> -> memref<100xi32, #tpu.memory_space<vmem>>
    %dma_wait3A_283 = arith.constant 0 : i32
    %dma_wait3A_284 = arith.constant 0 : i32
    %dma_wait3A_285 = tpu.memref_slice %arg7[%dma_wait3A_283, %dma_wait3A_284] : memref<16x128xf32, #tpu.memory_space<vmem_shared>> -> memref<16x128xf32, #tpu.memory_space<vmem_shared>>
    tpu.wait_indirect_dma semaphore(%arg8 : memref<!tpu.dma_semaphore, #tpu.memory_space<semaphore_mem>>) src(%dma_wait3A_285 : memref<16x128xf32, #tpu.memory_space<vmem_shared>>) dst(%dma_wait3A_279 : memref<100x128xf32, #tpu.memory_space<vmem>>)
    %add3A_286 = arith.constant 1 : i32
    %add3A_287 = arith.addi %select_n3A, %add3A_286 : i32
    %mul3A_288 = arith.constant 400 : i32
    %mul3A_289 = arith.muli %add3A_287, %mul3A_288 : i32
    %add3A_290 = arith.constant 200 : i32
    %add3A_291 = arith.addi %mul3A_289, %add3A_290 : i32
    %dma_start3A_292 = arith.constant 1 : i32
    %dma_start3A_293 = arith.constant 200 : i32
    %dma_start3A_294 = arith.constant 0 : i32
    %dma_start3A_295 = tpu.memref_slice %arg6[%dma_start3A_292, %dma_start3A_293, %dma_start3A_294] : memref<2x400x128xf32, #tpu.memory_space<vmem>> -> memref<1x200x128xf32, #tpu.memory_space<vmem>>
    %dma_start3A_296 = tpu.memref_squeeze %dma_start3A_295 : memref<1x200x128xf32, #tpu.memory_space<vmem>> -> memref<200x128xf32, #tpu.memory_space<vmem>>
    %dma_start3A_297 = arith.constant 0 : i32
    %dma_start3A_298 = tpu.memref_slice %arg4[%add3A_291, %dma_start3A_297] : memref<100000x128xf32, #tpu.memory_space<hbm>> -> memref<200x128xf32, #tpu.memory_space<hbm>>
    %dma_start3A_299 = arith.constant 0 : i32
    %dma_start3A_300 = tpu.memref_slice %arg4[%add3A_291, %dma_start3A_299] : memref<100000x128xf32, #tpu.memory_space<hbm>> -> memref<200x128xf32, #tpu.memory_space<hbm>>
    %dma_start3A_301 = arith.constant 200 : i32
    %dma_start3A_302 = arith.constant 0 : i32
    %dma_start3A_303 = tpu.memref_slice %arg6[%dma_start3A_292, %dma_start3A_301, %dma_start3A_302] : memref<2x400x128xf32, #tpu.memory_space<vmem>> -> memref<1x200x128xf32, #tpu.memory_space<vmem>>
    %dma_start3A_304 = tpu.memref_squeeze %dma_start3A_303 : memref<1x200x128xf32, #tpu.memory_space<vmem>> -> memref<200x128xf32, #tpu.memory_space<vmem>>
    tpu.enqueue_dma source(%dma_start3A_304 : memref<200x128xf32, #tpu.memory_space<vmem>>) target(%dma_start3A_300 : memref<200x128xf32, #tpu.memory_space<hbm>>) target_semaphore(%arg10 : memref<!tpu.dma_semaphore, #tpu.memory_space<semaphore_mem>>)
    %dma_wait3A_305 = arith.constant 0 : i32
    %dma_wait3A_306 = arith.constant 0 : i32
    %dma_wait3A_307 = arith.constant 0 : i32
    %dma_wait3A_308 = tpu.memref_slice %arg6[%dma_wait3A_305, %dma_wait3A_306, %dma_wait3A_307] : memref<2x400x128xf32, #tpu.memory_space<vmem>> -> memref<1x200x128xf32, #tpu.memory_space<vmem>>
    %dma_wait3A_309 = tpu.memref_squeeze %dma_wait3A_308 : memref<1x200x128xf32, #tpu.memory_space<vmem>> -> memref<200x128xf32, #tpu.memory_space<vmem>>
    %dma_wait3A_310 = arith.constant 0 : i32
    %dma_wait3A_311 = arith.constant 0 : i32
    %dma_wait3A_312 = tpu.memref_slice %arg4[%dma_wait3A_310, %dma_wait3A_311] : memref<100000x128xf32, #tpu.memory_space<hbm>> -> memref<200x128xf32, #tpu.memory_space<hbm>>
    %dma_wait3A_313 = arith.constant 0 : i32
    %dma_wait3A_314 = arith.constant 0 : i32
    %dma_wait3A_315 = tpu.memref_slice %arg4[%dma_wait3A_313, %dma_wait3A_314] : memref<100000x128xf32, #tpu.memory_space<hbm>> -> memref<200x128xf32, #tpu.memory_space<hbm>>
    %dma_wait3A_316 = arith.constant 0 : i32
    %dma_wait3A_317 = arith.constant 0 : i32
    %dma_wait3A_318 = tpu.memref_slice %arg6[%dma_wait3A_305, %dma_wait3A_316, %dma_wait3A_317] : memref<2x400x128xf32, #tpu.memory_space<vmem>> -> memref<1x200x128xf32, #tpu.memory_space<vmem>>
    %dma_wait3A_319 = tpu.memref_squeeze %dma_wait3A_318 : memref<1x200x128xf32, #tpu.memory_space<vmem>> -> memref<200x128xf32, #tpu.memory_space<vmem>>
    tpu.wait_dma2 semaphore(%arg9 : memref<!tpu.dma_semaphore, #tpu.memory_space<semaphore_mem>>) src(%dma_wait3A_319 : memref<200x128xf32, #tpu.memory_space<vmem>>) dst(%dma_wait3A_315 : memref<200x128xf32, #tpu.memory_space<hbm>>)
    %dma_wait3A_320 = arith.constant 0 : i32
    %dma_wait3A_321 = arith.constant 200 : i32
    %dma_wait3A_322 = arith.constant 0 : i32
    %dma_wait3A_323 = tpu.memref_slice %arg6[%dma_wait3A_320, %dma_wait3A_321, %dma_wait3A_322] : memref<2x400x128xf32, #tpu.memory_space<vmem>> -> memref<1x200x128xf32, #tpu.memory_space<vmem>>
    %dma_wait3A_324 = tpu.memref_squeeze %dma_wait3A_323 : memref<1x200x128xf32, #tpu.memory_space<vmem>> -> memref<200x128xf32, #tpu.memory_space<vmem>>
    %dma_wait3A_325 = arith.constant 200 : i32
    %dma_wait3A_326 = arith.constant 0 : i32
    %dma_wait3A_327 = tpu.memref_slice %arg4[%dma_wait3A_325, %dma_wait3A_326] : memref<100000x128xf32, #tpu.memory_space<hbm>> -> memref<200x128xf32, #tpu.memory_space<hbm>>
    %dma_wait3A_328 = arith.constant 200 : i32
    %dma_wait3A_329 = arith.constant 0 : i32
    %dma_wait3A_330 = tpu.memref_slice %arg4[%dma_wait3A_328, %dma_wait3A_329] : memref<100000x128xf32, #tpu.memory_space<hbm>> -> memref<200x128xf32, #tpu.memory_space<hbm>>
    %dma_wait3A_331 = arith.constant 200 : i32
    %dma_wait3A_332 = arith.constant 0 : i32
    %dma_wait3A_333 = tpu.memref_slice %arg6[%dma_wait3A_320, %dma_wait3A_331, %dma_wait3A_332] : memref<2x400x128xf32, #tpu.memory_space<vmem>> -> memref<1x200x128xf32, #tpu.memory_space<vmem>>
    %dma_wait3A_334 = tpu.memref_squeeze %dma_wait3A_333 : memref<1x200x128xf32, #tpu.memory_space<vmem>> -> memref<200x128xf32, #tpu.memory_space<vmem>>
    tpu.wait_dma2 semaphore(%arg9 : memref<!tpu.dma_semaphore, #tpu.memory_space<semaphore_mem>>) src(%dma_wait3A_334 : memref<200x128xf32, #tpu.memory_space<vmem>>) dst(%dma_wait3A_330 : memref<200x128xf32, #tpu.memory_space<hbm>>)
    %dma_start3A_335 = arith.constant 2 : i32
    %dma_start3A_336 = arith.constant 0 : i32
    %dma_start3A_337 = arith.constant 0 : i32
    %dma_start3A_338 = arith.constant 0 : i32
    %dma_start3A_339 = arith.constant 0 : i32
    %dma_start3A_340 = tpu.memref_slice %arg6[%dma_start3A_337, %dma_start3A_338, %dma_start3A_339] : memref<2x400x128xf32, #tpu.memory_space<vmem>> -> memref<1x100x128xf32, #tpu.memory_space<vmem>>
    %dma_start3A_341 = tpu.memref_squeeze %dma_start3A_340 : memref<1x100x128xf32, #tpu.memory_space<vmem>> -> memref<100x128xf32, #tpu.memory_space<vmem>>
    %dma_start3A_342 = arith.constant 0 : i32
    %dma_start3A_343 = tpu.memref_slice %arg5[%dma_start3A_335, %dma_start3A_336, %dma_start3A_342] : memref<8x4x100xi32, #tpu.memory_space<vmem>> -> memref<1x1x100xi32, #tpu.memory_space<vmem>>
    %dma_start3A_344 = tpu.memref_squeeze %dma_start3A_343 : memref<1x1x100xi32, #tpu.memory_space<vmem>> -> memref<100xi32, #tpu.memory_space<vmem>>
    %dma_start3A_345 = arith.constant 0 : i32
    %dma_start3A_346 = arith.constant 0 : i32
    %dma_start3A_347 = tpu.memref_slice %arg7[%dma_start3A_345, %dma_start3A_346] : memref<16x128xf32, #tpu.memory_space<vmem_shared>> -> memref<16x128xf32, #tpu.memory_space<vmem_shared>>
    tpu.enqueue_indirect_dma source(%dma_start3A_347 : memref<16x128xf32, #tpu.memory_space<vmem_shared>>) target(%dma_start3A_341 : memref<100x128xf32, #tpu.memory_space<vmem>>) offsets(%dma_start3A_344 : memref<100xi32, #tpu.memory_space<vmem>>) semaphore(%arg8 : memref<!tpu.dma_semaphore, #tpu.memory_space<semaphore_mem>>)
    %dma_start3A_348 = arith.constant 2 : i32
    %dma_start3A_349 = arith.constant 1 : i32
    %dma_start3A_350 = arith.constant 0 : i32
    %dma_start3A_351 = arith.constant 100 : i32
    %dma_start3A_352 = arith.constant 0 : i32
    %dma_start3A_353 = tpu.memref_slice %arg6[%dma_start3A_350, %dma_start3A_351, %dma_start3A_352] : memref<2x400x128xf32, #tpu.memory_space<vmem>> -> memref<1x100x128xf32, #tpu.memory_space<vmem>>
    %dma_start3A_354 = tpu.memref_squeeze %dma_start3A_353 : memref<1x100x128xf32, #tpu.memory_space<vmem>> -> memref<100x128xf32, #tpu.memory_space<vmem>>
    %dma_start3A_355 = arith.constant 0 : i32
    %dma_start3A_356 = tpu.memref_slice %arg5[%dma_start3A_348, %dma_start3A_349, %dma_start3A_355] : memref<8x4x100xi32, #tpu.memory_space<vmem>> -> memref<1x1x100xi32, #tpu.memory_space<vmem>>
    %dma_start3A_357 = tpu.memref_squeeze %dma_start3A_356 : memref<1x1x100xi32, #tpu.memory_space<vmem>> -> memref<100xi32, #tpu.memory_space<vmem>>
    %dma_start3A_358 = arith.constant 0 : i32
    %dma_start3A_359 = arith.constant 0 : i32
    %dma_start3A_360 = tpu.memref_slice %arg7[%dma_start3A_358, %dma_start3A_359] : memref<16x128xf32, #tpu.memory_space<vmem_shared>> -> memref<16x128xf32, #tpu.memory_space<vmem_shared>>
    tpu.enqueue_indirect_dma source(%dma_start3A_360 : memref<16x128xf32, #tpu.memory_space<vmem_shared>>) target(%dma_start3A_354 : memref<100x128xf32, #tpu.memory_space<vmem>>) offsets(%dma_start3A_357 : memref<100xi32, #tpu.memory_space<vmem>>) semaphore(%arg8 : memref<!tpu.dma_semaphore, #tpu.memory_space<semaphore_mem>>)
    %dma_start3A_361 = arith.constant 2 : i32
    %dma_start3A_362 = arith.constant 2 : i32
    %dma_start3A_363 = arith.constant 0 : i32
    %dma_start3A_364 = arith.constant 200 : i32
    %dma_start3A_365 = arith.constant 0 : i32
    %dma_start3A_366 = tpu.memref_slice %arg6[%dma_start3A_363, %dma_start3A_364, %dma_start3A_365] : memref<2x400x128xf32, #tpu.memory_space<vmem>> -> memref<1x100x128xf32, #tpu.memory_space<vmem>>
    %dma_start3A_367 = tpu.memref_squeeze %dma_start3A_366 : memref<1x100x128xf32, #tpu.memory_space<vmem>> -> memref<100x128xf32, #tpu.memory_space<vmem>>
    %dma_start3A_368 = arith.constant 0 : i32
    %dma_start3A_369 = tpu.memref_slice %arg5[%dma_start3A_361, %dma_start3A_362, %dma_start3A_368] : memref<8x4x100xi32, #tpu.memory_space<vmem>> -> memref<1x1x100xi32, #tpu.memory_space<vmem>>
    %dma_start3A_370 = tpu.memref_squeeze %dma_start3A_369 : memref<1x1x100xi32, #tpu.memory_space<vmem>> -> memref<100xi32, #tpu.memory_space<vmem>>
    %dma_start3A_371 = arith.constant 0 : i32
    %dma_start3A_372 = arith.constant 0 : i32
    %dma_start3A_373 = tpu.memref_slice %arg7[%dma_start3A_371, %dma_start3A_372] : memref<16x128xf32, #tpu.memory_space<vmem_shared>> -> memref<16x128xf32, #tpu.memory_space<vmem_shared>>
    tpu.enqueue_indirect_dma source(%dma_start3A_373 : memref<16x128xf32, #tpu.memory_space<vmem_shared>>) target(%dma_start3A_367 : memref<100x128xf32, #tpu.memory_space<vmem>>) offsets(%dma_start3A_370 : memref<100xi32, #tpu.memory_space<vmem>>) semaphore(%arg8 : memref<!tpu.dma_semaphore, #tpu.memory_space<semaphore_mem>>)
    %dma_start3A_374 = arith.constant 2 : i32
    %dma_start3A_375 = arith.constant 3 : i32
    %dma_start3A_376 = arith.constant 0 : i32
    %dma_start3A_377 = arith.constant 300 : i32
    %dma_start3A_378 = arith.constant 0 : i32
    %dma_start3A_379 = tpu.memref_slice %arg6[%dma_start3A_376, %dma_start3A_377, %dma_start3A_378] : memref<2x400x128xf32, #tpu.memory_space<vmem>> -> memref<1x100x128xf32, #tpu.memory_space<vmem>>
    %dma_start3A_380 = tpu.memref_squeeze %dma_start3A_379 : memref<1x100x128xf32, #tpu.memory_space<vmem>> -> memref<100x128xf32, #tpu.memory_space<vmem>>
    %dma_start3A_381 = arith.constant 0 : i32
    %dma_start3A_382 = tpu.memref_slice %arg5[%dma_start3A_374, %dma_start3A_375, %dma_start3A_381] : memref<8x4x100xi32, #tpu.memory_space<vmem>> -> memref<1x1x100xi32, #tpu.memory_space<vmem>>
    %dma_start3A_383 = tpu.memref_squeeze %dma_start3A_382 : memref<1x1x100xi32, #tpu.memory_space<vmem>> -> memref<100xi32, #tpu.memory_space<vmem>>
    %dma_start3A_384 = arith.constant 0 : i32
    %dma_start3A_385 = arith.constant 0 : i32
    %dma_start3A_386 = tpu.memref_slice %arg7[%dma_start3A_384, %dma_start3A_385] : memref<16x128xf32, #tpu.memory_space<vmem_shared>> -> memref<16x128xf32, #tpu.memory_space<vmem_shared>>
    tpu.enqueue_indirect_dma source(%dma_start3A_386 : memref<16x128xf32, #tpu.memory_space<vmem_shared>>) target(%dma_start3A_380 : memref<100x128xf32, #tpu.memory_space<vmem>>) offsets(%dma_start3A_383 : memref<100xi32, #tpu.memory_space<vmem>>) semaphore(%arg8 : memref<!tpu.dma_semaphore, #tpu.memory_space<semaphore_mem>>)
    %dma_wait3A_387 = arith.constant 2 : i32
    %dma_wait3A_388 = arith.constant 0 : i32
    %dma_wait3A_389 = arith.constant 0 : i32
    %dma_wait3A_390 = arith.constant 0 : i32
    %dma_wait3A_391 = arith.constant 0 : i32
    %dma_wait3A_392 = tpu.memref_slice %arg6[%dma_wait3A_389, %dma_wait3A_390, %dma_wait3A_391] : memref<2x400x128xf32, #tpu.memory_space<vmem>> -> memref<1x100x128xf32, #tpu.memory_space<vmem>>
    %dma_wait3A_393 = tpu.memref_squeeze %dma_wait3A_392 : memref<1x100x128xf32, #tpu.memory_space<vmem>> -> memref<100x128xf32, #tpu.memory_space<vmem>>
    %dma_wait3A_394 = arith.constant 0 : i32
    %dma_wait3A_395 = tpu.memref_slice %arg5[%dma_wait3A_387, %dma_wait3A_388, %dma_wait3A_394] : memref<8x4x100xi32, #tpu.memory_space<vmem>> -> memref<1x1x100xi32, #tpu.memory_space<vmem>>
    %dma_wait3A_396 = tpu.memref_squeeze %dma_wait3A_395 : memref<1x1x100xi32, #tpu.memory_space<vmem>> -> memref<100xi32, #tpu.memory_space<vmem>>
    %dma_wait3A_397 = arith.constant 0 : i32
    %dma_wait3A_398 = arith.constant 0 : i32
    %dma_wait3A_399 = tpu.memref_slice %arg7[%dma_wait3A_397, %dma_wait3A_398] : memref<16x128xf32, #tpu.memory_space<vmem_shared>> -> memref<16x128xf32, #tpu.memory_space<vmem_shared>>
    tpu.wait_indirect_dma semaphore(%arg8 : memref<!tpu.dma_semaphore, #tpu.memory_space<semaphore_mem>>) src(%dma_wait3A_399 : memref<16x128xf32, #tpu.memory_space<vmem_shared>>) dst(%dma_wait3A_393 : memref<100x128xf32, #tpu.memory_space<vmem>>)
    %dma_wait3A_400 = arith.constant 2 : i32
    %dma_wait3A_401 = arith.constant 1 : i32
    %dma_wait3A_402 = arith.constant 0 : i32
    %dma_wait3A_403 = arith.constant 100 : i32
    %dma_wait3A_404 = arith.constant 0 : i32
    %dma_wait3A_405 = tpu.memref_slice %arg6[%dma_wait3A_402, %dma_wait3A_403, %dma_wait3A_404] : memref<2x400x128xf32, #tpu.memory_space<vmem>> -> memref<1x100x128xf32, #tpu.memory_space<vmem>>
    %dma_wait3A_406 = tpu.memref_squeeze %dma_wait3A_405 : memref<1x100x128xf32, #tpu.memory_space<vmem>> -> memref<100x128xf32, #tpu.memory_space<vmem>>
    %dma_wait3A_407 = arith.constant 0 : i32
    %dma_wait3A_408 = tpu.memref_slice %arg5[%dma_wait3A_400, %dma_wait3A_401, %dma_wait3A_407] : memref<8x4x100xi32, #tpu.memory_space<vmem>> -> memref<1x1x100xi32, #tpu.memory_space<vmem>>
    %dma_wait3A_409 = tpu.memref_squeeze %dma_wait3A_408 : memref<1x1x100xi32, #tpu.memory_space<vmem>> -> memref<100xi32, #tpu.memory_space<vmem>>
    %dma_wait3A_410 = arith.constant 0 : i32
    %dma_wait3A_411 = arith.constant 0 : i32
    %dma_wait3A_412 = tpu.memref_slice %arg7[%dma_wait3A_410, %dma_wait3A_411] : memref<16x128xf32, #tpu.memory_space<vmem_shared>> -> memref<16x128xf32, #tpu.memory_space<vmem_shared>>
    tpu.wait_indirect_dma semaphore(%arg8 : memref<!tpu.dma_semaphore, #tpu.memory_space<semaphore_mem>>) src(%dma_wait3A_412 : memref<16x128xf32, #tpu.memory_space<vmem_shared>>) dst(%dma_wait3A_406 : memref<100x128xf32, #tpu.memory_space<vmem>>)
    %add3A_413 = arith.constant 2 : i32
    %add3A_414 = arith.addi %select_n3A, %add3A_413 : i32
    %mul3A_415 = arith.constant 400 : i32
    %mul3A_416 = arith.muli %add3A_414, %mul3A_415 : i32
    %add3A_417 = arith.constant 0 : i32
    %add3A_418 = arith.addi %mul3A_416, %add3A_417 : i32
    %dma_start3A_419 = arith.constant 0 : i32
    %dma_start3A_420 = arith.constant 0 : i32
    %dma_start3A_421 = arith.constant 0 : i32
    %dma_start3A_422 = tpu.memref_slice %arg6[%dma_start3A_419, %dma_start3A_420, %dma_start3A_421] : memref<2x400x128xf32, #tpu.memory_space<vmem>> -> memref<1x200x128xf32, #tpu.memory_space<vmem>>
    %dma_start3A_423 = tpu.memref_squeeze %dma_start3A_422 : memref<1x200x128xf32, #tpu.memory_space<vmem>> -> memref<200x128xf32, #tpu.memory_space<vmem>>
    %dma_start3A_424 = arith.constant 0 : i32
    %dma_start3A_425 = tpu.memref_slice %arg4[%add3A_418, %dma_start3A_424] : memref<100000x128xf32, #tpu.memory_space<hbm>> -> memref<200x128xf32, #tpu.memory_space<hbm>>
    %dma_start3A_426 = arith.constant 0 : i32
    %dma_start3A_427 = tpu.memref_slice %arg4[%add3A_418, %dma_start3A_426] : memref<100000x128xf32, #tpu.memory_space<hbm>> -> memref<200x128xf32, #tpu.memory_space<hbm>>
    %dma_start3A_428 = arith.constant 0 : i32
    %dma_start3A_429 = arith.constant 0 : i32
    %dma_start3A_430 = tpu.memref_slice %arg6[%dma_start3A_419, %dma_start3A_428, %dma_start3A_429] : memref<2x400x128xf32, #tpu.memory_space<vmem>> -> memref<1x200x128xf32, #tpu.memory_space<vmem>>
    %dma_start3A_431 = tpu.memref_squeeze %dma_start3A_430 : memref<1x200x128xf32, #tpu.memory_space<vmem>> -> memref<200x128xf32, #tpu.memory_space<vmem>>
    tpu.enqueue_dma source(%dma_start3A_431 : memref<200x128xf32, #tpu.memory_space<vmem>>) target(%dma_start3A_427 : memref<200x128xf32, #tpu.memory_space<hbm>>) target_semaphore(%arg9 : memref<!tpu.dma_semaphore, #tpu.memory_space<semaphore_mem>>)
    %dma_wait3A_432 = arith.constant 2 : i32
    %dma_wait3A_433 = arith.constant 2 : i32
    %dma_wait3A_434 = arith.constant 0 : i32
    %dma_wait3A_435 = arith.constant 200 : i32
    %dma_wait3A_436 = arith.constant 0 : i32
    %dma_wait3A_437 = tpu.memref_slice %arg6[%dma_wait3A_434, %dma_wait3A_435, %dma_wait3A_436] : memref<2x400x128xf32, #tpu.memory_space<vmem>> -> memref<1x100x128xf32, #tpu.memory_space<vmem>>
    %dma_wait3A_438 = tpu.memref_squeeze %dma_wait3A_437 : memref<1x100x128xf32, #tpu.memory_space<vmem>> -> memref<100x128xf32, #tpu.memory_space<vmem>>
    %dma_wait3A_439 = arith.constant 0 : i32
    %dma_wait3A_440 = tpu.memref_slice %arg5[%dma_wait3A_432, %dma_wait3A_433, %dma_wait3A_439] : memref<8x4x100xi32, #tpu.memory_space<vmem>> -> memref<1x1x100xi32, #tpu.memory_space<vmem>>
    %dma_wait3A_441 = tpu.memref_squeeze %dma_wait3A_440 : memref<1x1x100xi32, #tpu.memory_space<vmem>> -> memref<100xi32, #tpu.memory_space<vmem>>
    %dma_wait3A_442 = arith.constant 0 : i32
    %dma_wait3A_443 = arith.constant 0 : i32
    %dma_wait3A_444 = tpu.memref_slice %arg7[%dma_wait3A_442, %dma_wait3A_443] : memref<16x128xf32, #tpu.memory_space<vmem_shared>> -> memref<16x128xf32, #tpu.memory_space<vmem_shared>>
    tpu.wait_indirect_dma semaphore(%arg8 : memref<!tpu.dma_semaphore, #tpu.memory_space<semaphore_mem>>) src(%dma_wait3A_444 : memref<16x128xf32, #tpu.memory_space<vmem_shared>>) dst(%dma_wait3A_438 : memref<100x128xf32, #tpu.memory_space<vmem>>)
    %dma_wait3A_445 = arith.constant 2 : i32
    %dma_wait3A_446 = arith.constant 3 : i32
    %dma_wait3A_447 = arith.constant 0 : i32
    %dma_wait3A_448 = arith.constant 300 : i32
    %dma_wait3A_449 = arith.constant 0 : i32
    %dma_wait3A_450 = tpu.memref_slice %arg6[%dma_wait3A_447, %dma_wait3A_448, %dma_wait3A_449] : memref<2x400x128xf32, #tpu.memory_space<vmem>> -> memref<1x100x128xf32, #tpu.memory_space<vmem>>
    %dma_wait3A_451 = tpu.memref_squeeze %dma_wait3A_450 : memref<1x100x128xf32, #tpu.memory_space<vmem>> -> memref<100x128xf32, #tpu.memory_space<vmem>>
    %dma_wait3A_452 = arith.constant 0 : i32
    %dma_wait3A_453 = tpu.memref_slice %arg5[%dma_wait3A_445, %dma_wait3A_446, %dma_wait3A_452] : memref<8x4x100xi32, #tpu.memory_space<vmem>> -> memref<1x1x100xi32, #tpu.memory_space<vmem>>
    %dma_wait3A_454 = tpu.memref_squeeze %dma_wait3A_453 : memref<1x1x100xi32, #tpu.memory_space<vmem>> -> memref<100xi32, #tpu.memory_space<vmem>>
    %dma_wait3A_455 = arith.constant 0 : i32
    %dma_wait3A_456 = arith.constant 0 : i32
    %dma_wait3A_457 = tpu.memref_slice %arg7[%dma_wait3A_455, %dma_wait3A_456] : memref<16x128xf32, #tpu.memory_space<vmem_shared>> -> memref<16x128xf32, #tpu.memory_space<vmem_shared>>
    tpu.wait_indirect_dma semaphore(%arg8 : memref<!tpu.dma_semaphore, #tpu.memory_space<semaphore_mem>>) src(%dma_wait3A_457 : memref<16x128xf32, #tpu.memory_space<vmem_shared>>) dst(%dma_wait3A_451 : memref<100x128xf32, #tpu.memory_space<vmem>>)
    %add3A_458 = arith.constant 2 : i32
    %add3A_459 = arith.addi %select_n3A, %add3A_458 : i32
    %mul3A_460 = arith.constant 400 : i32
    %mul3A_461 = arith.muli %add3A_459, %mul3A_460 : i32
    %add3A_462 = arith.constant 200 : i32
    %add3A_463 = arith.addi %mul3A_461, %add3A_462 : i32
    %dma_start3A_464 = arith.constant 0 : i32
    %dma_start3A_465 = arith.constant 200 : i32
    %dma_start3A_466 = arith.constant 0 : i32
    %dma_start3A_467 = tpu.memref_slice %arg6[%dma_start3A_464, %dma_start3A_465, %dma_start3A_466] : memref<2x400x128xf32, #tpu.memory_space<vmem>> -> memref<1x200x128xf32, #tpu.memory_space<vmem>>
    %dma_start3A_468 = tpu.memref_squeeze %dma_start3A_467 : memref<1x200x128xf32, #tpu.memory_space<vmem>> -> memref<200x128xf32, #tpu.memory_space<vmem>>
    %dma_start3A_469 = arith.constant 0 : i32
    %dma_start3A_470 = tpu.memref_slice %arg4[%add3A_463, %dma_start3A_469] : memref<100000x128xf32, #tpu.memory_space<hbm>> -> memref<200x128xf32, #tpu.memory_space<hbm>>
    %dma_start3A_471 = arith.constant 0 : i32
    %dma_start3A_472 = tpu.memref_slice %arg4[%add3A_463, %dma_start3A_471] : memref<100000x128xf32, #tpu.memory_space<hbm>> -> memref<200x128xf32, #tpu.memory_space<hbm>>
    %dma_start3A_473 = arith.constant 200 : i32
    %dma_start3A_474 = arith.constant 0 : i32
    %dma_start3A_475 = tpu.memref_slice %arg6[%dma_start3A_464, %dma_start3A_473, %dma_start3A_474] : memref<2x400x128xf32, #tpu.memory_space<vmem>> -> memref<1x200x128xf32, #tpu.memory_space<vmem>>
    %dma_start3A_476 = tpu.memref_squeeze %dma_start3A_475 : memref<1x200x128xf32, #tpu.memory_space<vmem>> -> memref<200x128xf32, #tpu.memory_space<vmem>>
    tpu.enqueue_dma source(%dma_start3A_476 : memref<200x128xf32, #tpu.memory_space<vmem>>) target(%dma_start3A_472 : memref<200x128xf32, #tpu.memory_space<hbm>>) target_semaphore(%arg9 : memref<!tpu.dma_semaphore, #tpu.memory_space<semaphore_mem>>)
    %dma_wait3A_477 = arith.constant 1 : i32
    %dma_wait3A_478 = arith.constant 0 : i32
    %dma_wait3A_479 = arith.constant 0 : i32
    %dma_wait3A_480 = tpu.memref_slice %arg6[%dma_wait3A_477, %dma_wait3A_478, %dma_wait3A_479] : memref<2x400x128xf32, #tpu.memory_space<vmem>> -> memref<1x200x128xf32, #tpu.memory_space<vmem>>
    %dma_wait3A_481 = tpu.memref_squeeze %dma_wait3A_480 : memref<1x200x128xf32, #tpu.memory_space<vmem>> -> memref<200x128xf32, #tpu.memory_space<vmem>>
    %dma_wait3A_482 = arith.constant 0 : i32
    %dma_wait3A_483 = arith.constant 0 : i32
    %dma_wait3A_484 = tpu.memref_slice %arg4[%dma_wait3A_482, %dma_wait3A_483] : memref<100000x128xf32, #tpu.memory_space<hbm>> -> memref<200x128xf32, #tpu.memory_space<hbm>>
    %dma_wait3A_485 = arith.constant 0 : i32
    %dma_wait3A_486 = arith.constant 0 : i32
    %dma_wait3A_487 = tpu.memref_slice %arg4[%dma_wait3A_485, %dma_wait3A_486] : memref<100000x128xf32, #tpu.memory_space<hbm>> -> memref<200x128xf32, #tpu.memory_space<hbm>>
    %dma_wait3A_488 = arith.constant 0 : i32
    %dma_wait3A_489 = arith.constant 0 : i32
    %dma_wait3A_490 = tpu.memref_slice %arg6[%dma_wait3A_477, %dma_wait3A_488, %dma_wait3A_489] : memref<2x400x128xf32, #tpu.memory_space<vmem>> -> memref<1x200x128xf32, #tpu.memory_space<vmem>>
    %dma_wait3A_491 = tpu.memref_squeeze %dma_wait3A_490 : memref<1x200x128xf32, #tpu.memory_space<vmem>> -> memref<200x128xf32, #tpu.memory_space<vmem>>
    tpu.wait_dma2 semaphore(%arg10 : memref<!tpu.dma_semaphore, #tpu.memory_space<semaphore_mem>>) src(%dma_wait3A_491 : memref<200x128xf32, #tpu.memory_space<vmem>>) dst(%dma_wait3A_487 : memref<200x128xf32, #tpu.memory_space<hbm>>)
    %dma_wait3A_492 = arith.constant 1 : i32
    %dma_wait3A_493 = arith.constant 200 : i32
    %dma_wait3A_494 = arith.constant 0 : i32
    %dma_wait3A_495 = tpu.memref_slice %arg6[%dma_wait3A_492, %dma_wait3A_493, %dma_wait3A_494] : memref<2x400x128xf32, #tpu.memory_space<vmem>> -> memref<1x200x128xf32, #tpu.memory_space<vmem>>
    %dma_wait3A_496 = tpu.memref_squeeze %dma_wait3A_495 : memref<1x200x128xf32, #tpu.memory_space<vmem>> -> memref<200x128xf32, #tpu.memory_space<vmem>>
    %dma_wait3A_497 = arith.constant 200 : i32
    %dma_wait3A_498 = arith.constant 0 : i32
    %dma_wait3A_499 = tpu.memref_slice %arg4[%dma_wait3A_497, %dma_wait3A_498] : memref<100000x128xf32, #tpu.memory_space<hbm>> -> memref<200x128xf32, #tpu.memory_space<hbm>>
    %dma_wait3A_500 = arith.constant 200 : i32
    %dma_wait3A_501 = arith.constant 0 : i32
    %dma_wait3A_502 = tpu.memref_slice %arg4[%dma_wait3A_500, %dma_wait3A_501] : memref<100000x128xf32, #tpu.memory_space<hbm>> -> memref<200x128xf32, #tpu.memory_space<hbm>>
    %dma_wait3A_503 = arith.constant 200 : i32
    %dma_wait3A_504 = arith.constant 0 : i32
    %dma_wait3A_505 = tpu.memref_slice %arg6[%dma_wait3A_492, %dma_wait3A_503, %dma_wait3A_504] : memref<2x400x128xf32, #tpu.memory_space<vmem>> -> memref<1x200x128xf32, #tpu.memory_space<vmem>>
    %dma_wait3A_506 = tpu.memref_squeeze %dma_wait3A_505 : memref<1x200x128xf32, #tpu.memory_space<vmem>> -> memref<200x128xf32, #tpu.memory_space<vmem>>
    tpu.wait_dma2 semaphore(%arg10 : memref<!tpu.dma_semaphore, #tpu.memory_space<semaphore_mem>>) src(%dma_wait3A_506 : memref<200x128xf32, #tpu.memory_space<vmem>>) dst(%dma_wait3A_502 : memref<200x128xf32, #tpu.memory_space<hbm>>)
    %dma_start3A_507 = arith.constant 3 : i32
    %dma_start3A_508 = arith.constant 0 : i32
    %dma_start3A_509 = arith.constant 1 : i32
    %dma_start3A_510 = arith.constant 0 : i32
    %dma_start3A_511 = arith.constant 0 : i32
    %dma_start3A_512 = tpu.memref_slice %arg6[%dma_start3A_509, %dma_start3A_510, %dma_start3A_511] : memref<2x400x128xf32, #tpu.memory_space<vmem>> -> memref<1x100x128xf32, #tpu.memory_space<vmem>>
    %dma_start3A_513 = tpu.memref_squeeze %dma_start3A_512 : memref<1x100x128xf32, #tpu.memory_space<vmem>> -> memref<100x128xf32, #tpu.memory_space<vmem>>
    %dma_start3A_514 = arith.constant 0 : i32
    %dma_start3A_515 = tpu.memref_slice %arg5[%dma_start3A_507, %dma_start3A_508, %dma_start3A_514] : memref<8x4x100xi32, #tpu.memory_space<vmem>> -> memref<1x1x100xi32, #tpu.memory_space<vmem>>
    %dma_start3A_516 = tpu.memref_squeeze %dma_start3A_515 : memref<1x1x100xi32, #tpu.memory_space<vmem>> -> memref<100xi32, #tpu.memory_space<vmem>>
    %dma_start3A_517 = arith.constant 0 : i32
    %dma_start3A_518 = arith.constant 0 : i32
    %dma_start3A_519 = tpu.memref_slice %arg7[%dma_start3A_517, %dma_start3A_518] : memref<16x128xf32, #tpu.memory_space<vmem_shared>> -> memref<16x128xf32, #tpu.memory_space<vmem_shared>>
    tpu.enqueue_indirect_dma source(%dma_start3A_519 : memref<16x128xf32, #tpu.memory_space<vmem_shared>>) target(%dma_start3A_513 : memref<100x128xf32, #tpu.memory_space<vmem>>) offsets(%dma_start3A_516 : memref<100xi32, #tpu.memory_space<vmem>>) semaphore(%arg8 : memref<!tpu.dma_semaphore, #tpu.memory_space<semaphore_mem>>)
    %dma_start3A_520 = arith.constant 3 : i32
    %dma_start3A_521 = arith.constant 1 : i32
    %dma_start3A_522 = arith.constant 1 : i32
    %dma_start3A_523 = arith.constant 100 : i32
    %dma_start3A_524 = arith.constant 0 : i32
    %dma_start3A_525 = tpu.memref_slice %arg6[%dma_start3A_522, %dma_start3A_523, %dma_start3A_524] : memref<2x400x128xf32, #tpu.memory_space<vmem>> -> memref<1x100x128xf32, #tpu.memory_space<vmem>>
    %dma_start3A_526 = tpu.memref_squeeze %dma_start3A_525 : memref<1x100x128xf32, #tpu.memory_space<vmem>> -> memref<100x128xf32, #tpu.memory_space<vmem>>
    %dma_start3A_527 = arith.constant 0 : i32
    %dma_start3A_528 = tpu.memref_slice %arg5[%dma_start3A_520, %dma_start3A_521, %dma_start3A_527] : memref<8x4x100xi32, #tpu.memory_space<vmem>> -> memref<1x1x100xi32, #tpu.memory_space<vmem>>
    %dma_start3A_529 = tpu.memref_squeeze %dma_start3A_528 : memref<1x1x100xi32, #tpu.memory_space<vmem>> -> memref<100xi32, #tpu.memory_space<vmem>>
    %dma_start3A_530 = arith.constant 0 : i32
    %dma_start3A_531 = arith.constant 0 : i32
    %dma_start3A_532 = tpu.memref_slice %arg7[%dma_start3A_530, %dma_start3A_531] : memref<16x128xf32, #tpu.memory_space<vmem_shared>> -> memref<16x128xf32, #tpu.memory_space<vmem_shared>>
    tpu.enqueue_indirect_dma source(%dma_start3A_532 : memref<16x128xf32, #tpu.memory_space<vmem_shared>>) target(%dma_start3A_526 : memref<100x128xf32, #tpu.memory_space<vmem>>) offsets(%dma_start3A_529 : memref<100xi32, #tpu.memory_space<vmem>>) semaphore(%arg8 : memref<!tpu.dma_semaphore, #tpu.memory_space<semaphore_mem>>)
    %dma_start3A_533 = arith.constant 3 : i32
    %dma_start3A_534 = arith.constant 2 : i32
    %dma_start3A_535 = arith.constant 1 : i32
    %dma_start3A_536 = arith.constant 200 : i32
    %dma_start3A_537 = arith.constant 0 : i32
    %dma_start3A_538 = tpu.memref_slice %arg6[%dma_start3A_535, %dma_start3A_536, %dma_start3A_537] : memref<2x400x128xf32, #tpu.memory_space<vmem>> -> memref<1x100x128xf32, #tpu.memory_space<vmem>>
    %dma_start3A_539 = tpu.memref_squeeze %dma_start3A_538 : memref<1x100x128xf32, #tpu.memory_space<vmem>> -> memref<100x128xf32, #tpu.memory_space<vmem>>
    %dma_start3A_540 = arith.constant 0 : i32
    %dma_start3A_541 = tpu.memref_slice %arg5[%dma_start3A_533, %dma_start3A_534, %dma_start3A_540] : memref<8x4x100xi32, #tpu.memory_space<vmem>> -> memref<1x1x100xi32, #tpu.memory_space<vmem>>
    %dma_start3A_542 = tpu.memref_squeeze %dma_start3A_541 : memref<1x1x100xi32, #tpu.memory_space<vmem>> -> memref<100xi32, #tpu.memory_space<vmem>>
    %dma_start3A_543 = arith.constant 0 : i32
    %dma_start3A_544 = arith.constant 0 : i32
    %dma_start3A_545 = tpu.memref_slice %arg7[%dma_start3A_543, %dma_start3A_544] : memref<16x128xf32, #tpu.memory_space<vmem_shared>> -> memref<16x128xf32, #tpu.memory_space<vmem_shared>>
    tpu.enqueue_indirect_dma source(%dma_start3A_545 : memref<16x128xf32, #tpu.memory_space<vmem_shared>>) target(%dma_start3A_539 : memref<100x128xf32, #tpu.memory_space<vmem>>) offsets(%dma_start3A_542 : memref<100xi32, #tpu.memory_space<vmem>>) semaphore(%arg8 : memref<!tpu.dma_semaphore, #tpu.memory_space<semaphore_mem>>)
    %dma_start3A_546 = arith.constant 3 : i32
    %dma_start3A_547 = arith.constant 3 : i32
    %dma_start3A_548 = arith.constant 1 : i32
    %dma_start3A_549 = arith.constant 300 : i32
    %dma_start3A_550 = arith.constant 0 : i32
    %dma_start3A_551 = tpu.memref_slice %arg6[%dma_start3A_548, %dma_start3A_549, %dma_start3A_550] : memref<2x400x128xf32, #tpu.memory_space<vmem>> -> memref<1x100x128xf32, #tpu.memory_space<vmem>>
    %dma_start3A_552 = tpu.memref_squeeze %dma_start3A_551 : memref<1x100x128xf32, #tpu.memory_space<vmem>> -> memref<100x128xf32, #tpu.memory_space<vmem>>
    %dma_start3A_553 = arith.constant 0 : i32
    %dma_start3A_554 = tpu.memref_slice %arg5[%dma_start3A_546, %dma_start3A_547, %dma_start3A_553] : memref<8x4x100xi32, #tpu.memory_space<vmem>> -> memref<1x1x100xi32, #tpu.memory_space<vmem>>
    %dma_start3A_555 = tpu.memref_squeeze %dma_start3A_554 : memref<1x1x100xi32, #tpu.memory_space<vmem>> -> memref<100xi32, #tpu.memory_space<vmem>>
    %dma_start3A_556 = arith.constant 0 : i32
    %dma_start3A_557 = arith.constant 0 : i32
    %dma_start3A_558 = tpu.memref_slice %arg7[%dma_start3A_556, %dma_start3A_557] : memref<16x128xf32, #tpu.memory_space<vmem_shared>> -> memref<16x128xf32, #tpu.memory_space<vmem_shared>>
    tpu.enqueue_indirect_dma source(%dma_start3A_558 : memref<16x128xf32, #tpu.memory_space<vmem_shared>>) target(%dma_start3A_552 : memref<100x128xf32, #tpu.memory_space<vmem>>) offsets(%dma_start3A_555 : memref<100xi32, #tpu.memory_space<vmem>>) semaphore(%arg8 : memref<!tpu.dma_semaphore, #tpu.memory_space<semaphore_mem>>)
    %dma_wait3A_559 = arith.constant 3 : i32
    %dma_wait3A_560 = arith.constant 0 : i32
    %dma_wait3A_561 = arith.constant 1 : i32
    %dma_wait3A_562 = arith.constant 0 : i32
    %dma_wait3A_563 = arith.constant 0 : i32
    %dma_wait3A_564 = tpu.memref_slice %arg6[%dma_wait3A_561, %dma_wait3A_562, %dma_wait3A_563] : memref<2x400x128xf32, #tpu.memory_space<vmem>> -> memref<1x100x128xf32, #tpu.memory_space<vmem>>
    %dma_wait3A_565 = tpu.memref_squeeze %dma_wait3A_564 : memref<1x100x128xf32, #tpu.memory_space<vmem>> -> memref<100x128xf32, #tpu.memory_space<vmem>>
    %dma_wait3A_566 = arith.constant 0 : i32
    %dma_wait3A_567 = tpu.memref_slice %arg5[%dma_wait3A_559, %dma_wait3A_560, %dma_wait3A_566] : memref<8x4x100xi32, #tpu.memory_space<vmem>> -> memref<1x1x100xi32, #tpu.memory_space<vmem>>
    %dma_wait3A_568 = tpu.memref_squeeze %dma_wait3A_567 : memref<1x1x100xi32, #tpu.memory_space<vmem>> -> memref<100xi32, #tpu.memory_space<vmem>>
    %dma_wait3A_569 = arith.constant 0 : i32
    %dma_wait3A_570 = arith.constant 0 : i32
    %dma_wait3A_571 = tpu.memref_slice %arg7[%dma_wait3A_569, %dma_wait3A_570] : memref<16x128xf32, #tpu.memory_space<vmem_shared>> -> memref<16x128xf32, #tpu.memory_space<vmem_shared>>
    tpu.wait_indirect_dma semaphore(%arg8 : memref<!tpu.dma_semaphore, #tpu.memory_space<semaphore_mem>>) src(%dma_wait3A_571 : memref<16x128xf32, #tpu.memory_space<vmem_shared>>) dst(%dma_wait3A_565 : memref<100x128xf32, #tpu.memory_space<vmem>>)
    %dma_wait3A_572 = arith.constant 3 : i32
    %dma_wait3A_573 = arith.constant 1 : i32
    %dma_wait3A_574 = arith.constant 1 : i32
    %dma_wait3A_575 = arith.constant 100 : i32
    %dma_wait3A_576 = arith.constant 0 : i32
    %dma_wait3A_577 = tpu.memref_slice %arg6[%dma_wait3A_574, %dma_wait3A_575, %dma_wait3A_576] : memref<2x400x128xf32, #tpu.memory_space<vmem>> -> memref<1x100x128xf32, #tpu.memory_space<vmem>>
    %dma_wait3A_578 = tpu.memref_squeeze %dma_wait3A_577 : memref<1x100x128xf32, #tpu.memory_space<vmem>> -> memref<100x128xf32, #tpu.memory_space<vmem>>
    %dma_wait3A_579 = arith.constant 0 : i32
    %dma_wait3A_580 = tpu.memref_slice %arg5[%dma_wait3A_572, %dma_wait3A_573, %dma_wait3A_579] : memref<8x4x100xi32, #tpu.memory_space<vmem>> -> memref<1x1x100xi32, #tpu.memory_space<vmem>>
    %dma_wait3A_581 = tpu.memref_squeeze %dma_wait3A_580 : memref<1x1x100xi32, #tpu.memory_space<vmem>> -> memref<100xi32, #tpu.memory_space<vmem>>
    %dma_wait3A_582 = arith.constant 0 : i32
    %dma_wait3A_583 = arith.constant 0 : i32
    %dma_wait3A_584 = tpu.memref_slice %arg7[%dma_wait3A_582, %dma_wait3A_583] : memref<16x128xf32, #tpu.memory_space<vmem_shared>> -> memref<16x128xf32, #tpu.memory_space<vmem_shared>>
    tpu.wait_indirect_dma semaphore(%arg8 : memref<!tpu.dma_semaphore, #tpu.memory_space<semaphore_mem>>) src(%dma_wait3A_584 : memref<16x128xf32, #tpu.memory_space<vmem_shared>>) dst(%dma_wait3A_578 : memref<100x128xf32, #tpu.memory_space<vmem>>)
    %add3A_585 = arith.constant 3 : i32
    %add3A_586 = arith.addi %select_n3A, %add3A_585 : i32
    %mul3A_587 = arith.constant 400 : i32
    %mul3A_588 = arith.muli %add3A_586, %mul3A_587 : i32
    %add3A_589 = arith.constant 0 : i32
    %add3A_590 = arith.addi %mul3A_588, %add3A_589 : i32
    %dma_start3A_591 = arith.constant 1 : i32
    %dma_start3A_592 = arith.constant 0 : i32
    %dma_start3A_593 = arith.constant 0 : i32
    %dma_start3A_594 = tpu.memref_slice %arg6[%dma_start3A_591, %dma_start3A_592, %dma_start3A_593] : memref<2x400x128xf32, #tpu.memory_space<vmem>> -> memref<1x200x128xf32, #tpu.memory_space<vmem>>
    %dma_start3A_595 = tpu.memref_squeeze %dma_start3A_594 : memref<1x200x128xf32, #tpu.memory_space<vmem>> -> memref<200x128xf32, #tpu.memory_space<vmem>>
    %dma_start3A_596 = arith.constant 0 : i32
    %dma_start3A_597 = tpu.memref_slice %arg4[%add3A_590, %dma_start3A_596] : memref<100000x128xf32, #tpu.memory_space<hbm>> -> memref<200x128xf32, #tpu.memory_space<hbm>>
    %dma_start3A_598 = arith.constant 0 : i32
    %dma_start3A_599 = tpu.memref_slice %arg4[%add3A_590, %dma_start3A_598] : memref<100000x128xf32, #tpu.memory_space<hbm>> -> memref<200x128xf32, #tpu.memory_space<hbm>>
    %dma_start3A_600 = arith.constant 0 : i32
    %dma_start3A_601 = arith.constant 0 : i32
    %dma_start3A_602 = tpu.memref_slice %arg6[%dma_start3A_591, %dma_start3A_600, %dma_start3A_601] : memref<2x400x128xf32, #tpu.memory_space<vmem>> -> memref<1x200x128xf32, #tpu.memory_space<vmem>>
    %dma_start3A_603 = tpu.memref_squeeze %dma_start3A_602 : memref<1x200x128xf32, #tpu.memory_space<vmem>> -> memref<200x128xf32, #tpu.memory_space<vmem>>
    tpu.enqueue_dma source(%dma_start3A_603 : memref<200x128xf32, #tpu.memory_space<vmem>>) target(%dma_start3A_599 : memref<200x128xf32, #tpu.memory_space<hbm>>) target_semaphore(%arg10 : memref<!tpu.dma_semaphore, #tpu.memory_space<semaphore_mem>>)
    %dma_wait3A_604 = arith.constant 3 : i32
    %dma_wait3A_605 = arith.constant 2 : i32
    %dma_wait3A_606 = arith.constant 1 : i32
    %dma_wait3A_607 = arith.constant 200 : i32
    %dma_wait3A_608 = arith.constant 0 : i32
    %dma_wait3A_609 = tpu.memref_slice %arg6[%dma_wait3A_606, %dma_wait3A_607, %dma_wait3A_608] : memref<2x400x128xf32, #tpu.memory_space<vmem>> -> memref<1x100x128xf32, #tpu.memory_space<vmem>>
    %dma_wait3A_610 = tpu.memref_squeeze %dma_wait3A_609 : memref<1x100x128xf32, #tpu.memory_space<vmem>> -> memref<100x128xf32, #tpu.memory_space<vmem>>
    %dma_wait3A_611 = arith.constant 0 : i32
    %dma_wait3A_612 = tpu.memref_slice %arg5[%dma_wait3A_604, %dma_wait3A_605, %dma_wait3A_611] : memref<8x4x100xi32, #tpu.memory_space<vmem>> -> memref<1x1x100xi32, #tpu.memory_space<vmem>>
    %dma_wait3A_613 = tpu.memref_squeeze %dma_wait3A_612 : memref<1x1x100xi32, #tpu.memory_space<vmem>> -> memref<100xi32, #tpu.memory_space<vmem>>
    %dma_wait3A_614 = arith.constant 0 : i32
    %dma_wait3A_615 = arith.constant 0 : i32
    %dma_wait3A_616 = tpu.memref_slice %arg7[%dma_wait3A_614, %dma_wait3A_615] : memref<16x128xf32, #tpu.memory_space<vmem_shared>> -> memref<16x128xf32, #tpu.memory_space<vmem_shared>>
    tpu.wait_indirect_dma semaphore(%arg8 : memref<!tpu.dma_semaphore, #tpu.memory_space<semaphore_mem>>) src(%dma_wait3A_616 : memref<16x128xf32, #tpu.memory_space<vmem_shared>>) dst(%dma_wait3A_610 : memref<100x128xf32, #tpu.memory_space<vmem>>)
    %dma_wait3A_617 = arith.constant 3 : i32
    %dma_wait3A_618 = arith.constant 3 : i32
    %dma_wait3A_619 = arith.constant 1 : i32
    %dma_wait3A_620 = arith.constant 300 : i32
    %dma_wait3A_621 = arith.constant 0 : i32
    %dma_wait3A_622 = tpu.memref_slice %arg6[%dma_wait3A_619, %dma_wait3A_620, %dma_wait3A_621] : memref<2x400x128xf32, #tpu.memory_space<vmem>> -> memref<1x100x128xf32, #tpu.memory_space<vmem>>
    %dma_wait3A_623 = tpu.memref_squeeze %dma_wait3A_622 : memref<1x100x128xf32, #tpu.memory_space<vmem>> -> memref<100x128xf32, #tpu.memory_space<vmem>>
    %dma_wait3A_624 = arith.constant 0 : i32
    %dma_wait3A_625 = tpu.memref_slice %arg5[%dma_wait3A_617, %dma_wait3A_618, %dma_wait3A_624] : memref<8x4x100xi32, #tpu.memory_space<vmem>> -> memref<1x1x100xi32, #tpu.memory_space<vmem>>
    %dma_wait3A_626 = tpu.memref_squeeze %dma_wait3A_625 : memref<1x1x100xi32, #tpu.memory_space<vmem>> -> memref<100xi32, #tpu.memory_space<vmem>>
    %dma_wait3A_627 = arith.constant 0 : i32
    %dma_wait3A_628 = arith.constant 0 : i32
    %dma_wait3A_629 = tpu.memref_slice %arg7[%dma_wait3A_627, %dma_wait3A_628] : memref<16x128xf32, #tpu.memory_space<vmem_shared>> -> memref<16x128xf32, #tpu.memory_space<vmem_shared>>
    tpu.wait_indirect_dma semaphore(%arg8 : memref<!tpu.dma_semaphore, #tpu.memory_space<semaphore_mem>>) src(%dma_wait3A_629 : memref<16x128xf32, #tpu.memory_space<vmem_shared>>) dst(%dma_wait3A_623 : memref<100x128xf32, #tpu.memory_space<vmem>>)
    %add3A_630 = arith.constant 3 : i32
    %add3A_631 = arith.addi %select_n3A, %add3A_630 : i32
    %mul3A_632 = arith.constant 400 : i32
    %mul3A_633 = arith.muli %add3A_631, %mul3A_632 : i32
    %add3A_634 = arith.constant 200 : i32
    %add3A_635 = arith.addi %mul3A_633, %add3A_634 : i32
    %dma_start3A_636 = arith.constant 1 : i32
    %dma_start3A_637 = arith.constant 200 : i32
    %dma_start3A_638 = arith.constant 0 : i32
    %dma_start3A_639 = tpu.memref_slice %arg6[%dma_start3A_636, %dma_start3A_637, %dma_start3A_638] : memref<2x400x128xf32, #tpu.memory_space<vmem>> -> memref<1x200x128xf32, #tpu.memory_space<vmem>>
    %dma_start3A_640 = tpu.memref_squeeze %dma_start3A_639 : memref<1x200x128xf32, #tpu.memory_space<vmem>> -> memref<200x128xf32, #tpu.memory_space<vmem>>
    %dma_start3A_641 = arith.constant 0 : i32
    %dma_start3A_642 = tpu.memref_slice %arg4[%add3A_635, %dma_start3A_641] : memref<100000x128xf32, #tpu.memory_space<hbm>> -> memref<200x128xf32, #tpu.memory_space<hbm>>
    %dma_start3A_643 = arith.constant 0 : i32
    %dma_start3A_644 = tpu.memref_slice %arg4[%add3A_635, %dma_start3A_643] : memref<100000x128xf32, #tpu.memory_space<hbm>> -> memref<200x128xf32, #tpu.memory_space<hbm>>
    %dma_start3A_645 = arith.constant 200 : i32
    %dma_start3A_646 = arith.constant 0 : i32
    %dma_start3A_647 = tpu.memref_slice %arg6[%dma_start3A_636, %dma_start3A_645, %dma_start3A_646] : memref<2x400x128xf32, #tpu.memory_space<vmem>> -> memref<1x200x128xf32, #tpu.memory_space<vmem>>
    %dma_start3A_648 = tpu.memref_squeeze %dma_start3A_647 : memref<1x200x128xf32, #tpu.memory_space<vmem>> -> memref<200x128xf32, #tpu.memory_space<vmem>>
    tpu.enqueue_dma source(%dma_start3A_648 : memref<200x128xf32, #tpu.memory_space<vmem>>) target(%dma_start3A_644 : memref<200x128xf32, #tpu.memory_space<hbm>>) target_semaphore(%arg10 : memref<!tpu.dma_semaphore, #tpu.memory_space<semaphore_mem>>)
    %dma_wait3A_649 = arith.constant 0 : i32
    %dma_wait3A_650 = arith.constant 0 : i32
    %dma_wait3A_651 = arith.constant 0 : i32
    %dma_wait3A_652 = tpu.memref_slice %arg6[%dma_wait3A_649, %dma_wait3A_650, %dma_wait3A_651] : memref<2x400x128xf32, #tpu.memory_space<vmem>> -> memref<1x200x128xf32, #tpu.memory_space<vmem>>
    %dma_wait3A_653 = tpu.memref_squeeze %dma_wait3A_652 : memref<1x200x128xf32, #tpu.memory_space<vmem>> -> memref<200x128xf32, #tpu.memory_space<vmem>>
    %dma_wait3A_654 = arith.constant 0 : i32
    %dma_wait3A_655 = arith.constant 0 : i32
    %dma_wait3A_656 = tpu.memref_slice %arg4[%dma_wait3A_654, %dma_wait3A_655] : memref<100000x128xf32, #tpu.memory_space<hbm>> -> memref<200x128xf32, #tpu.memory_space<hbm>>
    %dma_wait3A_657 = arith.constant 0 : i32
    %dma_wait3A_658 = arith.constant 0 : i32
    %dma_wait3A_659 = tpu.memref_slice %arg4[%dma_wait3A_657, %dma_wait3A_658] : memref<100000x128xf32, #tpu.memory_space<hbm>> -> memref<200x128xf32, #tpu.memory_space<hbm>>
    %dma_wait3A_660 = arith.constant 0 : i32
    %dma_wait3A_661 = arith.constant 0 : i32
    %dma_wait3A_662 = tpu.memref_slice %arg6[%dma_wait3A_649, %dma_wait3A_660, %dma_wait3A_661] : memref<2x400x128xf32, #tpu.memory_space<vmem>> -> memref<1x200x128xf32, #tpu.memory_space<vmem>>
    %dma_wait3A_663 = tpu.memref_squeeze %dma_wait3A_662 : memref<1x200x128xf32, #tpu.memory_space<vmem>> -> memref<200x128xf32, #tpu.memory_space<vmem>>
    tpu.wait_dma2 semaphore(%arg9 : memref<!tpu.dma_semaphore, #tpu.memory_space<semaphore_mem>>) src(%dma_wait3A_663 : memref<200x128xf32, #tpu.memory_space<vmem>>) dst(%dma_wait3A_659 : memref<200x128xf32, #tpu.memory_space<hbm>>)
    %dma_wait3A_664 = arith.constant 0 : i32
    %dma_wait3A_665 = arith.constant 200 : i32
    %dma_wait3A_666 = arith.constant 0 : i32
    %dma_wait3A_667 = tpu.memref_slice %arg6[%dma_wait3A_664, %dma_wait3A_665, %dma_wait3A_666] : memref<2x400x128xf32, #tpu.memory_space<vmem>> -> memref<1x200x128xf32, #tpu.memory_space<vmem>>
    %dma_wait3A_668 = tpu.memref_squeeze %dma_wait3A_667 : memref<1x200x128xf32, #tpu.memory_space<vmem>> -> memref<200x128xf32, #tpu.memory_space<vmem>>
    %dma_wait3A_669 = arith.constant 200 : i32
    %dma_wait3A_670 = arith.constant 0 : i32
    %dma_wait3A_671 = tpu.memref_slice %arg4[%dma_wait3A_669, %dma_wait3A_670] : memref<100000x128xf32, #tpu.memory_space<hbm>> -> memref<200x128xf32, #tpu.memory_space<hbm>>
    %dma_wait3A_672 = arith.constant 200 : i32
    %dma_wait3A_673 = arith.constant 0 : i32
    %dma_wait3A_674 = tpu.memref_slice %arg4[%dma_wait3A_672, %dma_wait3A_673] : memref<100000x128xf32, #tpu.memory_space<hbm>> -> memref<200x128xf32, #tpu.memory_space<hbm>>
    %dma_wait3A_675 = arith.constant 200 : i32
    %dma_wait3A_676 = arith.constant 0 : i32
    %dma_wait3A_677 = tpu.memref_slice %arg6[%dma_wait3A_664, %dma_wait3A_675, %dma_wait3A_676] : memref<2x400x128xf32, #tpu.memory_space<vmem>> -> memref<1x200x128xf32, #tpu.memory_space<vmem>>
    %dma_wait3A_678 = tpu.memref_squeeze %dma_wait3A_677 : memref<1x200x128xf32, #tpu.memory_space<vmem>> -> memref<200x128xf32, #tpu.memory_space<vmem>>
    tpu.wait_dma2 semaphore(%arg9 : memref<!tpu.dma_semaphore, #tpu.memory_space<semaphore_mem>>) src(%dma_wait3A_678 : memref<200x128xf32, #tpu.memory_space<vmem>>) dst(%dma_wait3A_674 : memref<200x128xf32, #tpu.memory_space<hbm>>)
    %dma_start3A_679 = arith.constant 4 : i32
    %dma_start3A_680 = arith.constant 0 : i32
    %dma_start3A_681 = arith.constant 0 : i32
    %dma_start3A_682 = arith.constant 0 : i32
    %dma_start3A_683 = arith.constant 0 : i32
    %dma_start3A_684 = tpu.memref_slice %arg6[%dma_start3A_681, %dma_start3A_682, %dma_start3A_683] : memref<2x400x128xf32, #tpu.memory_space<vmem>> -> memref<1x100x128xf32, #tpu.memory_space<vmem>>
    %dma_start3A_685 = tpu.memref_squeeze %dma_start3A_684 : memref<1x100x128xf32, #tpu.memory_space<vmem>> -> memref<100x128xf32, #tpu.memory_space<vmem>>
    %dma_start3A_686 = arith.constant 0 : i32
    %dma_start3A_687 = tpu.memref_slice %arg5[%dma_start3A_679, %dma_start3A_680, %dma_start3A_686] : memref<8x4x100xi32, #tpu.memory_space<vmem>> -> memref<1x1x100xi32, #tpu.memory_space<vmem>>
    %dma_start3A_688 = tpu.memref_squeeze %dma_start3A_687 : memref<1x1x100xi32, #tpu.memory_space<vmem>> -> memref<100xi32, #tpu.memory_space<vmem>>
    %dma_start3A_689 = arith.constant 0 : i32
    %dma_start3A_690 = arith.constant 0 : i32
    %dma_start3A_691 = tpu.memref_slice %arg7[%dma_start3A_689, %dma_start3A_690] : memref<16x128xf32, #tpu.memory_space<vmem_shared>> -> memref<16x128xf32, #tpu.memory_space<vmem_shared>>
    tpu.enqueue_indirect_dma source(%dma_start3A_691 : memref<16x128xf32, #tpu.memory_space<vmem_shared>>) target(%dma_start3A_685 : memref<100x128xf32, #tpu.memory_space<vmem>>) offsets(%dma_start3A_688 : memref<100xi32, #tpu.memory_space<vmem>>) semaphore(%arg8 : memref<!tpu.dma_semaphore, #tpu.memory_space<semaphore_mem>>)
    %dma_start3A_692 = arith.constant 4 : i32
    %dma_start3A_693 = arith.constant 1 : i32
    %dma_start3A_694 = arith.constant 0 : i32
    %dma_start3A_695 = arith.constant 100 : i32
    %dma_start3A_696 = arith.constant 0 : i32
    %dma_start3A_697 = tpu.memref_slice %arg6[%dma_start3A_694, %dma_start3A_695, %dma_start3A_696] : memref<2x400x128xf32, #tpu.memory_space<vmem>> -> memref<1x100x128xf32, #tpu.memory_space<vmem>>
    %dma_start3A_698 = tpu.memref_squeeze %dma_start3A_697 : memref<1x100x128xf32, #tpu.memory_space<vmem>> -> memref<100x128xf32, #tpu.memory_space<vmem>>
    %dma_start3A_699 = arith.constant 0 : i32
    %dma_start3A_700 = tpu.memref_slice %arg5[%dma_start3A_692, %dma_start3A_693, %dma_start3A_699] : memref<8x4x100xi32, #tpu.memory_space<vmem>> -> memref<1x1x100xi32, #tpu.memory_space<vmem>>
    %dma_start3A_701 = tpu.memref_squeeze %dma_start3A_700 : memref<1x1x100xi32, #tpu.memory_space<vmem>> -> memref<100xi32, #tpu.memory_space<vmem>>
    %dma_start3A_702 = arith.constant 0 : i32
    %dma_start3A_703 = arith.constant 0 : i32
    %dma_start3A_704 = tpu.memref_slice %arg7[%dma_start3A_702, %dma_start3A_703] : memref<16x128xf32, #tpu.memory_space<vmem_shared>> -> memref<16x128xf32, #tpu.memory_space<vmem_shared>>
    tpu.enqueue_indirect_dma source(%dma_start3A_704 : memref<16x128xf32, #tpu.memory_space<vmem_shared>>) target(%dma_start3A_698 : memref<100x128xf32, #tpu.memory_space<vmem>>) offsets(%dma_start3A_701 : memref<100xi32, #tpu.memory_space<vmem>>) semaphore(%arg8 : memref<!tpu.dma_semaphore, #tpu.memory_space<semaphore_mem>>)
    %dma_start3A_705 = arith.constant 4 : i32
    %dma_start3A_706 = arith.constant 2 : i32
    %dma_start3A_707 = arith.constant 0 : i32
    %dma_start3A_708 = arith.constant 200 : i32
    %dma_start3A_709 = arith.constant 0 : i32
    %dma_start3A_710 = tpu.memref_slice %arg6[%dma_start3A_707, %dma_start3A_708, %dma_start3A_709] : memref<2x400x128xf32, #tpu.memory_space<vmem>> -> memref<1x100x128xf32, #tpu.memory_space<vmem>>
    %dma_start3A_711 = tpu.memref_squeeze %dma_start3A_710 : memref<1x100x128xf32, #tpu.memory_space<vmem>> -> memref<100x128xf32, #tpu.memory_space<vmem>>
    %dma_start3A_712 = arith.constant 0 : i32
    %dma_start3A_713 = tpu.memref_slice %arg5[%dma_start3A_705, %dma_start3A_706, %dma_start3A_712] : memref<8x4x100xi32, #tpu.memory_space<vmem>> -> memref<1x1x100xi32, #tpu.memory_space<vmem>>
    %dma_start3A_714 = tpu.memref_squeeze %dma_start3A_713 : memref<1x1x100xi32, #tpu.memory_space<vmem>> -> memref<100xi32, #tpu.memory_space<vmem>>
    %dma_start3A_715 = arith.constant 0 : i32
    %dma_start3A_716 = arith.constant 0 : i32
    %dma_start3A_717 = tpu.memref_slice %arg7[%dma_start3A_715, %dma_start3A_716] : memref<16x128xf32, #tpu.memory_space<vmem_shared>> -> memref<16x128xf32, #tpu.memory_space<vmem_shared>>
    tpu.enqueue_indirect_dma source(%dma_start3A_717 : memref<16x128xf32, #tpu.memory_space<vmem_shared>>) target(%dma_start3A_711 : memref<100x128xf32, #tpu.memory_space<vmem>>) offsets(%dma_start3A_714 : memref<100xi32, #tpu.memory_space<vmem>>) semaphore(%arg8 : memref<!tpu.dma_semaphore, #tpu.memory_space<semaphore_mem>>)
    %dma_start3A_718 = arith.constant 4 : i32
    %dma_start3A_719 = arith.constant 3 : i32
    %dma_start3A_720 = arith.constant 0 : i32
    %dma_start3A_721 = arith.constant 300 : i32
    %dma_start3A_722 = arith.constant 0 : i32
    %dma_start3A_723 = tpu.memref_slice %arg6[%dma_start3A_720, %dma_start3A_721, %dma_start3A_722] : memref<2x400x128xf32, #tpu.memory_space<vmem>> -> memref<1x100x128xf32, #tpu.memory_space<vmem>>
    %dma_start3A_724 = tpu.memref_squeeze %dma_start3A_723 : memref<1x100x128xf32, #tpu.memory_space<vmem>> -> memref<100x128xf32, #tpu.memory_space<vmem>>
    %dma_start3A_725 = arith.constant 0 : i32
    %dma_start3A_726 = tpu.memref_slice %arg5[%dma_start3A_718, %dma_start3A_719, %dma_start3A_725] : memref<8x4x100xi32, #tpu.memory_space<vmem>> -> memref<1x1x100xi32, #tpu.memory_space<vmem>>
    %dma_start3A_727 = tpu.memref_squeeze %dma_start3A_726 : memref<1x1x100xi32, #tpu.memory_space<vmem>> -> memref<100xi32, #tpu.memory_space<vmem>>
    %dma_start3A_728 = arith.constant 0 : i32
    %dma_start3A_729 = arith.constant 0 : i32
    %dma_start3A_730 = tpu.memref_slice %arg7[%dma_start3A_728, %dma_start3A_729] : memref<16x128xf32, #tpu.memory_space<vmem_shared>> -> memref<16x128xf32, #tpu.memory_space<vmem_shared>>
    tpu.enqueue_indirect_dma source(%dma_start3A_730 : memref<16x128xf32, #tpu.memory_space<vmem_shared>>) target(%dma_start3A_724 : memref<100x128xf32, #tpu.memory_space<vmem>>) offsets(%dma_start3A_727 : memref<100xi32, #tpu.memory_space<vmem>>) semaphore(%arg8 : memref<!tpu.dma_semaphore, #tpu.memory_space<semaphore_mem>>)
    %dma_wait3A_731 = arith.constant 4 : i32
    %dma_wait3A_732 = arith.constant 0 : i32
    %dma_wait3A_733 = arith.constant 0 : i32
    %dma_wait3A_734 = arith.constant 0 : i32
    %dma_wait3A_735 = arith.constant 0 : i32
    %dma_wait3A_736 = tpu.memref_slice %arg6[%dma_wait3A_733, %dma_wait3A_734, %dma_wait3A_735] : memref<2x400x128xf32, #tpu.memory_space<vmem>> -> memref<1x100x128xf32, #tpu.memory_space<vmem>>
    %dma_wait3A_737 = tpu.memref_squeeze %dma_wait3A_736 : memref<1x100x128xf32, #tpu.memory_space<vmem>> -> memref<100x128xf32, #tpu.memory_space<vmem>>
    %dma_wait3A_738 = arith.constant 0 : i32
    %dma_wait3A_739 = tpu.memref_slice %arg5[%dma_wait3A_731, %dma_wait3A_732, %dma_wait3A_738] : memref<8x4x100xi32, #tpu.memory_space<vmem>> -> memref<1x1x100xi32, #tpu.memory_space<vmem>>
    %dma_wait3A_740 = tpu.memref_squeeze %dma_wait3A_739 : memref<1x1x100xi32, #tpu.memory_space<vmem>> -> memref<100xi32, #tpu.memory_space<vmem>>
    %dma_wait3A_741 = arith.constant 0 : i32
    %dma_wait3A_742 = arith.constant 0 : i32
    %dma_wait3A_743 = tpu.memref_slice %arg7[%dma_wait3A_741, %dma_wait3A_742] : memref<16x128xf32, #tpu.memory_space<vmem_shared>> -> memref<16x128xf32, #tpu.memory_space<vmem_shared>>
    tpu.wait_indirect_dma semaphore(%arg8 : memref<!tpu.dma_semaphore, #tpu.memory_space<semaphore_mem>>) src(%dma_wait3A_743 : memref<16x128xf32, #tpu.memory_space<vmem_shared>>) dst(%dma_wait3A_737 : memref<100x128xf32, #tpu.memory_space<vmem>>)
    %dma_wait3A_744 = arith.constant 4 : i32
    %dma_wait3A_745 = arith.constant 1 : i32
    %dma_wait3A_746 = arith.constant 0 : i32
    %dma_wait3A_747 = arith.constant 100 : i32
    %dma_wait3A_748 = arith.constant 0 : i32
    %dma_wait3A_749 = tpu.memref_slice %arg6[%dma_wait3A_746, %dma_wait3A_747, %dma_wait3A_748] : memref<2x400x128xf32, #tpu.memory_space<vmem>> -> memref<1x100x128xf32, #tpu.memory_space<vmem>>
    %dma_wait3A_750 = tpu.memref_squeeze %dma_wait3A_749 : memref<1x100x128xf32, #tpu.memory_space<vmem>> -> memref<100x128xf32, #tpu.memory_space<vmem>>
    %dma_wait3A_751 = arith.constant 0 : i32
    %dma_wait3A_752 = tpu.memref_slice %arg5[%dma_wait3A_744, %dma_wait3A_745, %dma_wait3A_751] : memref<8x4x100xi32, #tpu.memory_space<vmem>> -> memref<1x1x100xi32, #tpu.memory_space<vmem>>
    %dma_wait3A_753 = tpu.memref_squeeze %dma_wait3A_752 : memref<1x1x100xi32, #tpu.memory_space<vmem>> -> memref<100xi32, #tpu.memory_space<vmem>>
    %dma_wait3A_754 = arith.constant 0 : i32
    %dma_wait3A_755 = arith.constant 0 : i32
    %dma_wait3A_756 = tpu.memref_slice %arg7[%dma_wait3A_754, %dma_wait3A_755] : memref<16x128xf32, #tpu.memory_space<vmem_shared>> -> memref<16x128xf32, #tpu.memory_space<vmem_shared>>
    tpu.wait_indirect_dma semaphore(%arg8 : memref<!tpu.dma_semaphore, #tpu.memory_space<semaphore_mem>>) src(%dma_wait3A_756 : memref<16x128xf32, #tpu.memory_space<vmem_shared>>) dst(%dma_wait3A_750 : memref<100x128xf32, #tpu.memory_space<vmem>>)
    %add3A_757 = arith.constant 4 : i32
    %add3A_758 = arith.addi %select_n3A, %add3A_757 : i32
    %mul3A_759 = arith.constant 400 : i32
    %mul3A_760 = arith.muli %add3A_758, %mul3A_759 : i32
    %add3A_761 = arith.constant 0 : i32
    %add3A_762 = arith.addi %mul3A_760, %add3A_761 : i32
    %dma_start3A_763 = arith.constant 0 : i32
    %dma_start3A_764 = arith.constant 0 : i32
    %dma_start3A_765 = arith.constant 0 : i32
    %dma_start3A_766 = tpu.memref_slice %arg6[%dma_start3A_763, %dma_start3A_764, %dma_start3A_765] : memref<2x400x128xf32, #tpu.memory_space<vmem>> -> memref<1x200x128xf32, #tpu.memory_space<vmem>>
    %dma_start3A_767 = tpu.memref_squeeze %dma_start3A_766 : memref<1x200x128xf32, #tpu.memory_space<vmem>> -> memref<200x128xf32, #tpu.memory_space<vmem>>
    %dma_start3A_768 = arith.constant 0 : i32
    %dma_start3A_769 = tpu.memref_slice %arg4[%add3A_762, %dma_start3A_768] : memref<100000x128xf32, #tpu.memory_space<hbm>> -> memref<200x128xf32, #tpu.memory_space<hbm>>
    %dma_start3A_770 = arith.constant 0 : i32
    %dma_start3A_771 = tpu.memref_slice %arg4[%add3A_762, %dma_start3A_770] : memref<100000x128xf32, #tpu.memory_space<hbm>> -> memref<200x128xf32, #tpu.memory_space<hbm>>
    %dma_start3A_772 = arith.constant 0 : i32
    %dma_start3A_773 = arith.constant 0 : i32
    %dma_start3A_774 = tpu.memref_slice %arg6[%dma_start3A_763, %dma_start3A_772, %dma_start3A_773] : memref<2x400x128xf32, #tpu.memory_space<vmem>> -> memref<1x200x128xf32, #tpu.memory_space<vmem>>
    %dma_start3A_775 = tpu.memref_squeeze %dma_start3A_774 : memref<1x200x128xf32, #tpu.memory_space<vmem>> -> memref<200x128xf32, #tpu.memory_space<vmem>>
    tpu.enqueue_dma source(%dma_start3A_775 : memref<200x128xf32, #tpu.memory_space<vmem>>) target(%dma_start3A_771 : memref<200x128xf32, #tpu.memory_space<hbm>>) target_semaphore(%arg9 : memref<!tpu.dma_semaphore, #tpu.memory_space<semaphore_mem>>)
    %dma_wait3A_776 = arith.constant 4 : i32
    %dma_wait3A_777 = arith.constant 2 : i32
    %dma_wait3A_778 = arith.constant 0 : i32
    %dma_wait3A_779 = arith.constant 200 : i32
    %dma_wait3A_780 = arith.constant 0 : i32
    %dma_wait3A_781 = tpu.memref_slice %arg6[%dma_wait3A_778, %dma_wait3A_779, %dma_wait3A_780] : memref<2x400x128xf32, #tpu.memory_space<vmem>> -> memref<1x100x128xf32, #tpu.memory_space<vmem>>
    %dma_wait3A_782 = tpu.memref_squeeze %dma_wait3A_781 : memref<1x100x128xf32, #tpu.memory_space<vmem>> -> memref<100x128xf32, #tpu.memory_space<vmem>>
    %dma_wait3A_783 = arith.constant 0 : i32
    %dma_wait3A_784 = tpu.memref_slice %arg5[%dma_wait3A_776, %dma_wait3A_777, %dma_wait3A_783] : memref<8x4x100xi32, #tpu.memory_space<vmem>> -> memref<1x1x100xi32, #tpu.memory_space<vmem>>
    %dma_wait3A_785 = tpu.memref_squeeze %dma_wait3A_784 : memref<1x1x100xi32, #tpu.memory_space<vmem>> -> memref<100xi32, #tpu.memory_space<vmem>>
    %dma_wait3A_786 = arith.constant 0 : i32
    %dma_wait3A_787 = arith.constant 0 : i32
    %dma_wait3A_788 = tpu.memref_slice %arg7[%dma_wait3A_786, %dma_wait3A_787] : memref<16x128xf32, #tpu.memory_space<vmem_shared>> -> memref<16x128xf32, #tpu.memory_space<vmem_shared>>
    tpu.wait_indirect_dma semaphore(%arg8 : memref<!tpu.dma_semaphore, #tpu.memory_space<semaphore_mem>>) src(%dma_wait3A_788 : memref<16x128xf32, #tpu.memory_space<vmem_shared>>) dst(%dma_wait3A_782 : memref<100x128xf32, #tpu.memory_space<vmem>>)
    %dma_wait3A_789 = arith.constant 4 : i32
    %dma_wait3A_790 = arith.constant 3 : i32
    %dma_wait3A_791 = arith.constant 0 : i32
    %dma_wait3A_792 = arith.constant 300 : i32
    %dma_wait3A_793 = arith.constant 0 : i32
    %dma_wait3A_794 = tpu.memref_slice %arg6[%dma_wait3A_791, %dma_wait3A_792, %dma_wait3A_793] : memref<2x400x128xf32, #tpu.memory_space<vmem>> -> memref<1x100x128xf32, #tpu.memory_space<vmem>>
    %dma_wait3A_795 = tpu.memref_squeeze %dma_wait3A_794 : memref<1x100x128xf32, #tpu.memory_space<vmem>> -> memref<100x128xf32, #tpu.memory_space<vmem>>
    %dma_wait3A_796 = arith.constant 0 : i32
    %dma_wait3A_797 = tpu.memref_slice %arg5[%dma_wait3A_789, %dma_wait3A_790, %dma_wait3A_796] : memref<8x4x100xi32, #tpu.memory_space<vmem>> -> memref<1x1x100xi32, #tpu.memory_space<vmem>>
    %dma_wait3A_798 = tpu.memref_squeeze %dma_wait3A_797 : memref<1x1x100xi32, #tpu.memory_space<vmem>> -> memref<100xi32, #tpu.memory_space<vmem>>
    %dma_wait3A_799 = arith.constant 0 : i32
    %dma_wait3A_800 = arith.constant 0 : i32
    %dma_wait3A_801 = tpu.memref_slice %arg7[%dma_wait3A_799, %dma_wait3A_800] : memref<16x128xf32, #tpu.memory_space<vmem_shared>> -> memref<16x128xf32, #tpu.memory_space<vmem_shared>>
    tpu.wait_indirect_dma semaphore(%arg8 : memref<!tpu.dma_semaphore, #tpu.memory_space<semaphore_mem>>) src(%dma_wait3A_801 : memref<16x128xf32, #tpu.memory_space<vmem_shared>>) dst(%dma_wait3A_795 : memref<100x128xf32, #tpu.memory_space<vmem>>)
    %add3A_802 = arith.constant 4 : i32
    %add3A_803 = arith.addi %select_n3A, %add3A_802 : i32
    %mul3A_804 = arith.constant 400 : i32
    %mul3A_805 = arith.muli %add3A_803, %mul3A_804 : i32
    %add3A_806 = arith.constant 200 : i32
    %add3A_807 = arith.addi %mul3A_805, %add3A_806 : i32
    %dma_start3A_808 = arith.constant 0 : i32
    %dma_start3A_809 = arith.constant 200 : i32
    %dma_start3A_810 = arith.constant 0 : i32
    %dma_start3A_811 = tpu.memref_slice %arg6[%dma_start3A_808, %dma_start3A_809, %dma_start3A_810] : memref<2x400x128xf32, #tpu.memory_space<vmem>> -> memref<1x200x128xf32, #tpu.memory_space<vmem>>
    %dma_start3A_812 = tpu.memref_squeeze %dma_start3A_811 : memref<1x200x128xf32, #tpu.memory_space<vmem>> -> memref<200x128xf32, #tpu.memory_space<vmem>>
    %dma_start3A_813 = arith.constant 0 : i32
    %dma_start3A_814 = tpu.memref_slice %arg4[%add3A_807, %dma_start3A_813] : memref<100000x128xf32, #tpu.memory_space<hbm>> -> memref<200x128xf32, #tpu.memory_space<hbm>>
    %dma_start3A_815 = arith.constant 0 : i32
    %dma_start3A_816 = tpu.memref_slice %arg4[%add3A_807, %dma_start3A_815] : memref<100000x128xf32, #tpu.memory_space<hbm>> -> memref<200x128xf32, #tpu.memory_space<hbm>>
    %dma_start3A_817 = arith.constant 200 : i32
    %dma_start3A_818 = arith.constant 0 : i32
    %dma_start3A_819 = tpu.memref_slice %arg6[%dma_start3A_808, %dma_start3A_817, %dma_start3A_818] : memref<2x400x128xf32, #tpu.memory_space<vmem>> -> memref<1x200x128xf32, #tpu.memory_space<vmem>>
    %dma_start3A_820 = tpu.memref_squeeze %dma_start3A_819 : memref<1x200x128xf32, #tpu.memory_space<vmem>> -> memref<200x128xf32, #tpu.memory_space<vmem>>
    tpu.enqueue_dma source(%dma_start3A_820 : memref<200x128xf32, #tpu.memory_space<vmem>>) target(%dma_start3A_816 : memref<200x128xf32, #tpu.memory_space<hbm>>) target_semaphore(%arg9 : memref<!tpu.dma_semaphore, #tpu.memory_space<semaphore_mem>>)
    %dma_wait3A_821 = arith.constant 1 : i32
    %dma_wait3A_822 = arith.constant 0 : i32
    %dma_wait3A_823 = arith.constant 0 : i32
    %dma_wait3A_824 = tpu.memref_slice %arg6[%dma_wait3A_821, %dma_wait3A_822, %dma_wait3A_823] : memref<2x400x128xf32, #tpu.memory_space<vmem>> -> memref<1x200x128xf32, #tpu.memory_space<vmem>>
    %dma_wait3A_825 = tpu.memref_squeeze %dma_wait3A_824 : memref<1x200x128xf32, #tpu.memory_space<vmem>> -> memref<200x128xf32, #tpu.memory_space<vmem>>
    %dma_wait3A_826 = arith.constant 0 : i32
    %dma_wait3A_827 = arith.constant 0 : i32
    %dma_wait3A_828 = tpu.memref_slice %arg4[%dma_wait3A_826, %dma_wait3A_827] : memref<100000x128xf32, #tpu.memory_space<hbm>> -> memref<200x128xf32, #tpu.memory_space<hbm>>
    %dma_wait3A_829 = arith.constant 0 : i32
    %dma_wait3A_830 = arith.constant 0 : i32
    %dma_wait3A_831 = tpu.memref_slice %arg4[%dma_wait3A_829, %dma_wait3A_830] : memref<100000x128xf32, #tpu.memory_space<hbm>> -> memref<200x128xf32, #tpu.memory_space<hbm>>
    %dma_wait3A_832 = arith.constant 0 : i32
    %dma_wait3A_833 = arith.constant 0 : i32
    %dma_wait3A_834 = tpu.memref_slice %arg6[%dma_wait3A_821, %dma_wait3A_832, %dma_wait3A_833] : memref<2x400x128xf32, #tpu.memory_space<vmem>> -> memref<1x200x128xf32, #tpu.memory_space<vmem>>
    %dma_wait3A_835 = tpu.memref_squeeze %dma_wait3A_834 : memref<1x200x128xf32, #tpu.memory_space<vmem>> -> memref<200x128xf32, #tpu.memory_space<vmem>>
    tpu.wait_dma2 semaphore(%arg10 : memref<!tpu.dma_semaphore, #tpu.memory_space<semaphore_mem>>) src(%dma_wait3A_835 : memref<200x128xf32, #tpu.memory_space<vmem>>) dst(%dma_wait3A_831 : memref<200x128xf32, #tpu.memory_space<hbm>>)
    %dma_wait3A_836 = arith.constant 1 : i32
    %dma_wait3A_837 = arith.constant 200 : i32
    %dma_wait3A_838 = arith.constant 0 : i32
    %dma_wait3A_839 = tpu.memref_slice %arg6[%dma_wait3A_836, %dma_wait3A_837, %dma_wait3A_838] : memref<2x400x128xf32, #tpu.memory_space<vmem>> -> memref<1x200x128xf32, #tpu.memory_space<vmem>>
    %dma_wait3A_840 = tpu.memref_squeeze %dma_wait3A_839 : memref<1x200x128xf32, #tpu.memory_space<vmem>> -> memref<200x128xf32, #tpu.memory_space<vmem>>
    %dma_wait3A_841 = arith.constant 200 : i32
    %dma_wait3A_842 = arith.constant 0 : i32
    %dma_wait3A_843 = tpu.memref_slice %arg4[%dma_wait3A_841, %dma_wait3A_842] : memref<100000x128xf32, #tpu.memory_space<hbm>> -> memref<200x128xf32, #tpu.memory_space<hbm>>
    %dma_wait3A_844 = arith.constant 200 : i32
    %dma_wait3A_845 = arith.constant 0 : i32
    %dma_wait3A_846 = tpu.memref_slice %arg4[%dma_wait3A_844, %dma_wait3A_845] : memref<100000x128xf32, #tpu.memory_space<hbm>> -> memref<200x128xf32, #tpu.memory_space<hbm>>
    %dma_wait3A_847 = arith.constant 200 : i32
    %dma_wait3A_848 = arith.constant 0 : i32
    %dma_wait3A_849 = tpu.memref_slice %arg6[%dma_wait3A_836, %dma_wait3A_847, %dma_wait3A_848] : memref<2x400x128xf32, #tpu.memory_space<vmem>> -> memref<1x200x128xf32, #tpu.memory_space<vmem>>
    %dma_wait3A_850 = tpu.memref_squeeze %dma_wait3A_849 : memref<1x200x128xf32, #tpu.memory_space<vmem>> -> memref<200x128xf32, #tpu.memory_space<vmem>>
    tpu.wait_dma2 semaphore(%arg10 : memref<!tpu.dma_semaphore, #tpu.memory_space<semaphore_mem>>) src(%dma_wait3A_850 : memref<200x128xf32, #tpu.memory_space<vmem>>) dst(%dma_wait3A_846 : memref<200x128xf32, #tpu.memory_space<hbm>>)
    %dma_start3A_851 = arith.constant 5 : i32
    %dma_start3A_852 = arith.constant 0 : i32
    %dma_start3A_853 = arith.constant 1 : i32
    %dma_start3A_854 = arith.constant 0 : i32
    %dma_start3A_855 = arith.constant 0 : i32
    %dma_start3A_856 = tpu.memref_slice %arg6[%dma_start3A_853, %dma_start3A_854, %dma_start3A_855] : memref<2x400x128xf32, #tpu.memory_space<vmem>> -> memref<1x100x128xf32, #tpu.memory_space<vmem>>
    %dma_start3A_857 = tpu.memref_squeeze %dma_start3A_856 : memref<1x100x128xf32, #tpu.memory_space<vmem>> -> memref<100x128xf32, #tpu.memory_space<vmem>>
    %dma_start3A_858 = arith.constant 0 : i32
    %dma_start3A_859 = tpu.memref_slice %arg5[%dma_start3A_851, %dma_start3A_852, %dma_start3A_858] : memref<8x4x100xi32, #tpu.memory_space<vmem>> -> memref<1x1x100xi32, #tpu.memory_space<vmem>>
    %dma_start3A_860 = tpu.memref_squeeze %dma_start3A_859 : memref<1x1x100xi32, #tpu.memory_space<vmem>> -> memref<100xi32, #tpu.memory_space<vmem>>
    %dma_start3A_861 = arith.constant 0 : i32
    %dma_start3A_862 = arith.constant 0 : i32
    %dma_start3A_863 = tpu.memref_slice %arg7[%dma_start3A_861, %dma_start3A_862] : memref<16x128xf32, #tpu.memory_space<vmem_shared>> -> memref<16x128xf32, #tpu.memory_space<vmem_shared>>
    tpu.enqueue_indirect_dma source(%dma_start3A_863 : memref<16x128xf32, #tpu.memory_space<vmem_shared>>) target(%dma_start3A_857 : memref<100x128xf32, #tpu.memory_space<vmem>>) offsets(%dma_start3A_860 : memref<100xi32, #tpu.memory_space<vmem>>) semaphore(%arg8 : memref<!tpu.dma_semaphore, #tpu.memory_space<semaphore_mem>>)
    %dma_start3A_864 = arith.constant 5 : i32
    %dma_start3A_865 = arith.constant 1 : i32
    %dma_start3A_866 = arith.constant 1 : i32
    %dma_start3A_867 = arith.constant 100 : i32
    %dma_start3A_868 = arith.constant 0 : i32
    %dma_start3A_869 = tpu.memref_slice %arg6[%dma_start3A_866, %dma_start3A_867, %dma_start3A_868] : memref<2x400x128xf32, #tpu.memory_space<vmem>> -> memref<1x100x128xf32, #tpu.memory_space<vmem>>
    %dma_start3A_870 = tpu.memref_squeeze %dma_start3A_869 : memref<1x100x128xf32, #tpu.memory_space<vmem>> -> memref<100x128xf32, #tpu.memory_space<vmem>>
    %dma_start3A_871 = arith.constant 0 : i32
    %dma_start3A_872 = tpu.memref_slice %arg5[%dma_start3A_864, %dma_start3A_865, %dma_start3A_871] : memref<8x4x100xi32, #tpu.memory_space<vmem>> -> memref<1x1x100xi32, #tpu.memory_space<vmem>>
    %dma_start3A_873 = tpu.memref_squeeze %dma_start3A_872 : memref<1x1x100xi32, #tpu.memory_space<vmem>> -> memref<100xi32, #tpu.memory_space<vmem>>
    %dma_start3A_874 = arith.constant 0 : i32
    %dma_start3A_875 = arith.constant 0 : i32
    %dma_start3A_876 = tpu.memref_slice %arg7[%dma_start3A_874, %dma_start3A_875] : memref<16x128xf32, #tpu.memory_space<vmem_shared>> -> memref<16x128xf32, #tpu.memory_space<vmem_shared>>
    tpu.enqueue_indirect_dma source(%dma_start3A_876 : memref<16x128xf32, #tpu.memory_space<vmem_shared>>) target(%dma_start3A_870 : memref<100x128xf32, #tpu.memory_space<vmem>>) offsets(%dma_start3A_873 : memref<100xi32, #tpu.memory_space<vmem>>) semaphore(%arg8 : memref<!tpu.dma_semaphore, #tpu.memory_space<semaphore_mem>>)
    %dma_start3A_877 = arith.constant 5 : i32
    %dma_start3A_878 = arith.constant 2 : i32
    %dma_start3A_879 = arith.constant 1 : i32
    %dma_start3A_880 = arith.constant 200 : i32
    %dma_start3A_881 = arith.constant 0 : i32
    %dma_start3A_882 = tpu.memref_slice %arg6[%dma_start3A_879, %dma_start3A_880, %dma_start3A_881] : memref<2x400x128xf32, #tpu.memory_space<vmem>> -> memref<1x100x128xf32, #tpu.memory_space<vmem>>
    %dma_start3A_883 = tpu.memref_squeeze %dma_start3A_882 : memref<1x100x128xf32, #tpu.memory_space<vmem>> -> memref<100x128xf32, #tpu.memory_space<vmem>>
    %dma_start3A_884 = arith.constant 0 : i32
    %dma_start3A_885 = tpu.memref_slice %arg5[%dma_start3A_877, %dma_start3A_878, %dma_start3A_884] : memref<8x4x100xi32, #tpu.memory_space<vmem>> -> memref<1x1x100xi32, #tpu.memory_space<vmem>>
    %dma_start3A_886 = tpu.memref_squeeze %dma_start3A_885 : memref<1x1x100xi32, #tpu.memory_space<vmem>> -> memref<100xi32, #tpu.memory_space<vmem>>
    %dma_start3A_887 = arith.constant 0 : i32
    %dma_start3A_888 = arith.constant 0 : i32
    %dma_start3A_889 = tpu.memref_slice %arg7[%dma_start3A_887, %dma_start3A_888] : memref<16x128xf32, #tpu.memory_space<vmem_shared>> -> memref<16x128xf32, #tpu.memory_space<vmem_shared>>
    tpu.enqueue_indirect_dma source(%dma_start3A_889 : memref<16x128xf32, #tpu.memory_space<vmem_shared>>) target(%dma_start3A_883 : memref<100x128xf32, #tpu.memory_space<vmem>>) offsets(%dma_start3A_886 : memref<100xi32, #tpu.memory_space<vmem>>) semaphore(%arg8 : memref<!tpu.dma_semaphore, #tpu.memory_space<semaphore_mem>>)
    %dma_start3A_890 = arith.constant 5 : i32
    %dma_start3A_891 = arith.constant 3 : i32
    %dma_start3A_892 = arith.constant 1 : i32
    %dma_start3A_893 = arith.constant 300 : i32
    %dma_start3A_894 = arith.constant 0 : i32
    %dma_start3A_895 = tpu.memref_slice %arg6[%dma_start3A_892, %dma_start3A_893, %dma_start3A_894] : memref<2x400x128xf32, #tpu.memory_space<vmem>> -> memref<1x100x128xf32, #tpu.memory_space<vmem>>
    %dma_start3A_896 = tpu.memref_squeeze %dma_start3A_895 : memref<1x100x128xf32, #tpu.memory_space<vmem>> -> memref<100x128xf32, #tpu.memory_space<vmem>>
    %dma_start3A_897 = arith.constant 0 : i32
    %dma_start3A_898 = tpu.memref_slice %arg5[%dma_start3A_890, %dma_start3A_891, %dma_start3A_897] : memref<8x4x100xi32, #tpu.memory_space<vmem>> -> memref<1x1x100xi32, #tpu.memory_space<vmem>>
    %dma_start3A_899 = tpu.memref_squeeze %dma_start3A_898 : memref<1x1x100xi32, #tpu.memory_space<vmem>> -> memref<100xi32, #tpu.memory_space<vmem>>
    %dma_start3A_900 = arith.constant 0 : i32
    %dma_start3A_901 = arith.constant 0 : i32
    %dma_start3A_902 = tpu.memref_slice %arg7[%dma_start3A_900, %dma_start3A_901] : memref<16x128xf32, #tpu.memory_space<vmem_shared>> -> memref<16x128xf32, #tpu.memory_space<vmem_shared>>
    tpu.enqueue_indirect_dma source(%dma_start3A_902 : memref<16x128xf32, #tpu.memory_space<vmem_shared>>) target(%dma_start3A_896 : memref<100x128xf32, #tpu.memory_space<vmem>>) offsets(%dma_start3A_899 : memref<100xi32, #tpu.memory_space<vmem>>) semaphore(%arg8 : memref<!tpu.dma_semaphore, #tpu.memory_space<semaphore_mem>>)
    %dma_wait3A_903 = arith.constant 5 : i32
    %dma_wait3A_904 = arith.constant 0 : i32
    %dma_wait3A_905 = arith.constant 1 : i32
    %dma_wait3A_906 = arith.constant 0 : i32
    %dma_wait3A_907 = arith.constant 0 : i32
    %dma_wait3A_908 = tpu.memref_slice %arg6[%dma_wait3A_905, %dma_wait3A_906, %dma_wait3A_907] : memref<2x400x128xf32, #tpu.memory_space<vmem>> -> memref<1x100x128xf32, #tpu.memory_space<vmem>>
    %dma_wait3A_909 = tpu.memref_squeeze %dma_wait3A_908 : memref<1x100x128xf32, #tpu.memory_space<vmem>> -> memref<100x128xf32, #tpu.memory_space<vmem>>
    %dma_wait3A_910 = arith.constant 0 : i32
    %dma_wait3A_911 = tpu.memref_slice %arg5[%dma_wait3A_903, %dma_wait3A_904, %dma_wait3A_910] : memref<8x4x100xi32, #tpu.memory_space<vmem>> -> memref<1x1x100xi32, #tpu.memory_space<vmem>>
    %dma_wait3A_912 = tpu.memref_squeeze %dma_wait3A_911 : memref<1x1x100xi32, #tpu.memory_space<vmem>> -> memref<100xi32, #tpu.memory_space<vmem>>
    %dma_wait3A_913 = arith.constant 0 : i32
    %dma_wait3A_914 = arith.constant 0 : i32
    %dma_wait3A_915 = tpu.memref_slice %arg7[%dma_wait3A_913, %dma_wait3A_914] : memref<16x128xf32, #tpu.memory_space<vmem_shared>> -> memref<16x128xf32, #tpu.memory_space<vmem_shared>>
    tpu.wait_indirect_dma semaphore(%arg8 : memref<!tpu.dma_semaphore, #tpu.memory_space<semaphore_mem>>) src(%dma_wait3A_915 : memref<16x128xf32, #tpu.memory_space<vmem_shared>>) dst(%dma_wait3A_909 : memref<100x128xf32, #tpu.memory_space<vmem>>)
    %dma_wait3A_916 = arith.constant 5 : i32
    %dma_wait3A_917 = arith.constant 1 : i32
    %dma_wait3A_918 = arith.constant 1 : i32
    %dma_wait3A_919 = arith.constant 100 : i32
    %dma_wait3A_920 = arith.constant 0 : i32
    %dma_wait3A_921 = tpu.memref_slice %arg6[%dma_wait3A_918, %dma_wait3A_919, %dma_wait3A_920] : memref<2x400x128xf32, #tpu.memory_space<vmem>> -> memref<1x100x128xf32, #tpu.memory_space<vmem>>
    %dma_wait3A_922 = tpu.memref_squeeze %dma_wait3A_921 : memref<1x100x128xf32, #tpu.memory_space<vmem>> -> memref<100x128xf32, #tpu.memory_space<vmem>>
    %dma_wait3A_923 = arith.constant 0 : i32
    %dma_wait3A_924 = tpu.memref_slice %arg5[%dma_wait3A_916, %dma_wait3A_917, %dma_wait3A_923] : memref<8x4x100xi32, #tpu.memory_space<vmem>> -> memref<1x1x100xi32, #tpu.memory_space<vmem>>
    %dma_wait3A_925 = tpu.memref_squeeze %dma_wait3A_924 : memref<1x1x100xi32, #tpu.memory_space<vmem>> -> memref<100xi32, #tpu.memory_space<vmem>>
    %dma_wait3A_926 = arith.constant 0 : i32
    %dma_wait3A_927 = arith.constant 0 : i32
    %dma_wait3A_928 = tpu.memref_slice %arg7[%dma_wait3A_926, %dma_wait3A_927] : memref<16x128xf32, #tpu.memory_space<vmem_shared>> -> memref<16x128xf32, #tpu.memory_space<vmem_shared>>
    tpu.wait_indirect_dma semaphore(%arg8 : memref<!tpu.dma_semaphore, #tpu.memory_space<semaphore_mem>>) src(%dma_wait3A_928 : memref<16x128xf32, #tpu.memory_space<vmem_shared>>) dst(%dma_wait3A_922 : memref<100x128xf32, #tpu.memory_space<vmem>>)
    %add3A_929 = arith.constant 5 : i32
    %add3A_930 = arith.addi %select_n3A, %add3A_929 : i32
    %mul3A_931 = arith.constant 400 : i32
    %mul3A_932 = arith.muli %add3A_930, %mul3A_931 : i32
    %add3A_933 = arith.constant 0 : i32
    %add3A_934 = arith.addi %mul3A_932, %add3A_933 : i32
    %dma_start3A_935 = arith.constant 1 : i32
    %dma_start3A_936 = arith.constant 0 : i32
    %dma_start3A_937 = arith.constant 0 : i32
    %dma_start3A_938 = tpu.memref_slice %arg6[%dma_start3A_935, %dma_start3A_936, %dma_start3A_937] : memref<2x400x128xf32, #tpu.memory_space<vmem>> -> memref<1x200x128xf32, #tpu.memory_space<vmem>>
    %dma_start3A_939 = tpu.memref_squeeze %dma_start3A_938 : memref<1x200x128xf32, #tpu.memory_space<vmem>> -> memref<200x128xf32, #tpu.memory_space<vmem>>
    %dma_start3A_940 = arith.constant 0 : i32
    %dma_start3A_941 = tpu.memref_slice %arg4[%add3A_934, %dma_start3A_940] : memref<100000x128xf32, #tpu.memory_space<hbm>> -> memref<200x128xf32, #tpu.memory_space<hbm>>
    %dma_start3A_942 = arith.constant 0 : i32
    %dma_start3A_943 = tpu.memref_slice %arg4[%add3A_934, %dma_start3A_942] : memref<100000x128xf32, #tpu.memory_space<hbm>> -> memref<200x128xf32, #tpu.memory_space<hbm>>
    %dma_start3A_944 = arith.constant 0 : i32
    %dma_start3A_945 = arith.constant 0 : i32
    %dma_start3A_946 = tpu.memref_slice %arg6[%dma_start3A_935, %dma_start3A_944, %dma_start3A_945] : memref<2x400x128xf32, #tpu.memory_space<vmem>> -> memref<1x200x128xf32, #tpu.memory_space<vmem>>
    %dma_start3A_947 = tpu.memref_squeeze %dma_start3A_946 : memref<1x200x128xf32, #tpu.memory_space<vmem>> -> memref<200x128xf32, #tpu.memory_space<vmem>>
    tpu.enqueue_dma source(%dma_start3A_947 : memref<200x128xf32, #tpu.memory_space<vmem>>) target(%dma_start3A_943 : memref<200x128xf32, #tpu.memory_space<hbm>>) target_semaphore(%arg10 : memref<!tpu.dma_semaphore, #tpu.memory_space<semaphore_mem>>)
    %dma_wait3A_948 = arith.constant 5 : i32
    %dma_wait3A_949 = arith.constant 2 : i32
    %dma_wait3A_950 = arith.constant 1 : i32
    %dma_wait3A_951 = arith.constant 200 : i32
    %dma_wait3A_952 = arith.constant 0 : i32
    %dma_wait3A_953 = tpu.memref_slice %arg6[%dma_wait3A_950, %dma_wait3A_951, %dma_wait3A_952] : memref<2x400x128xf32, #tpu.memory_space<vmem>> -> memref<1x100x128xf32, #tpu.memory_space<vmem>>
    %dma_wait3A_954 = tpu.memref_squeeze %dma_wait3A_953 : memref<1x100x128xf32, #tpu.memory_space<vmem>> -> memref<100x128xf32, #tpu.memory_space<vmem>>
    %dma_wait3A_955 = arith.constant 0 : i32
    %dma_wait3A_956 = tpu.memref_slice %arg5[%dma_wait3A_948, %dma_wait3A_949, %dma_wait3A_955] : memref<8x4x100xi32, #tpu.memory_space<vmem>> -> memref<1x1x100xi32, #tpu.memory_space<vmem>>
    %dma_wait3A_957 = tpu.memref_squeeze %dma_wait3A_956 : memref<1x1x100xi32, #tpu.memory_space<vmem>> -> memref<100xi32, #tpu.memory_space<vmem>>
    %dma_wait3A_958 = arith.constant 0 : i32
    %dma_wait3A_959 = arith.constant 0 : i32
    %dma_wait3A_960 = tpu.memref_slice %arg7[%dma_wait3A_958, %dma_wait3A_959] : memref<16x128xf32, #tpu.memory_space<vmem_shared>> -> memref<16x128xf32, #tpu.memory_space<vmem_shared>>
    tpu.wait_indirect_dma semaphore(%arg8 : memref<!tpu.dma_semaphore, #tpu.memory_space<semaphore_mem>>) src(%dma_wait3A_960 : memref<16x128xf32, #tpu.memory_space<vmem_shared>>) dst(%dma_wait3A_954 : memref<100x128xf32, #tpu.memory_space<vmem>>)
    %dma_wait3A_961 = arith.constant 5 : i32
    %dma_wait3A_962 = arith.constant 3 : i32
    %dma_wait3A_963 = arith.constant 1 : i32
    %dma_wait3A_964 = arith.constant 300 : i32
    %dma_wait3A_965 = arith.constant 0 : i32
    %dma_wait3A_966 = tpu.memref_slice %arg6[%dma_wait3A_963, %dma_wait3A_964, %dma_wait3A_965] : memref<2x400x128xf32, #tpu.memory_space<vmem>> -> memref<1x100x128xf32, #tpu.memory_space<vmem>>
    %dma_wait3A_967 = tpu.memref_squeeze %dma_wait3A_966 : memref<1x100x128xf32, #tpu.memory_space<vmem>> -> memref<100x128xf32, #tpu.memory_space<vmem>>
    %dma_wait3A_968 = arith.constant 0 : i32
    %dma_wait3A_969 = tpu.memref_slice %arg5[%dma_wait3A_961, %dma_wait3A_962, %dma_wait3A_968] : memref<8x4x100xi32, #tpu.memory_space<vmem>> -> memref<1x1x100xi32, #tpu.memory_space<vmem>>
    %dma_wait3A_970 = tpu.memref_squeeze %dma_wait3A_969 : memref<1x1x100xi32, #tpu.memory_space<vmem>> -> memref<100xi32, #tpu.memory_space<vmem>>
    %dma_wait3A_971 = arith.constant 0 : i32
    %dma_wait3A_972 = arith.constant 0 : i32
    %dma_wait3A_973 = tpu.memref_slice %arg7[%dma_wait3A_971, %dma_wait3A_972] : memref<16x128xf32, #tpu.memory_space<vmem_shared>> -> memref<16x128xf32, #tpu.memory_space<vmem_shared>>
    tpu.wait_indirect_dma semaphore(%arg8 : memref<!tpu.dma_semaphore, #tpu.memory_space<semaphore_mem>>) src(%dma_wait3A_973 : memref<16x128xf32, #tpu.memory_space<vmem_shared>>) dst(%dma_wait3A_967 : memref<100x128xf32, #tpu.memory_space<vmem>>)
    %add3A_974 = arith.constant 5 : i32
    %add3A_975 = arith.addi %select_n3A, %add3A_974 : i32
    %mul3A_976 = arith.constant 400 : i32
    %mul3A_977 = arith.muli %add3A_975, %mul3A_976 : i32
    %add3A_978 = arith.constant 200 : i32
    %add3A_979 = arith.addi %mul3A_977, %add3A_978 : i32
    %dma_start3A_980 = arith.constant 1 : i32
    %dma_start3A_981 = arith.constant 200 : i32
    %dma_start3A_982 = arith.constant 0 : i32
    %dma_start3A_983 = tpu.memref_slice %arg6[%dma_start3A_980, %dma_start3A_981, %dma_start3A_982] : memref<2x400x128xf32, #tpu.memory_space<vmem>> -> memref<1x200x128xf32, #tpu.memory_space<vmem>>
    %dma_start3A_984 = tpu.memref_squeeze %dma_start3A_983 : memref<1x200x128xf32, #tpu.memory_space<vmem>> -> memref<200x128xf32, #tpu.memory_space<vmem>>
    %dma_start3A_985 = arith.constant 0 : i32
    %dma_start3A_986 = tpu.memref_slice %arg4[%add3A_979, %dma_start3A_985] : memref<100000x128xf32, #tpu.memory_space<hbm>> -> memref<200x128xf32, #tpu.memory_space<hbm>>
    %dma_start3A_987 = arith.constant 0 : i32
    %dma_start3A_988 = tpu.memref_slice %arg4[%add3A_979, %dma_start3A_987] : memref<100000x128xf32, #tpu.memory_space<hbm>> -> memref<200x128xf32, #tpu.memory_space<hbm>>
    %dma_start3A_989 = arith.constant 200 : i32
    %dma_start3A_990 = arith.constant 0 : i32
    %dma_start3A_991 = tpu.memref_slice %arg6[%dma_start3A_980, %dma_start3A_989, %dma_start3A_990] : memref<2x400x128xf32, #tpu.memory_space<vmem>> -> memref<1x200x128xf32, #tpu.memory_space<vmem>>
    %dma_start3A_992 = tpu.memref_squeeze %dma_start3A_991 : memref<1x200x128xf32, #tpu.memory_space<vmem>> -> memref<200x128xf32, #tpu.memory_space<vmem>>
    tpu.enqueue_dma source(%dma_start3A_992 : memref<200x128xf32, #tpu.memory_space<vmem>>) target(%dma_start3A_988 : memref<200x128xf32, #tpu.memory_space<hbm>>) target_semaphore(%arg10 : memref<!tpu.dma_semaphore, #tpu.memory_space<semaphore_mem>>)
    %dma_wait3A_993 = arith.constant 0 : i32
    %dma_wait3A_994 = arith.constant 0 : i32
    %dma_wait3A_995 = arith.constant 0 : i32
    %dma_wait3A_996 = tpu.memref_slice %arg6[%dma_wait3A_993, %dma_wait3A_994, %dma_wait3A_995] : memref<2x400x128xf32, #tpu.memory_space<vmem>> -> memref<1x200x128xf32, #tpu.memory_space<vmem>>
    %dma_wait3A_997 = tpu.memref_squeeze %dma_wait3A_996 : memref<1x200x128xf32, #tpu.memory_space<vmem>> -> memref<200x128xf32, #tpu.memory_space<vmem>>
    %dma_wait3A_998 = arith.constant 0 : i32
    %dma_wait3A_999 = arith.constant 0 : i32
    %dma_wait3A_1000 = tpu.memref_slice %arg4[%dma_wait3A_998, %dma_wait3A_999] : memref<100000x128xf32, #tpu.memory_space<hbm>> -> memref<200x128xf32, #tpu.memory_space<hbm>>
    %dma_wait3A_1001 = arith.constant 0 : i32
    %dma_wait3A_1002 = arith.constant 0 : i32
    %dma_wait3A_1003 = tpu.memref_slice %arg4[%dma_wait3A_1001, %dma_wait3A_1002] : memref<100000x128xf32, #tpu.memory_space<hbm>> -> memref<200x128xf32, #tpu.memory_space<hbm>>
    %dma_wait3A_1004 = arith.constant 0 : i32
    %dma_wait3A_1005 = arith.constant 0 : i32
    %dma_wait3A_1006 = tpu.memref_slice %arg6[%dma_wait3A_993, %dma_wait3A_1004, %dma_wait3A_1005] : memref<2x400x128xf32, #tpu.memory_space<vmem>> -> memref<1x200x128xf32, #tpu.memory_space<vmem>>
    %dma_wait3A_1007 = tpu.memref_squeeze %dma_wait3A_1006 : memref<1x200x128xf32, #tpu.memory_space<vmem>> -> memref<200x128xf32, #tpu.memory_space<vmem>>
    tpu.wait_dma2 semaphore(%arg9 : memref<!tpu.dma_semaphore, #tpu.memory_space<semaphore_mem>>) src(%dma_wait3A_1007 : memref<200x128xf32, #tpu.memory_space<vmem>>) dst(%dma_wait3A_1003 : memref<200x128xf32, #tpu.memory_space<hbm>>)
    %dma_wait3A_1008 = arith.constant 0 : i32
    %dma_wait3A_1009 = arith.constant 200 : i32
    %dma_wait3A_1010 = arith.constant 0 : i32
    %dma_wait3A_1011 = tpu.memref_slice %arg6[%dma_wait3A_1008, %dma_wait3A_1009, %dma_wait3A_1010] : memref<2x400x128xf32, #tpu.memory_space<vmem>> -> memref<1x200x128xf32, #tpu.memory_space<vmem>>
    %dma_wait3A_1012 = tpu.memref_squeeze %dma_wait3A_1011 : memref<1x200x128xf32, #tpu.memory_space<vmem>> -> memref<200x128xf32, #tpu.memory_space<vmem>>
    %dma_wait3A_1013 = arith.constant 200 : i32
    %dma_wait3A_1014 = arith.constant 0 : i32
    %dma_wait3A_1015 = tpu.memref_slice %arg4[%dma_wait3A_1013, %dma_wait3A_1014] : memref<100000x128xf32, #tpu.memory_space<hbm>> -> memref<200x128xf32, #tpu.memory_space<hbm>>
    %dma_wait3A_1016 = arith.constant 200 : i32
    %dma_wait3A_1017 = arith.constant 0 : i32
    %dma_wait3A_1018 = tpu.memref_slice %arg4[%dma_wait3A_1016, %dma_wait3A_1017] : memref<100000x128xf32, #tpu.memory_space<hbm>> -> memref<200x128xf32, #tpu.memory_space<hbm>>
    %dma_wait3A_1019 = arith.constant 200 : i32
    %dma_wait3A_1020 = arith.constant 0 : i32
    %dma_wait3A_1021 = tpu.memref_slice %arg6[%dma_wait3A_1008, %dma_wait3A_1019, %dma_wait3A_1020] : memref<2x400x128xf32, #tpu.memory_space<vmem>> -> memref<1x200x128xf32, #tpu.memory_space<vmem>>
    %dma_wait3A_1022 = tpu.memref_squeeze %dma_wait3A_1021 : memref<1x200x128xf32, #tpu.memory_space<vmem>> -> memref<200x128xf32, #tpu.memory_space<vmem>>
    tpu.wait_dma2 semaphore(%arg9 : memref<!tpu.dma_semaphore, #tpu.memory_space<semaphore_mem>>) src(%dma_wait3A_1022 : memref<200x128xf32, #tpu.memory_space<vmem>>) dst(%dma_wait3A_1018 : memref<200x128xf32, #tpu.memory_space<hbm>>)
    %dma_start3A_1023 = arith.constant 6 : i32
    %dma_start3A_1024 = arith.constant 0 : i32
    %dma_start3A_1025 = arith.constant 0 : i32
    %dma_start3A_1026 = arith.constant 0 : i32
    %dma_start3A_1027 = arith.constant 0 : i32
    %dma_start3A_1028 = tpu.memref_slice %arg6[%dma_start3A_1025, %dma_start3A_1026, %dma_start3A_1027] : memref<2x400x128xf32, #tpu.memory_space<vmem>> -> memref<1x100x128xf32, #tpu.memory_space<vmem>>
    %dma_start3A_1029 = tpu.memref_squeeze %dma_start3A_1028 : memref<1x100x128xf32, #tpu.memory_space<vmem>> -> memref<100x128xf32, #tpu.memory_space<vmem>>
    %dma_start3A_1030 = arith.constant 0 : i32
    %dma_start3A_1031 = tpu.memref_slice %arg5[%dma_start3A_1023, %dma_start3A_1024, %dma_start3A_1030] : memref<8x4x100xi32, #tpu.memory_space<vmem>> -> memref<1x1x100xi32, #tpu.memory_space<vmem>>
    %dma_start3A_1032 = tpu.memref_squeeze %dma_start3A_1031 : memref<1x1x100xi32, #tpu.memory_space<vmem>> -> memref<100xi32, #tpu.memory_space<vmem>>
    %dma_start3A_1033 = arith.constant 0 : i32
    %dma_start3A_1034 = arith.constant 0 : i32
    %dma_start3A_1035 = tpu.memref_slice %arg7[%dma_start3A_1033, %dma_start3A_1034] : memref<16x128xf32, #tpu.memory_space<vmem_shared>> -> memref<16x128xf32, #tpu.memory_space<vmem_shared>>
    tpu.enqueue_indirect_dma source(%dma_start3A_1035 : memref<16x128xf32, #tpu.memory_space<vmem_shared>>) target(%dma_start3A_1029 : memref<100x128xf32, #tpu.memory_space<vmem>>) offsets(%dma_start3A_1032 : memref<100xi32, #tpu.memory_space<vmem>>) semaphore(%arg8 : memref<!tpu.dma_semaphore, #tpu.memory_space<semaphore_mem>>)
    %dma_start3A_1036 = arith.constant 6 : i32
    %dma_start3A_1037 = arith.constant 1 : i32
    %dma_start3A_1038 = arith.constant 0 : i32
    %dma_start3A_1039 = arith.constant 100 : i32
    %dma_start3A_1040 = arith.constant 0 : i32
    %dma_start3A_1041 = tpu.memref_slice %arg6[%dma_start3A_1038, %dma_start3A_1039, %dma_start3A_1040] : memref<2x400x128xf32, #tpu.memory_space<vmem>> -> memref<1x100x128xf32, #tpu.memory_space<vmem>>
    %dma_start3A_1042 = tpu.memref_squeeze %dma_start3A_1041 : memref<1x100x128xf32, #tpu.memory_space<vmem>> -> memref<100x128xf32, #tpu.memory_space<vmem>>
    %dma_start3A_1043 = arith.constant 0 : i32
    %dma_start3A_1044 = tpu.memref_slice %arg5[%dma_start3A_1036, %dma_start3A_1037, %dma_start3A_1043] : memref<8x4x100xi32, #tpu.memory_space<vmem>> -> memref<1x1x100xi32, #tpu.memory_space<vmem>>
    %dma_start3A_1045 = tpu.memref_squeeze %dma_start3A_1044 : memref<1x1x100xi32, #tpu.memory_space<vmem>> -> memref<100xi32, #tpu.memory_space<vmem>>
    %dma_start3A_1046 = arith.constant 0 : i32
    %dma_start3A_1047 = arith.constant 0 : i32
    %dma_start3A_1048 = tpu.memref_slice %arg7[%dma_start3A_1046, %dma_start3A_1047] : memref<16x128xf32, #tpu.memory_space<vmem_shared>> -> memref<16x128xf32, #tpu.memory_space<vmem_shared>>
    tpu.enqueue_indirect_dma source(%dma_start3A_1048 : memref<16x128xf32, #tpu.memory_space<vmem_shared>>) target(%dma_start3A_1042 : memref<100x128xf32, #tpu.memory_space<vmem>>) offsets(%dma_start3A_1045 : memref<100xi32, #tpu.memory_space<vmem>>) semaphore(%arg8 : memref<!tpu.dma_semaphore, #tpu.memory_space<semaphore_mem>>)
    %dma_start3A_1049 = arith.constant 6 : i32
    %dma_start3A_1050 = arith.constant 2 : i32
    %dma_start3A_1051 = arith.constant 0 : i32
    %dma_start3A_1052 = arith.constant 200 : i32
    %dma_start3A_1053 = arith.constant 0 : i32
    %dma_start3A_1054 = tpu.memref_slice %arg6[%dma_start3A_1051, %dma_start3A_1052, %dma_start3A_1053] : memref<2x400x128xf32, #tpu.memory_space<vmem>> -> memref<1x100x128xf32, #tpu.memory_space<vmem>>
    %dma_start3A_1055 = tpu.memref_squeeze %dma_start3A_1054 : memref<1x100x128xf32, #tpu.memory_space<vmem>> -> memref<100x128xf32, #tpu.memory_space<vmem>>
    %dma_start3A_1056 = arith.constant 0 : i32
    %dma_start3A_1057 = tpu.memref_slice %arg5[%dma_start3A_1049, %dma_start3A_1050, %dma_start3A_1056] : memref<8x4x100xi32, #tpu.memory_space<vmem>> -> memref<1x1x100xi32, #tpu.memory_space<vmem>>
    %dma_start3A_1058 = tpu.memref_squeeze %dma_start3A_1057 : memref<1x1x100xi32, #tpu.memory_space<vmem>> -> memref<100xi32, #tpu.memory_space<vmem>>
    %dma_start3A_1059 = arith.constant 0 : i32
    %dma_start3A_1060 = arith.constant 0 : i32
    %dma_start3A_1061 = tpu.memref_slice %arg7[%dma_start3A_1059, %dma_start3A_1060] : memref<16x128xf32, #tpu.memory_space<vmem_shared>> -> memref<16x128xf32, #tpu.memory_space<vmem_shared>>
    tpu.enqueue_indirect_dma source(%dma_start3A_1061 : memref<16x128xf32, #tpu.memory_space<vmem_shared>>) target(%dma_start3A_1055 : memref<100x128xf32, #tpu.memory_space<vmem>>) offsets(%dma_start3A_1058 : memref<100xi32, #tpu.memory_space<vmem>>) semaphore(%arg8 : memref<!tpu.dma_semaphore, #tpu.memory_space<semaphore_mem>>)
    %dma_start3A_1062 = arith.constant 6 : i32
    %dma_start3A_1063 = arith.constant 3 : i32
    %dma_start3A_1064 = arith.constant 0 : i32
    %dma_start3A_1065 = arith.constant 300 : i32
    %dma_start3A_1066 = arith.constant 0 : i32
    %dma_start3A_1067 = tpu.memref_slice %arg6[%dma_start3A_1064, %dma_start3A_1065, %dma_start3A_1066] : memref<2x400x128xf32, #tpu.memory_space<vmem>> -> memref<1x100x128xf32, #tpu.memory_space<vmem>>
    %dma_start3A_1068 = tpu.memref_squeeze %dma_start3A_1067 : memref<1x100x128xf32, #tpu.memory_space<vmem>> -> memref<100x128xf32, #tpu.memory_space<vmem>>
    %dma_start3A_1069 = arith.constant 0 : i32
    %dma_start3A_1070 = tpu.memref_slice %arg5[%dma_start3A_1062, %dma_start3A_1063, %dma_start3A_1069] : memref<8x4x100xi32, #tpu.memory_space<vmem>> -> memref<1x1x100xi32, #tpu.memory_space<vmem>>
    %dma_start3A_1071 = tpu.memref_squeeze %dma_start3A_1070 : memref<1x1x100xi32, #tpu.memory_space<vmem>> -> memref<100xi32, #tpu.memory_space<vmem>>
    %dma_start3A_1072 = arith.constant 0 : i32
    %dma_start3A_1073 = arith.constant 0 : i32
    %dma_start3A_1074 = tpu.memref_slice %arg7[%dma_start3A_1072, %dma_start3A_1073] : memref<16x128xf32, #tpu.memory_space<vmem_shared>> -> memref<16x128xf32, #tpu.memory_space<vmem_shared>>
    tpu.enqueue_indirect_dma source(%dma_start3A_1074 : memref<16x128xf32, #tpu.memory_space<vmem_shared>>) target(%dma_start3A_1068 : memref<100x128xf32, #tpu.memory_space<vmem>>) offsets(%dma_start3A_1071 : memref<100xi32, #tpu.memory_space<vmem>>) semaphore(%arg8 : memref<!tpu.dma_semaphore, #tpu.memory_space<semaphore_mem>>)
    %dma_wait3A_1075 = arith.constant 6 : i32
    %dma_wait3A_1076 = arith.constant 0 : i32
    %dma_wait3A_1077 = arith.constant 0 : i32
    %dma_wait3A_1078 = arith.constant 0 : i32
    %dma_wait3A_1079 = arith.constant 0 : i32
    %dma_wait3A_1080 = tpu.memref_slice %arg6[%dma_wait3A_1077, %dma_wait3A_1078, %dma_wait3A_1079] : memref<2x400x128xf32, #tpu.memory_space<vmem>> -> memref<1x100x128xf32, #tpu.memory_space<vmem>>
    %dma_wait3A_1081 = tpu.memref_squeeze %dma_wait3A_1080 : memref<1x100x128xf32, #tpu.memory_space<vmem>> -> memref<100x128xf32, #tpu.memory_space<vmem>>
    %dma_wait3A_1082 = arith.constant 0 : i32
    %dma_wait3A_1083 = tpu.memref_slice %arg5[%dma_wait3A_1075, %dma_wait3A_1076, %dma_wait3A_1082] : memref<8x4x100xi32, #tpu.memory_space<vmem>> -> memref<1x1x100xi32, #tpu.memory_space<vmem>>
    %dma_wait3A_1084 = tpu.memref_squeeze %dma_wait3A_1083 : memref<1x1x100xi32, #tpu.memory_space<vmem>> -> memref<100xi32, #tpu.memory_space<vmem>>
    %dma_wait3A_1085 = arith.constant 0 : i32
    %dma_wait3A_1086 = arith.constant 0 : i32
    %dma_wait3A_1087 = tpu.memref_slice %arg7[%dma_wait3A_1085, %dma_wait3A_1086] : memref<16x128xf32, #tpu.memory_space<vmem_shared>> -> memref<16x128xf32, #tpu.memory_space<vmem_shared>>
    tpu.wait_indirect_dma semaphore(%arg8 : memref<!tpu.dma_semaphore, #tpu.memory_space<semaphore_mem>>) src(%dma_wait3A_1087 : memref<16x128xf32, #tpu.memory_space<vmem_shared>>) dst(%dma_wait3A_1081 : memref<100x128xf32, #tpu.memory_space<vmem>>)
    %dma_wait3A_1088 = arith.constant 6 : i32
    %dma_wait3A_1089 = arith.constant 1 : i32
    %dma_wait3A_1090 = arith.constant 0 : i32
    %dma_wait3A_1091 = arith.constant 100 : i32
    %dma_wait3A_1092 = arith.constant 0 : i32
    %dma_wait3A_1093 = tpu.memref_slice %arg6[%dma_wait3A_1090, %dma_wait3A_1091, %dma_wait3A_1092] : memref<2x400x128xf32, #tpu.memory_space<vmem>> -> memref<1x100x128xf32, #tpu.memory_space<vmem>>
    %dma_wait3A_1094 = tpu.memref_squeeze %dma_wait3A_1093 : memref<1x100x128xf32, #tpu.memory_space<vmem>> -> memref<100x128xf32, #tpu.memory_space<vmem>>
    %dma_wait3A_1095 = arith.constant 0 : i32
    %dma_wait3A_1096 = tpu.memref_slice %arg5[%dma_wait3A_1088, %dma_wait3A_1089, %dma_wait3A_1095] : memref<8x4x100xi32, #tpu.memory_space<vmem>> -> memref<1x1x100xi32, #tpu.memory_space<vmem>>
    %dma_wait3A_1097 = tpu.memref_squeeze %dma_wait3A_1096 : memref<1x1x100xi32, #tpu.memory_space<vmem>> -> memref<100xi32, #tpu.memory_space<vmem>>
    %dma_wait3A_1098 = arith.constant 0 : i32
    %dma_wait3A_1099 = arith.constant 0 : i32
    %dma_wait3A_1100 = tpu.memref_slice %arg7[%dma_wait3A_1098, %dma_wait3A_1099] : memref<16x128xf32, #tpu.memory_space<vmem_shared>> -> memref<16x128xf32, #tpu.memory_space<vmem_shared>>
    tpu.wait_indirect_dma semaphore(%arg8 : memref<!tpu.dma_semaphore, #tpu.memory_space<semaphore_mem>>) src(%dma_wait3A_1100 : memref<16x128xf32, #tpu.memory_space<vmem_shared>>) dst(%dma_wait3A_1094 : memref<100x128xf32, #tpu.memory_space<vmem>>)
    %add3A_1101 = arith.constant 6 : i32
    %add3A_1102 = arith.addi %select_n3A, %add3A_1101 : i32
    %mul3A_1103 = arith.constant 400 : i32
    %mul3A_1104 = arith.muli %add3A_1102, %mul3A_1103 : i32
    %add3A_1105 = arith.constant 0 : i32
    %add3A_1106 = arith.addi %mul3A_1104, %add3A_1105 : i32
    %dma_start3A_1107 = arith.constant 0 : i32
    %dma_start3A_1108 = arith.constant 0 : i32
    %dma_start3A_1109 = arith.constant 0 : i32
    %dma_start3A_1110 = tpu.memref_slice %arg6[%dma_start3A_1107, %dma_start3A_1108, %dma_start3A_1109] : memref<2x400x128xf32, #tpu.memory_space<vmem>> -> memref<1x200x128xf32, #tpu.memory_space<vmem>>
    %dma_start3A_1111 = tpu.memref_squeeze %dma_start3A_1110 : memref<1x200x128xf32, #tpu.memory_space<vmem>> -> memref<200x128xf32, #tpu.memory_space<vmem>>
    %dma_start3A_1112 = arith.constant 0 : i32
    %dma_start3A_1113 = tpu.memref_slice %arg4[%add3A_1106, %dma_start3A_1112] : memref<100000x128xf32, #tpu.memory_space<hbm>> -> memref<200x128xf32, #tpu.memory_space<hbm>>
    %dma_start3A_1114 = arith.constant 0 : i32
    %dma_start3A_1115 = tpu.memref_slice %arg4[%add3A_1106, %dma_start3A_1114] : memref<100000x128xf32, #tpu.memory_space<hbm>> -> memref<200x128xf32, #tpu.memory_space<hbm>>
    %dma_start3A_1116 = arith.constant 0 : i32
    %dma_start3A_1117 = arith.constant 0 : i32
    %dma_start3A_1118 = tpu.memref_slice %arg6[%dma_start3A_1107, %dma_start3A_1116, %dma_start3A_1117] : memref<2x400x128xf32, #tpu.memory_space<vmem>> -> memref<1x200x128xf32, #tpu.memory_space<vmem>>
    %dma_start3A_1119 = tpu.memref_squeeze %dma_start3A_1118 : memref<1x200x128xf32, #tpu.memory_space<vmem>> -> memref<200x128xf32, #tpu.memory_space<vmem>>
    tpu.enqueue_dma source(%dma_start3A_1119 : memref<200x128xf32, #tpu.memory_space<vmem>>) target(%dma_start3A_1115 : memref<200x128xf32, #tpu.memory_space<hbm>>) target_semaphore(%arg9 : memref<!tpu.dma_semaphore, #tpu.memory_space<semaphore_mem>>)
    %dma_wait3A_1120 = arith.constant 6 : i32
    %dma_wait3A_1121 = arith.constant 2 : i32
    %dma_wait3A_1122 = arith.constant 0 : i32
    %dma_wait3A_1123 = arith.constant 200 : i32
    %dma_wait3A_1124 = arith.constant 0 : i32
    %dma_wait3A_1125 = tpu.memref_slice %arg6[%dma_wait3A_1122, %dma_wait3A_1123, %dma_wait3A_1124] : memref<2x400x128xf32, #tpu.memory_space<vmem>> -> memref<1x100x128xf32, #tpu.memory_space<vmem>>
    %dma_wait3A_1126 = tpu.memref_squeeze %dma_wait3A_1125 : memref<1x100x128xf32, #tpu.memory_space<vmem>> -> memref<100x128xf32, #tpu.memory_space<vmem>>
    %dma_wait3A_1127 = arith.constant 0 : i32
    %dma_wait3A_1128 = tpu.memref_slice %arg5[%dma_wait3A_1120, %dma_wait3A_1121, %dma_wait3A_1127] : memref<8x4x100xi32, #tpu.memory_space<vmem>> -> memref<1x1x100xi32, #tpu.memory_space<vmem>>
    %dma_wait3A_1129 = tpu.memref_squeeze %dma_wait3A_1128 : memref<1x1x100xi32, #tpu.memory_space<vmem>> -> memref<100xi32, #tpu.memory_space<vmem>>
    %dma_wait3A_1130 = arith.constant 0 : i32
    %dma_wait3A_1131 = arith.constant 0 : i32
    %dma_wait3A_1132 = tpu.memref_slice %arg7[%dma_wait3A_1130, %dma_wait3A_1131] : memref<16x128xf32, #tpu.memory_space<vmem_shared>> -> memref<16x128xf32, #tpu.memory_space<vmem_shared>>
    tpu.wait_indirect_dma semaphore(%arg8 : memref<!tpu.dma_semaphore, #tpu.memory_space<semaphore_mem>>) src(%dma_wait3A_1132 : memref<16x128xf32, #tpu.memory_space<vmem_shared>>) dst(%dma_wait3A_1126 : memref<100x128xf32, #tpu.memory_space<vmem>>)
    %dma_wait3A_1133 = arith.constant 6 : i32
    %dma_wait3A_1134 = arith.constant 3 : i32
    %dma_wait3A_1135 = arith.constant 0 : i32
    %dma_wait3A_1136 = arith.constant 300 : i32
    %dma_wait3A_1137 = arith.constant 0 : i32
    %dma_wait3A_1138 = tpu.memref_slice %arg6[%dma_wait3A_1135, %dma_wait3A_1136, %dma_wait3A_1137] : memref<2x400x128xf32, #tpu.memory_space<vmem>> -> memref<1x100x128xf32, #tpu.memory_space<vmem>>
    %dma_wait3A_1139 = tpu.memref_squeeze %dma_wait3A_1138 : memref<1x100x128xf32, #tpu.memory_space<vmem>> -> memref<100x128xf32, #tpu.memory_space<vmem>>
    %dma_wait3A_1140 = arith.constant 0 : i32
    %dma_wait3A_1141 = tpu.memref_slice %arg5[%dma_wait3A_1133, %dma_wait3A_1134, %dma_wait3A_1140] : memref<8x4x100xi32, #tpu.memory_space<vmem>> -> memref<1x1x100xi32, #tpu.memory_space<vmem>>
    %dma_wait3A_1142 = tpu.memref_squeeze %dma_wait3A_1141 : memref<1x1x100xi32, #tpu.memory_space<vmem>> -> memref<100xi32, #tpu.memory_space<vmem>>
    %dma_wait3A_1143 = arith.constant 0 : i32
    %dma_wait3A_1144 = arith.constant 0 : i32
    %dma_wait3A_1145 = tpu.memref_slice %arg7[%dma_wait3A_1143, %dma_wait3A_1144] : memref<16x128xf32, #tpu.memory_space<vmem_shared>> -> memref<16x128xf32, #tpu.memory_space<vmem_shared>>
    tpu.wait_indirect_dma semaphore(%arg8 : memref<!tpu.dma_semaphore, #tpu.memory_space<semaphore_mem>>) src(%dma_wait3A_1145 : memref<16x128xf32, #tpu.memory_space<vmem_shared>>) dst(%dma_wait3A_1139 : memref<100x128xf32, #tpu.memory_space<vmem>>)
    %add3A_1146 = arith.constant 6 : i32
    %add3A_1147 = arith.addi %select_n3A, %add3A_1146 : i32
    %mul3A_1148 = arith.constant 400 : i32
    %mul3A_1149 = arith.muli %add3A_1147, %mul3A_1148 : i32
    %add3A_1150 = arith.constant 200 : i32
    %add3A_1151 = arith.addi %mul3A_1149, %add3A_1150 : i32
    %dma_start3A_1152 = arith.constant 0 : i32
    %dma_start3A_1153 = arith.constant 200 : i32
    %dma_start3A_1154 = arith.constant 0 : i32
    %dma_start3A_1155 = tpu.memref_slice %arg6[%dma_start3A_1152, %dma_start3A_1153, %dma_start3A_1154] : memref<2x400x128xf32, #tpu.memory_space<vmem>> -> memref<1x200x128xf32, #tpu.memory_space<vmem>>
    %dma_start3A_1156 = tpu.memref_squeeze %dma_start3A_1155 : memref<1x200x128xf32, #tpu.memory_space<vmem>> -> memref<200x128xf32, #tpu.memory_space<vmem>>
    %dma_start3A_1157 = arith.constant 0 : i32
    %dma_start3A_1158 = tpu.memref_slice %arg4[%add3A_1151, %dma_start3A_1157] : memref<100000x128xf32, #tpu.memory_space<hbm>> -> memref<200x128xf32, #tpu.memory_space<hbm>>
    %dma_start3A_1159 = arith.constant 0 : i32
    %dma_start3A_1160 = tpu.memref_slice %arg4[%add3A_1151, %dma_start3A_1159] : memref<100000x128xf32, #tpu.memory_space<hbm>> -> memref<200x128xf32, #tpu.memory_space<hbm>>
    %dma_start3A_1161 = arith.constant 200 : i32
    %dma_start3A_1162 = arith.constant 0 : i32
    %dma_start3A_1163 = tpu.memref_slice %arg6[%dma_start3A_1152, %dma_start3A_1161, %dma_start3A_1162] : memref<2x400x128xf32, #tpu.memory_space<vmem>> -> memref<1x200x128xf32, #tpu.memory_space<vmem>>
    %dma_start3A_1164 = tpu.memref_squeeze %dma_start3A_1163 : memref<1x200x128xf32, #tpu.memory_space<vmem>> -> memref<200x128xf32, #tpu.memory_space<vmem>>
    tpu.enqueue_dma source(%dma_start3A_1164 : memref<200x128xf32, #tpu.memory_space<vmem>>) target(%dma_start3A_1160 : memref<200x128xf32, #tpu.memory_space<hbm>>) target_semaphore(%arg9 : memref<!tpu.dma_semaphore, #tpu.memory_space<semaphore_mem>>)
    %convert_element_type3A_1165 = arith.extui %lt3A_1 : i1 to i32
    %cond3A_1166 = arith.constant 0 : i32
    %cond3A_1167 = arith.cmpi ne, %convert_element_type3A_1165, %cond3A_1166 : i32
    scf.if %cond3A_1167 {
      %dma_wait3A_1228 = arith.constant 1 : i32
      %dma_wait3A_1229 = arith.constant 0 : i32
      %dma_wait3A_1230 = arith.constant 0 : i32
      %dma_wait3A_1231 = tpu.memref_slice %arg6[%dma_wait3A_1228, %dma_wait3A_1229, %dma_wait3A_1230] : memref<2x400x128xf32, #tpu.memory_space<vmem>> -> memref<1x200x128xf32, #tpu.memory_space<vmem>>
      %dma_wait3A_1232 = tpu.memref_squeeze %dma_wait3A_1231 : memref<1x200x128xf32, #tpu.memory_space<vmem>> -> memref<200x128xf32, #tpu.memory_space<vmem>>
      %dma_wait3A_1233 = arith.constant 0 : i32
      %dma_wait3A_1234 = arith.constant 0 : i32
      %dma_wait3A_1235 = tpu.memref_slice %arg4[%dma_wait3A_1233, %dma_wait3A_1234] : memref<100000x128xf32, #tpu.memory_space<hbm>> -> memref<200x128xf32, #tpu.memory_space<hbm>>
      %dma_wait3A_1236 = arith.constant 0 : i32
      %dma_wait3A_1237 = arith.constant 0 : i32
      %dma_wait3A_1238 = tpu.memref_slice %arg4[%dma_wait3A_1236, %dma_wait3A_1237] : memref<100000x128xf32, #tpu.memory_space<hbm>> -> memref<200x128xf32, #tpu.memory_space<hbm>>
      %dma_wait3A_1239 = arith.constant 0 : i32
      %dma_wait3A_1240 = arith.constant 0 : i32
      %dma_wait3A_1241 = tpu.memref_slice %arg6[%dma_wait3A_1228, %dma_wait3A_1239, %dma_wait3A_1240] : memref<2x400x128xf32, #tpu.memory_space<vmem>> -> memref<1x200x128xf32, #tpu.memory_space<vmem>>
      %dma_wait3A_1242 = tpu.memref_squeeze %dma_wait3A_1241 : memref<1x200x128xf32, #tpu.memory_space<vmem>> -> memref<200x128xf32, #tpu.memory_space<vmem>>
      tpu.wait_dma2 semaphore(%arg10 : memref<!tpu.dma_semaphore, #tpu.memory_space<semaphore_mem>>) src(%dma_wait3A_1242 : memref<200x128xf32, #tpu.memory_space<vmem>>) dst(%dma_wait3A_1238 : memref<200x128xf32, #tpu.memory_space<hbm>>)
      %dma_wait3A_1243 = arith.constant 1 : i32
      %dma_wait3A_1244 = arith.constant 200 : i32
      %dma_wait3A_1245 = arith.constant 0 : i32
      %dma_wait3A_1246 = tpu.memref_slice %arg6[%dma_wait3A_1243, %dma_wait3A_1244, %dma_wait3A_1245] : memref<2x400x128xf32, #tpu.memory_space<vmem>> -> memref<1x200x128xf32, #tpu.memory_space<vmem>>
      %dma_wait3A_1247 = tpu.memref_squeeze %dma_wait3A_1246 : memref<1x200x128xf32, #tpu.memory_space<vmem>> -> memref<200x128xf32, #tpu.memory_space<vmem>>
      %dma_wait3A_1248 = arith.constant 200 : i32
      %dma_wait3A_1249 = arith.constant 0 : i32
      %dma_wait3A_1250 = tpu.memref_slice %arg4[%dma_wait3A_1248, %dma_wait3A_1249] : memref<100000x128xf32, #tpu.memory_space<hbm>> -> memref<200x128xf32, #tpu.memory_space<hbm>>
      %dma_wait3A_1251 = arith.constant 200 : i32
      %dma_wait3A_1252 = arith.constant 0 : i32
      %dma_wait3A_1253 = tpu.memref_slice %arg4[%dma_wait3A_1251, %dma_wait3A_1252] : memref<100000x128xf32, #tpu.memory_space<hbm>> -> memref<200x128xf32, #tpu.memory_space<hbm>>
      %dma_wait3A_1254 = arith.constant 200 : i32
      %dma_wait3A_1255 = arith.constant 0 : i32
      %dma_wait3A_1256 = tpu.memref_slice %arg6[%dma_wait3A_1243, %dma_wait3A_1254, %dma_wait3A_1255] : memref<2x400x128xf32, #tpu.memory_space<vmem>> -> memref<1x200x128xf32, #tpu.memory_space<vmem>>
      %dma_wait3A_1257 = tpu.memref_squeeze %dma_wait3A_1256 : memref<1x200x128xf32, #tpu.memory_space<vmem>> -> memref<200x128xf32, #tpu.memory_space<vmem>>
      tpu.wait_dma2 semaphore(%arg10 : memref<!tpu.dma_semaphore, #tpu.memory_space<semaphore_mem>>) src(%dma_wait3A_1257 : memref<200x128xf32, #tpu.memory_space<vmem>>) dst(%dma_wait3A_1253 : memref<200x128xf32, #tpu.memory_space<hbm>>)
      %dma_start3A_1258 = arith.constant 7 : i32
      %dma_start3A_1259 = arith.constant 0 : i32
      %dma_start3A_1260 = arith.constant 1 : i32
      %dma_start3A_1261 = arith.constant 0 : i32
      %dma_start3A_1262 = arith.constant 0 : i32
      %dma_start3A_1263 = tpu.memref_slice %arg6[%dma_start3A_1260, %dma_start3A_1261, %dma_start3A_1262] : memref<2x400x128xf32, #tpu.memory_space<vmem>> -> memref<1x100x128xf32, #tpu.memory_space<vmem>>
      %dma_start3A_1264 = tpu.memref_squeeze %dma_start3A_1263 : memref<1x100x128xf32, #tpu.memory_space<vmem>> -> memref<100x128xf32, #tpu.memory_space<vmem>>
      %dma_start3A_1265 = arith.constant 0 : i32
      %dma_start3A_1266 = tpu.memref_slice %arg5[%dma_start3A_1258, %dma_start3A_1259, %dma_start3A_1265] : memref<8x4x100xi32, #tpu.memory_space<vmem>> -> memref<1x1x100xi32, #tpu.memory_space<vmem>>
      %dma_start3A_1267 = tpu.memref_squeeze %dma_start3A_1266 : memref<1x1x100xi32, #tpu.memory_space<vmem>> -> memref<100xi32, #tpu.memory_space<vmem>>
      %dma_start3A_1268 = arith.constant 0 : i32
      %dma_start3A_1269 = arith.constant 0 : i32
      %dma_start3A_1270 = tpu.memref_slice %arg7[%dma_start3A_1268, %dma_start3A_1269] : memref<16x128xf32, #tpu.memory_space<vmem_shared>> -> memref<16x128xf32, #tpu.memory_space<vmem_shared>>
      tpu.enqueue_indirect_dma source(%dma_start3A_1270 : memref<16x128xf32, #tpu.memory_space<vmem_shared>>) target(%dma_start3A_1264 : memref<100x128xf32, #tpu.memory_space<vmem>>) offsets(%dma_start3A_1267 : memref<100xi32, #tpu.memory_space<vmem>>) semaphore(%arg8 : memref<!tpu.dma_semaphore, #tpu.memory_space<semaphore_mem>>)
      %dma_start3A_1271 = arith.constant 7 : i32
      %dma_start3A_1272 = arith.constant 1 : i32
      %dma_start3A_1273 = arith.constant 1 : i32
      %dma_start3A_1274 = arith.constant 100 : i32
      %dma_start3A_1275 = arith.constant 0 : i32
      %dma_start3A_1276 = tpu.memref_slice %arg6[%dma_start3A_1273, %dma_start3A_1274, %dma_start3A_1275] : memref<2x400x128xf32, #tpu.memory_space<vmem>> -> memref<1x100x128xf32, #tpu.memory_space<vmem>>
      %dma_start3A_1277 = tpu.memref_squeeze %dma_start3A_1276 : memref<1x100x128xf32, #tpu.memory_space<vmem>> -> memref<100x128xf32, #tpu.memory_space<vmem>>
      %dma_start3A_1278 = arith.constant 0 : i32
      %dma_start3A_1279 = tpu.memref_slice %arg5[%dma_start3A_1271, %dma_start3A_1272, %dma_start3A_1278] : memref<8x4x100xi32, #tpu.memory_space<vmem>> -> memref<1x1x100xi32, #tpu.memory_space<vmem>>
      %dma_start3A_1280 = tpu.memref_squeeze %dma_start3A_1279 : memref<1x1x100xi32, #tpu.memory_space<vmem>> -> memref<100xi32, #tpu.memory_space<vmem>>
      %dma_start3A_1281 = arith.constant 0 : i32
      %dma_start3A_1282 = arith.constant 0 : i32
      %dma_start3A_1283 = tpu.memref_slice %arg7[%dma_start3A_1281, %dma_start3A_1282] : memref<16x128xf32, #tpu.memory_space<vmem_shared>> -> memref<16x128xf32, #tpu.memory_space<vmem_shared>>
      tpu.enqueue_indirect_dma source(%dma_start3A_1283 : memref<16x128xf32, #tpu.memory_space<vmem_shared>>) target(%dma_start3A_1277 : memref<100x128xf32, #tpu.memory_space<vmem>>) offsets(%dma_start3A_1280 : memref<100xi32, #tpu.memory_space<vmem>>) semaphore(%arg8 : memref<!tpu.dma_semaphore, #tpu.memory_space<semaphore_mem>>)
      %dma_start3A_1284 = arith.constant 7 : i32
      %dma_start3A_1285 = arith.constant 2 : i32
      %dma_start3A_1286 = arith.constant 1 : i32
      %dma_start3A_1287 = arith.constant 200 : i32
      %dma_start3A_1288 = arith.constant 0 : i32
      %dma_start3A_1289 = tpu.memref_slice %arg6[%dma_start3A_1286, %dma_start3A_1287, %dma_start3A_1288] : memref<2x400x128xf32, #tpu.memory_space<vmem>> -> memref<1x100x128xf32, #tpu.memory_space<vmem>>
      %dma_start3A_1290 = tpu.memref_squeeze %dma_start3A_1289 : memref<1x100x128xf32, #tpu.memory_space<vmem>> -> memref<100x128xf32, #tpu.memory_space<vmem>>
      %dma_start3A_1291 = arith.constant 0 : i32
      %dma_start3A_1292 = tpu.memref_slice %arg5[%dma_start3A_1284, %dma_start3A_1285, %dma_start3A_1291] : memref<8x4x100xi32, #tpu.memory_space<vmem>> -> memref<1x1x100xi32, #tpu.memory_space<vmem>>
      %dma_start3A_1293 = tpu.memref_squeeze %dma_start3A_1292 : memref<1x1x100xi32, #tpu.memory_space<vmem>> -> memref<100xi32, #tpu.memory_space<vmem>>
      %dma_start3A_1294 = arith.constant 0 : i32
      %dma_start3A_1295 = arith.constant 0 : i32
      %dma_start3A_1296 = tpu.memref_slice %arg7[%dma_start3A_1294, %dma_start3A_1295] : memref<16x128xf32, #tpu.memory_space<vmem_shared>> -> memref<16x128xf32, #tpu.memory_space<vmem_shared>>
      tpu.enqueue_indirect_dma source(%dma_start3A_1296 : memref<16x128xf32, #tpu.memory_space<vmem_shared>>) target(%dma_start3A_1290 : memref<100x128xf32, #tpu.memory_space<vmem>>) offsets(%dma_start3A_1293 : memref<100xi32, #tpu.memory_space<vmem>>) semaphore(%arg8 : memref<!tpu.dma_semaphore, #tpu.memory_space<semaphore_mem>>)
      %dma_start3A_1297 = arith.constant 7 : i32
      %dma_start3A_1298 = arith.constant 3 : i32
      %dma_start3A_1299 = arith.constant 1 : i32
      %dma_start3A_1300 = arith.constant 300 : i32
      %dma_start3A_1301 = arith.constant 0 : i32
      %dma_start3A_1302 = tpu.memref_slice %arg6[%dma_start3A_1299, %dma_start3A_1300, %dma_start3A_1301] : memref<2x400x128xf32, #tpu.memory_space<vmem>> -> memref<1x100x128xf32, #tpu.memory_space<vmem>>
      %dma_start3A_1303 = tpu.memref_squeeze %dma_start3A_1302 : memref<1x100x128xf32, #tpu.memory_space<vmem>> -> memref<100x128xf32, #tpu.memory_space<vmem>>
      %dma_start3A_1304 = arith.constant 0 : i32
      %dma_start3A_1305 = tpu.memref_slice %arg5[%dma_start3A_1297, %dma_start3A_1298, %dma_start3A_1304] : memref<8x4x100xi32, #tpu.memory_space<vmem>> -> memref<1x1x100xi32, #tpu.memory_space<vmem>>
      %dma_start3A_1306 = tpu.memref_squeeze %dma_start3A_1305 : memref<1x1x100xi32, #tpu.memory_space<vmem>> -> memref<100xi32, #tpu.memory_space<vmem>>
      %dma_start3A_1307 = arith.constant 0 : i32
      %dma_start3A_1308 = arith.constant 0 : i32
      %dma_start3A_1309 = tpu.memref_slice %arg7[%dma_start3A_1307, %dma_start3A_1308] : memref<16x128xf32, #tpu.memory_space<vmem_shared>> -> memref<16x128xf32, #tpu.memory_space<vmem_shared>>
      tpu.enqueue_indirect_dma source(%dma_start3A_1309 : memref<16x128xf32, #tpu.memory_space<vmem_shared>>) target(%dma_start3A_1303 : memref<100x128xf32, #tpu.memory_space<vmem>>) offsets(%dma_start3A_1306 : memref<100xi32, #tpu.memory_space<vmem>>) semaphore(%arg8 : memref<!tpu.dma_semaphore, #tpu.memory_space<semaphore_mem>>)
      %dma_wait3A_1310 = arith.constant 7 : i32
      %dma_wait3A_1311 = arith.constant 0 : i32
      %dma_wait3A_1312 = arith.constant 1 : i32
      %dma_wait3A_1313 = arith.constant 0 : i32
      %dma_wait3A_1314 = arith.constant 0 : i32
      %dma_wait3A_1315 = tpu.memref_slice %arg6[%dma_wait3A_1312, %dma_wait3A_1313, %dma_wait3A_1314] : memref<2x400x128xf32, #tpu.memory_space<vmem>> -> memref<1x100x128xf32, #tpu.memory_space<vmem>>
      %dma_wait3A_1316 = tpu.memref_squeeze %dma_wait3A_1315 : memref<1x100x128xf32, #tpu.memory_space<vmem>> -> memref<100x128xf32, #tpu.memory_space<vmem>>
      %dma_wait3A_1317 = arith.constant 0 : i32
      %dma_wait3A_1318 = tpu.memref_slice %arg5[%dma_wait3A_1310, %dma_wait3A_1311, %dma_wait3A_1317] : memref<8x4x100xi32, #tpu.memory_space<vmem>> -> memref<1x1x100xi32, #tpu.memory_space<vmem>>
      %dma_wait3A_1319 = tpu.memref_squeeze %dma_wait3A_1318 : memref<1x1x100xi32, #tpu.memory_space<vmem>> -> memref<100xi32, #tpu.memory_space<vmem>>
      %dma_wait3A_1320 = arith.constant 0 : i32
      %dma_wait3A_1321 = arith.constant 0 : i32
      %dma_wait3A_1322 = tpu.memref_slice %arg7[%dma_wait3A_1320, %dma_wait3A_1321] : memref<16x128xf32, #tpu.memory_space<vmem_shared>> -> memref<16x128xf32, #tpu.memory_space<vmem_shared>>
      tpu.wait_indirect_dma semaphore(%arg8 : memref<!tpu.dma_semaphore, #tpu.memory_space<semaphore_mem>>) src(%dma_wait3A_1322 : memref<16x128xf32, #tpu.memory_space<vmem_shared>>) dst(%dma_wait3A_1316 : memref<100x128xf32, #tpu.memory_space<vmem>>)
      %dma_wait3A_1323 = arith.constant 7 : i32
      %dma_wait3A_1324 = arith.constant 1 : i32
      %dma_wait3A_1325 = arith.constant 1 : i32
      %dma_wait3A_1326 = arith.constant 100 : i32
      %dma_wait3A_1327 = arith.constant 0 : i32
      %dma_wait3A_1328 = tpu.memref_slice %arg6[%dma_wait3A_1325, %dma_wait3A_1326, %dma_wait3A_1327] : memref<2x400x128xf32, #tpu.memory_space<vmem>> -> memref<1x100x128xf32, #tpu.memory_space<vmem>>
      %dma_wait3A_1329 = tpu.memref_squeeze %dma_wait3A_1328 : memref<1x100x128xf32, #tpu.memory_space<vmem>> -> memref<100x128xf32, #tpu.memory_space<vmem>>
      %dma_wait3A_1330 = arith.constant 0 : i32
      %dma_wait3A_1331 = tpu.memref_slice %arg5[%dma_wait3A_1323, %dma_wait3A_1324, %dma_wait3A_1330] : memref<8x4x100xi32, #tpu.memory_space<vmem>> -> memref<1x1x100xi32, #tpu.memory_space<vmem>>
      %dma_wait3A_1332 = tpu.memref_squeeze %dma_wait3A_1331 : memref<1x1x100xi32, #tpu.memory_space<vmem>> -> memref<100xi32, #tpu.memory_space<vmem>>
      %dma_wait3A_1333 = arith.constant 0 : i32
      %dma_wait3A_1334 = arith.constant 0 : i32
      %dma_wait3A_1335 = tpu.memref_slice %arg7[%dma_wait3A_1333, %dma_wait3A_1334] : memref<16x128xf32, #tpu.memory_space<vmem_shared>> -> memref<16x128xf32, #tpu.memory_space<vmem_shared>>
      tpu.wait_indirect_dma semaphore(%arg8 : memref<!tpu.dma_semaphore, #tpu.memory_space<semaphore_mem>>) src(%dma_wait3A_1335 : memref<16x128xf32, #tpu.memory_space<vmem_shared>>) dst(%dma_wait3A_1329 : memref<100x128xf32, #tpu.memory_space<vmem>>)
      %add3A_1336 = arith.constant 7 : i32
      %add3A_1337 = arith.addi %select_n3A, %add3A_1336 : i32
      %mul3A_1338 = arith.constant 400 : i32
      %mul3A_1339 = arith.muli %add3A_1337, %mul3A_1338 : i32
      %add3A_1340 = arith.constant 0 : i32
      %add3A_1341 = arith.addi %mul3A_1339, %add3A_1340 : i32
      %dma_start3A_1342 = arith.constant 1 : i32
      %dma_start3A_1343 = arith.constant 0 : i32
      %dma_start3A_1344 = arith.constant 0 : i32
      %dma_start3A_1345 = tpu.memref_slice %arg6[%dma_start3A_1342, %dma_start3A_1343, %dma_start3A_1344] : memref<2x400x128xf32, #tpu.memory_space<vmem>> -> memref<1x200x128xf32, #tpu.memory_space<vmem>>
      %dma_start3A_1346 = tpu.memref_squeeze %dma_start3A_1345 : memref<1x200x128xf32, #tpu.memory_space<vmem>> -> memref<200x128xf32, #tpu.memory_space<vmem>>
      %dma_start3A_1347 = arith.constant 0 : i32
      %dma_start3A_1348 = tpu.memref_slice %arg4[%add3A_1341, %dma_start3A_1347] : memref<100000x128xf32, #tpu.memory_space<hbm>> -> memref<200x128xf32, #tpu.memory_space<hbm>>
      %dma_start3A_1349 = arith.constant 0 : i32
      %dma_start3A_1350 = tpu.memref_slice %arg4[%add3A_1341, %dma_start3A_1349] : memref<100000x128xf32, #tpu.memory_space<hbm>> -> memref<200x128xf32, #tpu.memory_space<hbm>>
      %dma_start3A_1351 = arith.constant 0 : i32
      %dma_start3A_1352 = arith.constant 0 : i32
      %dma_start3A_1353 = tpu.memref_slice %arg6[%dma_start3A_1342, %dma_start3A_1351, %dma_start3A_1352] : memref<2x400x128xf32, #tpu.memory_space<vmem>> -> memref<1x200x128xf32, #tpu.memory_space<vmem>>
      %dma_start3A_1354 = tpu.memref_squeeze %dma_start3A_1353 : memref<1x200x128xf32, #tpu.memory_space<vmem>> -> memref<200x128xf32, #tpu.memory_space<vmem>>
      tpu.enqueue_dma source(%dma_start3A_1354 : memref<200x128xf32, #tpu.memory_space<vmem>>) target(%dma_start3A_1350 : memref<200x128xf32, #tpu.memory_space<hbm>>) target_semaphore(%arg10 : memref<!tpu.dma_semaphore, #tpu.memory_space<semaphore_mem>>)
      %dma_wait3A_1355 = arith.constant 7 : i32
      %dma_wait3A_1356 = arith.constant 2 : i32
      %dma_wait3A_1357 = arith.constant 1 : i32
      %dma_wait3A_1358 = arith.constant 200 : i32
      %dma_wait3A_1359 = arith.constant 0 : i32
      %dma_wait3A_1360 = tpu.memref_slice %arg6[%dma_wait3A_1357, %dma_wait3A_1358, %dma_wait3A_1359] : memref<2x400x128xf32, #tpu.memory_space<vmem>> -> memref<1x100x128xf32, #tpu.memory_space<vmem>>
      %dma_wait3A_1361 = tpu.memref_squeeze %dma_wait3A_1360 : memref<1x100x128xf32, #tpu.memory_space<vmem>> -> memref<100x128xf32, #tpu.memory_space<vmem>>
      %dma_wait3A_1362 = arith.constant 0 : i32
      %dma_wait3A_1363 = tpu.memref_slice %arg5[%dma_wait3A_1355, %dma_wait3A_1356, %dma_wait3A_1362] : memref<8x4x100xi32, #tpu.memory_space<vmem>> -> memref<1x1x100xi32, #tpu.memory_space<vmem>>
      %dma_wait3A_1364 = tpu.memref_squeeze %dma_wait3A_1363 : memref<1x1x100xi32, #tpu.memory_space<vmem>> -> memref<100xi32, #tpu.memory_space<vmem>>
      %dma_wait3A_1365 = arith.constant 0 : i32
      %dma_wait3A_1366 = arith.constant 0 : i32
      %dma_wait3A_1367 = tpu.memref_slice %arg7[%dma_wait3A_1365, %dma_wait3A_1366] : memref<16x128xf32, #tpu.memory_space<vmem_shared>> -> memref<16x128xf32, #tpu.memory_space<vmem_shared>>
      tpu.wait_indirect_dma semaphore(%arg8 : memref<!tpu.dma_semaphore, #tpu.memory_space<semaphore_mem>>) src(%dma_wait3A_1367 : memref<16x128xf32, #tpu.memory_space<vmem_shared>>) dst(%dma_wait3A_1361 : memref<100x128xf32, #tpu.memory_space<vmem>>)
      %dma_wait3A_1368 = arith.constant 7 : i32
      %dma_wait3A_1369 = arith.constant 3 : i32
      %dma_wait3A_1370 = arith.constant 1 : i32
      %dma_wait3A_1371 = arith.constant 300 : i32
      %dma_wait3A_1372 = arith.constant 0 : i32
      %dma_wait3A_1373 = tpu.memref_slice %arg6[%dma_wait3A_1370, %dma_wait3A_1371, %dma_wait3A_1372] : memref<2x400x128xf32, #tpu.memory_space<vmem>> -> memref<1x100x128xf32, #tpu.memory_space<vmem>>
      %dma_wait3A_1374 = tpu.memref_squeeze %dma_wait3A_1373 : memref<1x100x128xf32, #tpu.memory_space<vmem>> -> memref<100x128xf32, #tpu.memory_space<vmem>>
      %dma_wait3A_1375 = arith.constant 0 : i32
      %dma_wait3A_1376 = tpu.memref_slice %arg5[%dma_wait3A_1368, %dma_wait3A_1369, %dma_wait3A_1375] : memref<8x4x100xi32, #tpu.memory_space<vmem>> -> memref<1x1x100xi32, #tpu.memory_space<vmem>>
      %dma_wait3A_1377 = tpu.memref_squeeze %dma_wait3A_1376 : memref<1x1x100xi32, #tpu.memory_space<vmem>> -> memref<100xi32, #tpu.memory_space<vmem>>
      %dma_wait3A_1378 = arith.constant 0 : i32
      %dma_wait3A_1379 = arith.constant 0 : i32
      %dma_wait3A_1380 = tpu.memref_slice %arg7[%dma_wait3A_1378, %dma_wait3A_1379] : memref<16x128xf32, #tpu.memory_space<vmem_shared>> -> memref<16x128xf32, #tpu.memory_space<vmem_shared>>
      tpu.wait_indirect_dma semaphore(%arg8 : memref<!tpu.dma_semaphore, #tpu.memory_space<semaphore_mem>>) src(%dma_wait3A_1380 : memref<16x128xf32, #tpu.memory_space<vmem_shared>>) dst(%dma_wait3A_1374 : memref<100x128xf32, #tpu.memory_space<vmem>>)
      %add3A_1381 = arith.constant 7 : i32
      %add3A_1382 = arith.addi %select_n3A, %add3A_1381 : i32
      %mul3A_1383 = arith.constant 400 : i32
      %mul3A_1384 = arith.muli %add3A_1382, %mul3A_1383 : i32
      %add3A_1385 = arith.constant 200 : i32
      %add3A_1386 = arith.addi %mul3A_1384, %add3A_1385 : i32
      %dma_start3A_1387 = arith.constant 1 : i32
      %dma_start3A_1388 = arith.constant 200 : i32
      %dma_start3A_1389 = arith.constant 0 : i32
      %dma_start3A_1390 = tpu.memref_slice %arg6[%dma_start3A_1387, %dma_start3A_1388, %dma_start3A_1389] : memref<2x400x128xf32, #tpu.memory_space<vmem>> -> memref<1x200x128xf32, #tpu.memory_space<vmem>>
      %dma_start3A_1391 = tpu.memref_squeeze %dma_start3A_1390 : memref<1x200x128xf32, #tpu.memory_space<vmem>> -> memref<200x128xf32, #tpu.memory_space<vmem>>
      %dma_start3A_1392 = arith.constant 0 : i32
      %dma_start3A_1393 = tpu.memref_slice %arg4[%add3A_1386, %dma_start3A_1392] : memref<100000x128xf32, #tpu.memory_space<hbm>> -> memref<200x128xf32, #tpu.memory_space<hbm>>
      %dma_start3A_1394 = arith.constant 0 : i32
      %dma_start3A_1395 = tpu.memref_slice %arg4[%add3A_1386, %dma_start3A_1394] : memref<100000x128xf32, #tpu.memory_space<hbm>> -> memref<200x128xf32, #tpu.memory_space<hbm>>
      %dma_start3A_1396 = arith.constant 200 : i32
      %dma_start3A_1397 = arith.constant 0 : i32
      %dma_start3A_1398 = tpu.memref_slice %arg6[%dma_start3A_1387, %dma_start3A_1396, %dma_start3A_1397] : memref<2x400x128xf32, #tpu.memory_space<vmem>> -> memref<1x200x128xf32, #tpu.memory_space<vmem>>
      %dma_start3A_1399 = tpu.memref_squeeze %dma_start3A_1398 : memref<1x200x128xf32, #tpu.memory_space<vmem>> -> memref<200x128xf32, #tpu.memory_space<vmem>>
      tpu.enqueue_dma source(%dma_start3A_1399 : memref<200x128xf32, #tpu.memory_space<vmem>>) target(%dma_start3A_1395 : memref<200x128xf32, #tpu.memory_space<hbm>>) target_semaphore(%arg10 : memref<!tpu.dma_semaphore, #tpu.memory_space<semaphore_mem>>)
    } else {
    }
    %dma_wait3A_1168 = arith.constant 0 : i32
    %dma_wait3A_1169 = arith.constant 0 : i32
    %dma_wait3A_1170 = arith.constant 0 : i32
    %dma_wait3A_1171 = tpu.memref_slice %arg6[%dma_wait3A_1168, %dma_wait3A_1169, %dma_wait3A_1170] : memref<2x400x128xf32, #tpu.memory_space<vmem>> -> memref<1x200x128xf32, #tpu.memory_space<vmem>>
    %dma_wait3A_1172 = tpu.memref_squeeze %dma_wait3A_1171 : memref<1x200x128xf32, #tpu.memory_space<vmem>> -> memref<200x128xf32, #tpu.memory_space<vmem>>
    %dma_wait3A_1173 = arith.constant 0 : i32
    %dma_wait3A_1174 = arith.constant 0 : i32
    %dma_wait3A_1175 = tpu.memref_slice %arg4[%dma_wait3A_1173, %dma_wait3A_1174] : memref<100000x128xf32, #tpu.memory_space<hbm>> -> memref<200x128xf32, #tpu.memory_space<hbm>>
    %dma_wait3A_1176 = arith.constant 0 : i32
    %dma_wait3A_1177 = arith.constant 0 : i32
    %dma_wait3A_1178 = tpu.memref_slice %arg4[%dma_wait3A_1176, %dma_wait3A_1177] : memref<100000x128xf32, #tpu.memory_space<hbm>> -> memref<200x128xf32, #tpu.memory_space<hbm>>
    %dma_wait3A_1179 = arith.constant 0 : i32
    %dma_wait3A_1180 = arith.constant 0 : i32
    %dma_wait3A_1181 = tpu.memref_slice %arg6[%dma_wait3A_1168, %dma_wait3A_1179, %dma_wait3A_1180] : memref<2x400x128xf32, #tpu.memory_space<vmem>> -> memref<1x200x128xf32, #tpu.memory_space<vmem>>
    %dma_wait3A_1182 = tpu.memref_squeeze %dma_wait3A_1181 : memref<1x200x128xf32, #tpu.memory_space<vmem>> -> memref<200x128xf32, #tpu.memory_space<vmem>>
    tpu.wait_dma2 semaphore(%arg9 : memref<!tpu.dma_semaphore, #tpu.memory_space<semaphore_mem>>) src(%dma_wait3A_1182 : memref<200x128xf32, #tpu.memory_space<vmem>>) dst(%dma_wait3A_1178 : memref<200x128xf32, #tpu.memory_space<hbm>>)
    %dma_wait3A_1183 = arith.constant 0 : i32
    %dma_wait3A_1184 = arith.constant 200 : i32
    %dma_wait3A_1185 = arith.constant 0 : i32
    %dma_wait3A_1186 = tpu.memref_slice %arg6[%dma_wait3A_1183, %dma_wait3A_1184, %dma_wait3A_1185] : memref<2x400x128xf32, #tpu.memory_space<vmem>> -> memref<1x200x128xf32, #tpu.memory_space<vmem>>
    %dma_wait3A_1187 = tpu.memref_squeeze %dma_wait3A_1186 : memref<1x200x128xf32, #tpu.memory_space<vmem>> -> memref<200x128xf32, #tpu.memory_space<vmem>>
    %dma_wait3A_1188 = arith.constant 200 : i32
    %dma_wait3A_1189 = arith.constant 0 : i32
    %dma_wait3A_1190 = tpu.memref_slice %arg4[%dma_wait3A_1188, %dma_wait3A_1189] : memref<100000x128xf32, #tpu.memory_space<hbm>> -> memref<200x128xf32, #tpu.memory_space<hbm>>
    %dma_wait3A_1191 = arith.constant 200 : i32
    %dma_wait3A_1192 = arith.constant 0 : i32
    %dma_wait3A_1193 = tpu.memref_slice %arg4[%dma_wait3A_1191, %dma_wait3A_1192] : memref<100000x128xf32, #tpu.memory_space<hbm>> -> memref<200x128xf32, #tpu.memory_space<hbm>>
    %dma_wait3A_1194 = arith.constant 200 : i32
    %dma_wait3A_1195 = arith.constant 0 : i32
    %dma_wait3A_1196 = tpu.memref_slice %arg6[%dma_wait3A_1183, %dma_wait3A_1194, %dma_wait3A_1195] : memref<2x400x128xf32, #tpu.memory_space<vmem>> -> memref<1x200x128xf32, #tpu.memory_space<vmem>>
    %dma_wait3A_1197 = tpu.memref_squeeze %dma_wait3A_1196 : memref<1x200x128xf32, #tpu.memory_space<vmem>> -> memref<200x128xf32, #tpu.memory_space<vmem>>
    tpu.wait_dma2 semaphore(%arg9 : memref<!tpu.dma_semaphore, #tpu.memory_space<semaphore_mem>>) src(%dma_wait3A_1197 : memref<200x128xf32, #tpu.memory_space<vmem>>) dst(%dma_wait3A_1193 : memref<200x128xf32, #tpu.memory_space<hbm>>)
    %dma_wait3A_1198 = arith.constant 1 : i32
    %dma_wait3A_1199 = arith.constant 0 : i32
    %dma_wait3A_1200 = arith.constant 0 : i32
    %dma_wait3A_1201 = tpu.memref_slice %arg6[%dma_wait3A_1198, %dma_wait3A_1199, %dma_wait3A_1200] : memref<2x400x128xf32, #tpu.memory_space<vmem>> -> memref<1x200x128xf32, #tpu.memory_space<vmem>>
    %dma_wait3A_1202 = tpu.memref_squeeze %dma_wait3A_1201 : memref<1x200x128xf32, #tpu.memory_space<vmem>> -> memref<200x128xf32, #tpu.memory_space<vmem>>
    %dma_wait3A_1203 = arith.constant 0 : i32
    %dma_wait3A_1204 = arith.constant 0 : i32
    %dma_wait3A_1205 = tpu.memref_slice %arg4[%dma_wait3A_1203, %dma_wait3A_1204] : memref<100000x128xf32, #tpu.memory_space<hbm>> -> memref<200x128xf32, #tpu.memory_space<hbm>>
    %dma_wait3A_1206 = arith.constant 0 : i32
    %dma_wait3A_1207 = arith.constant 0 : i32
    %dma_wait3A_1208 = tpu.memref_slice %arg4[%dma_wait3A_1206, %dma_wait3A_1207] : memref<100000x128xf32, #tpu.memory_space<hbm>> -> memref<200x128xf32, #tpu.memory_space<hbm>>
    %dma_wait3A_1209 = arith.constant 0 : i32
    %dma_wait3A_1210 = arith.constant 0 : i32
    %dma_wait3A_1211 = tpu.memref_slice %arg6[%dma_wait3A_1198, %dma_wait3A_1209, %dma_wait3A_1210] : memref<2x400x128xf32, #tpu.memory_space<vmem>> -> memref<1x200x128xf32, #tpu.memory_space<vmem>>
    %dma_wait3A_1212 = tpu.memref_squeeze %dma_wait3A_1211 : memref<1x200x128xf32, #tpu.memory_space<vmem>> -> memref<200x128xf32, #tpu.memory_space<vmem>>
    tpu.wait_dma2 semaphore(%arg10 : memref<!tpu.dma_semaphore, #tpu.memory_space<semaphore_mem>>) src(%dma_wait3A_1212 : memref<200x128xf32, #tpu.memory_space<vmem>>) dst(%dma_wait3A_1208 : memref<200x128xf32, #tpu.memory_space<hbm>>)
    %dma_wait3A_1213 = arith.constant 1 : i32
    %dma_wait3A_1214 = arith.constant 200 : i32
    %dma_wait3A_1215 = arith.constant 0 : i32
    %dma_wait3A_1216 = tpu.memref_slice %arg6[%dma_wait3A_1213, %dma_wait3A_1214, %dma_wait3A_1215] : memref<2x400x128xf32, #tpu.memory_space<vmem>> -> memref<1x200x128xf32, #tpu.memory_space<vmem>>
    %dma_wait3A_1217 = tpu.memref_squeeze %dma_wait3A_1216 : memref<1x200x128xf32, #tpu.memory_space<vmem>> -> memref<200x128xf32, #tpu.memory_space<vmem>>
    %dma_wait3A_1218 = arith.constant 200 : i32
    %dma_wait3A_1219 = arith.constant 0 : i32
    %dma_wait3A_1220 = tpu.memref_slice %arg4[%dma_wait3A_1218, %dma_wait3A_1219] : memref<100000x128xf32, #tpu.memory_space<hbm>> -> memref<200x128xf32, #tpu.memory_space<hbm>>
    %dma_wait3A_1221 = arith.constant 200 : i32
    %dma_wait3A_1222 = arith.constant 0 : i32
    %dma_wait3A_1223 = tpu.memref_slice %arg4[%dma_wait3A_1221, %dma_wait3A_1222] : memref<100000x128xf32, #tpu.memory_space<hbm>> -> memref<200x128xf32, #tpu.memory_space<hbm>>
    %dma_wait3A_1224 = arith.constant 200 : i32
    %dma_wait3A_1225 = arith.constant 0 : i32
    %dma_wait3A_1226 = tpu.memref_slice %arg6[%dma_wait3A_1213, %dma_wait3A_1224, %dma_wait3A_1225] : memref<2x400x128xf32, #tpu.memory_space<vmem>> -> memref<1x200x128xf32, #tpu.memory_space<vmem>>
    %dma_wait3A_1227 = tpu.memref_squeeze %dma_wait3A_1226 : memref<1x200x128xf32, #tpu.memory_space<vmem>> -> memref<200x128xf32, #tpu.memory_space<vmem>>
    tpu.wait_dma2 semaphore(%arg10 : memref<!tpu.dma_semaphore, #tpu.memory_space<semaphore_mem>>) src(%dma_wait3A_1227 : memref<200x128xf32, #tpu.memory_space<vmem>>) dst(%dma_wait3A_1223 : memref<200x128xf32, #tpu.memory_space<hbm>>)
    return
  }
}

</mosaic_0001>

<sc_bundles>
// kernel: kernel.3.cloned.1.call-start
scs
__scs_entry_jumppad:
0x0: {  	(pc) =	sbr.rel $0x88, $3  }
0x1: {  	(tag) =	ssettag $0x0;
	lr =	simm.s32 $0x1  }
0x2: {  	[smem:$0x3F9F] =	sst lr;
	_ =	strace $0xD0000000  }
0x3: {  	_ = 	snop  }
0x4: {  	_ = 	snop  }
0x5: {  	_ = 	snop  }
0x6: {  	_ = 	snop  }
0x7: {  	_ = 	snop  }
__scs_overlays_trampoline_lowered:
0x8: {  	[smem:$0x3FAE] =	sst s0  }
0x9: {  	[smem:$0x3FAF] =	sst s1  }
0xa: {  	[smem:$0x3FB0] =	sst s2  }
0xb: {  	[smem:$0x3FB1] =	sst s3  }
0xc: {  	[smem:$0x3FB2] =	sst s4  }
0xd: {  	[smem:$0x3FB3] =	sst s5  }
0xe: {  	[smem:$0x3FB4] =	sst s6  }
0xf: {  	[smem:$0x3FB5] =	sst s7  }
0x10: {  	[smem:$0x3FB6] =	sst s8  }
0x11: {  	[smem:$0x3FB7] =	sst s9;
	s0 =	simm.s32 @!p0 $0x0  }
0x12: {  	s1 =	sld [smem:$0x3F9D];
	s0 =	simm.s32 @p0 $0x1  }
0x13: {  	[smem:$0x3FB8] =	sst s0;
	s0 =	simm.s32 @!p1 $0x0  }
0x14: {  	s2 =	sld [smem:$0x3F9C];
	s0 =	simm.s32 @p1 $0x1  }
0x15: {  	[smem:$0x3FB9] =	sst s0;
	s0 =	simm.s32 @!p2 $0x0  }
0x16: {  	s3 =	sld [smem:$0x3FDB];
	s0 =	simm.s32 @p2 $0x1  }
0x17: {  	s4 =	simm.s32 $0x1BF5;
	[smem:$0x3FBB] =	sst s0  }
0x18: {  	s0 =	sld [smem:$0x3F9E];
	_ =	swait.ge [sflag:s4], $0x0  }
0x19: {  	s7 =	sld [smem:$0x3F9F]  }
0x1a: {  	s8 =	sadd.s32 $0xFFFFE003, lr  }
0x1b: {  	s9 =	sadd.s32 $0xFFFFFEF7, lr;
	s5 =	simm.s32 $0xFFFFFFFF;
	p2 =	slt.u32 s8, $0xFFFFF086  }
0x1c: {  	p1 =	slt.u32 s9, $0xF7A;
	s5 =	simm.s32 @!p2 $0x0  }
0x1d: {  	s5 =	simm.s32 @p1 $0x1;
	p0 =	seq.s32 s7, s2  }
0x1e: {  	s7 =	smul.u32 @!p0 $0xF7A, s2;
	p2 =	seq.s32 @!p0 s5, $0x0  }
0x1f: {  	s9 =	smul.u32 $0xF7A, s1;
	s8 =	simm.s32 @!p0 $0x1BF5;
	p2 =	por !p2, p0  }
0x20: {  	[sflag:s8] =	ssyncset.s32 @!p0 $0xFFFFF086;
	s6 =	sadd.s32 @!p0 s3, s7;
	s7 =	simm.s32 @!p0 $0x108  }
0x21: {  	s3 =	sadd.s32 s3, s9;
	s6 =	sadd.s32 @!p0 $0x88, s6;
	s7 =	simm.s32 @p2 $0x1082  }
0x22: {  	[simem:s7], [sflag:s8] =	dma.local @!p0 [hbm:s6], $0xF7A  }
0x23: {  	s9 =	sor.u32 $0xD0000000, s2;
	s6 =	simm.s32 $0x108;
	_ =	swait.ge @!p0 [sflag:s8], $0x0  }
0x24: {  	s3 =	sadd.s32 $0x88, s3;
	s6 =	simm.s32 @!p1 $0x1082;
	[sflag:s4] =	ssyncset.s32 $0xFFFFF086  }
0x25: {  	[simem:s6], [sflag:s4] =	dma.local [hbm:s3], $0xF7A  }
0x26: {  	[smem:$0x3F9F] =	sst s1;
	(tag) =	ssettag s2;
	_ =	strace s9  }
0x27: {  	s1 =	sld [smem:$0x3FAF]  }
0x28: {  	s2 =	sld [smem:$0x3FB0]  }
0x29: {  	s4 =	sld [smem:$0x3FB2]  }
0x2a: {  	p0 =	seq.s32 s5, $0x0;
	s5 =	sld [smem:$0x3FB3]  }
0x2b: {  	s6 =	sld [smem:$0x3FB4]  }
0x2c: {  	s7 =	sld [smem:$0x3FB5]  }
0x2d: {  	s3 =	simm.s32 $0x108;
	s8 =	sld [smem:$0x3FB6]  }
0x2e: {  	s3 =	simm.s32 @!p0 $0x1082;
	s9 =	sld [smem:$0x3FB7]  }
0x2f: {  	lr =	sadd.s32 s0, s3;
	s0 =	sld [smem:$0x3FAE]  }
0x30: {  	s3 =	sld [smem:$0x3FB1]  }
0x31: {  	[smem:$0x3FBA] =	sst s10  }
0x32: {  	s10 =	sld [smem:$0x3FB8];
	_ =	sdelay $0x3  }
0x33: {  	p0 =	seq.s32 s10, $0x1;
	s10 =	sld [smem:$0x3FBA];
	_ =	sdelay $0x3  }
0x34: {  	[smem:$0x3FBA] =	sst s10  }
0x35: {  	s10 =	sld [smem:$0x3FB9];
	_ =	sdelay $0x3  }
0x36: {  	p1 =	seq.s32 s10, $0x1;
	s10 =	sld [smem:$0x3FBA];
	_ =	sdelay $0x3  }
0x37: {  	[smem:$0x3FBA] =	sst s10  }
0x38: {  	s10 =	sld [smem:$0x3FBB]  }
0x39: {  	_ = 	snop;
	(pc) =	sbr.ind lr, $3  }
0x3a: {  	_ = 	snop  }
0x3b: {  	_ = 	snop  }
0x3c: {  	p2 =	seq.s32 s10, $0x1;
	s10 =	sld [smem:$0x3FBA]  }
0x3d: {  	_ =	shalt  }
0x3e: {  	_ =	shalt  }
0x3f: {  	_ =	shalt  }
0x40: {  	_ =	shalt  }
0x41: {  	_ =	shalt  }
0x42: {  	_ =	shalt  }
0x43: {  	_ =	shalt  }
0x44: {  	_ =	shalt  }
0x45: {  	_ =	shalt  }
0x46: {  	_ =	shalt  }
0x47: {  	_ =	shalt  }
0x48: {  	_ =	shalt  }
0x49: {  	_ =	shalt  }
0x4a: {  	_ =	shalt  }
0x4b: {  	_ =	shalt  }
0x4c: {  	_ =	shalt  }
0x4d: {  	_ =	shalt  }
0x4e: {  	_ =	shalt  }
0x4f: {  	_ =	shalt  }
0x50: {  	_ =	shalt  }
0x51: {  	_ =	shalt  }
0x52: {  	_ =	shalt  }
0x53: {  	_ =	shalt  }
0x54: {  	_ =	shalt  }
0x55: {  	_ =	shalt  }
0x56: {  	_ =	shalt  }
0x57: {  	_ =	shalt  }
0x58: {  	_ =	shalt  }
0x59: {  	_ =	shalt  }
0x5a: {  	_ =	shalt  }
0x5b: {  	_ =	shalt  }
0x5c: {  	_ =	shalt  }
0x5d: {  	_ =	shalt  }
0x5e: {  	_ =	shalt  }
0x5f: {  	_ =	shalt  }
0x60: {  	_ =	shalt  }
0x61: {  	_ =	shalt  }
0x62: {  	_ =	shalt  }
0x63: {  	_ =	shalt  }
0x64: {  	_ =	shalt  }
0x65: {  	_ =	shalt  }
0x66: {  	_ =	shalt  }
0x67: {  	_ =	shalt  }
0x68: {  	_ =	shalt  }
0x69: {  	_ =	shalt  }
0x6a: {  	_ =	shalt  }
0x6b: {  	_ =	shalt  }
0x6c: {  	_ =	shalt  }
0x6d: {  	_ =	shalt  }
0x6e: {  	_ =	shalt  }
0x6f: {  	_ =	shalt  }
0x70: {  	_ =	shalt  }
0x71: {  	_ =	shalt  }
0x72: {  	_ =	shalt  }
0x73: {  	_ =	shalt  }
0x74: {  	_ =	shalt  }
0x75: {  	_ =	shalt  }
0x76: {  	_ =	shalt  }
0x77: {  	_ =	shalt  }
0x78: {  	_ =	shalt  }
0x79: {  	_ =	shalt  }
0x7a: {  	_ =	shalt  }
0x7b: {  	_ =	shalt  }
0x7c: {  	_ =	shalt  }
0x7d: {  	_ =	shalt  }
0x7e: {  	_ =	shalt  }
0x7f: {  	_ =	shalt  }
0x80: {  	_ =	shalt  }
0x81: {  	_ =	shalt  }
0x82: {  	_ =	shalt  }
0x83: {  	_ =	shalt  }
0x84: {  	_ =	shalt  }
0x85: {  	_ =	shalt  }
0x86: {  	_ =	shalt  }
0x87: {  	_ =	shalt  }
.Lfunc_end0:
.L_simem_size_0:
called_computation_lowered:
.L_overlay_start_0:
0x88: {  	s2 =	sld [smem:$0x3FD9]  }
0x89: {  	s3 =	sld [smem:$0x3FFE];
	_ =	sdelay $0x1  }
0x8a: {  	s1 =	srdreg.scid  }
0x8b: {  	s0 =	sand.u32 $0x1, s1  }
0x8c: {  	s17 =	sshll.u32 s0, $0xA;
	s2 =	sadd.s32 s3, s2  }
0x8d: {  	s2 =	sadd.s32 s2, s17  }
0x8e: {  	[smem:$0x3FC6] =	sst s2  }
0x8f: {  	_ = 	snop  }
0x90: {  	s2 =	sld [smem:$0x3FC8]  }
0x91: {  	s18 =	sld [smem:$0x3FD0];
	(tm) =	ssettm $0x1  }
0x92: {  	s4 =	sld [smem:$0x3FFB];
	_ =	sdelay $0x3  }
0x93: {  	_ =	strace s4  }
0x94: {  	s4 =	sld [smem:$0x3FFC];
	_ =	sdelay $0x3  }
0x95: {  	_ =	strace s4  }
0x96: {  	s4 =	sld [smem:$0x3FFD];
	_ =	sdelay $0x3  }
0x97: {  	_ =	strace s4  }
0x98: {  	_ =	strace $0x8FFFFFFF  }
0x99: {  	s19 =	sld [smem:$0x3FDB];
	_ =	sdelay $0x1  }
0x9a: {  	s5 =	simm.s32 $_scs_section_size  }
0x9b: {  	s6 =	simm.s32 $_size__tile_overlayer_lowered;
	s7 =	simm.s32 $_tile_overlayer_lowered  }
0x9c: {  	s22 =	simm.s32 $0x1BFF;
	s21 =	sshll.u32 s7, $0x1;
	s4 =	sadd.s32 s5, s19  }
0x9d: {  	s8 =	simm.s32 $0x0;
	s20 =	sshll.u32 s6, $0x1;
	s6 =	sadd.s32 s21, s4  }
0x9e: {  	[timem:s8], [sflag:s22] =	dma.local [hbm:s6], s20  }
0x9f: {  	_ =	swait.ge [sflag:s22], s20  }
0xa0: {  	s5 =	ssub.s32 $0x0, s20;
	[sflag:s22] =	ssyncset.done $0x0  }
0xa1: {  	[sflag:s22] =	ssyncadd.s32 s5;
	_ =	sdelay $0x1  }
0xa2: {  	s23 =	simm.s32 $0x1B8B  }
0xa3: {  	_ =	swait.ge [sflag:s23], $0x1  }
0xa4: {  	[sflag:s23] =	ssyncset.done $0x0  }
0xa5: {  	s25 =	simm.s32 $0x1B8E;
	s24 =	sld [smem:$0x3FFE];
	[sflag:s23] =	ssyncadd.s32 $0xFFFFFFFF  }
0xa6: {  	s26 =	simm.s32 $execute0_lowered;
	[smem:$0x3FD2] =	sst s25  }
0xa7: {  	s6 =	sshll.u32 s26, $0x1;
	_ =	strace $0x80000046;
	[dreg:$0x1] =	wrdreg $0xFFFFFFFF  }
0xa8: {  	s28 =	simm.s32 $_size_execute0_lowered;
	s4 =	sadd.s32 s4, s6;
	[dreg:$0x0] =	wrdreg $0x0  }
0xa9: {  	s6 =	sshll.u32 s28, $0x1;
	[dreg:$0x2] =	wrdreg s4  }
0xaa: {  	[dreg:$0x3] =	wrdreg s6  }
0xab: {  	[dreg:$0x4] =	wrdreg $0xC0  }
0xac: {  	_ =	task [dreg:s8], $0x5FFFF  }
0xad: {  	[dreg:$0x1] =	wrdreg $0xFFFFFFFF  }
0xae: {  	[dreg:$0x0] =	wrdreg $0x60  }
0xaf: {  	[dreg:$0x2] =	wrdreg s24  }
0xb0: {  	[dreg:$0x3] =	wrdreg s2  }
0xb1: {  	[dreg:$0x4] =	wrdreg s18  }
0xb2: {  	[dreg:$0x5] =	wrdreg $0x1A0000  }
0xb3: {  	[dreg:$0x6] =	wrdreg $0x9  }
0xb4: {  	_ =	task.clear_ibuf [dreg:s8], $0x7FFFF;
	_ =	strace $0x90000046  }
0xb5: {  	s29 =	simm.s32 $0x9;
	_ =	strace $0x80000048  }
0xb6: {  	_ =	swait.ge [sflag:s29], $0x1  }
0xb7: {  	[sflag:s29] =	ssyncadd.s32 $0xFFFFFFFF  }
0xb8: {  	_ =	strace $0x90000048  }
0xb9: {  	_ =	sfence  }
0xba: {  	s30 =	sld [smem:$0x0];
	_ =	sdelay $0x2  }
0xbb: {  	s31 =	sshll.u32 s1, $0xD;
	s1 =	sshrl.u32 s1, $0x2  }
0xbc: {  	s3 =	sand.u32 $0x4000, s31;
	s1 =	sadd.s32 s1, s30  }
0xbd: {  	s0 =	sor.u32 s3, s0;
	s1 =	sshll.u32 s1, $0x11  }
0xbe: {  	s0 =	sor.u32 s1, s0  }
0xbf: {  	s0 =	sadd.s32 $0x8F2B, s0  }
0xc0: {  	[sflag:s0] =	ssyncadd.remote.s32 $0x1  }
0xc1: {  	_ =	sfence.sel $0xFFFF  }
0xc2: {  	[dreg:$0x0] =	wrdreg $0xFFFFFFFF;
	(pc) =	sbr.abs _section_cstart, $3  }
0xc3: {  	[dreg:$0x1] =	wrdreg $0xFFFFFFFF  }
0xc4: {  	_ =	task.clear_ibuf [dreg:s8], $0x2FFFF;
	_ =	strace $0x9FFFFFFF  }
0xc5: {  	(tm) =	ssettm $0x7FFFFFFF  }
tec
execute0_lowered:
.L_overlay_start_1:
0x0: {  	(tag) =	ssettag $0x1  }
0x1: {  	s4 =	rddreg [dreg:$0x0]  }
0x2: {  	s1 =	srdreg.scid;
	s0 =	stileid.u32  }
0x3: {  	s2 =	rddreg [dreg:$0x1];
	s3 =	sand.u32 $0x1, s1;
	s8 =	sshll.u32 s0, $0x1  }
0x4: {  	s5 =	rddreg [dreg:$0x2];
	s9 =	sor.u32 s3, s8  }
0x5: {  	s19 =	rddreg [dreg:$0x4];
	s6 =	smul.u32 $0x7, s9  }
0x6: {  	[dreg:$0x5] =	wrdreg s2  }
0x7: {  	p0 =	slt.u32 s0, $0xD;
	s2 =	sshll.u32 s9, $0x3;
	s6 =	sadd.s32 $0x1A, s6  }
0x8: {  	s1 =	rddreg [dreg:$0x3];
	s6 =	smov.u32 @p0 s2;
	s2 =	simm.s32 $0x0  }
0x9: {  	s29 =	simm.s32 $0x80;
	s30 =	simm.s32 $0x100;
	[smem:$0x7FF] =	sst s2  }
0xa: {  	s31 =	simm.s32 $0x180;
	_ =	strace $0x80000047;
	[dreg:$0x16] =	wrdreg s29  }
0xb: {  	s7 =	sshll.u32 s6, $0x6;
	s8 =	smul.u32 $0xC800, s6;
	[dreg:$0x17] =	wrdreg s30  }
0xc: {  	s6 =	smul.u32 $0x1900, s6;
	[dreg:$0x18] =	wrdreg s31;
	s29 =	simm.s32 $0xB80  }
0xd: {  	s7 =	sand.u32 $0x1FFFFFC0, s7;
	s30 =	simm.s32 $0xC00;
	[smem:$0x7FB] =	sst s29  }
0xe: {  	s31 =	simm.s32 $0xC80;
	s4 =	sadd.s32 s7, s4;
	[smem:$0x7FC] =	sst s30  }
0xf: {  	s17 =	sadd.s32 s5, s6;
	s6 =	simm.s32 $0x280;
	[smem:$0x7FD] =	sst s31  }
0x10: {  	s10 =	sshrl.u32 s8, $0x3;
	s8 =	simm.s32 $0x380;
	[dreg:$0x1a] =	wrdreg s6  }
0x11: {  	s4 =	sadd.s32 $0x400, s4;
	[dreg:$0x1c] =	wrdreg s8  }
0x12: {  	s12 =	sadd.s32 $0x1900, s17;
	[dreg:$0x6] =	wrdreg s4  }
0x13: {  	s14 =	sadd.s32 $0x3200, s17;
	[dreg:$0x8] =	wrdreg s12  }
0x14: {  	s16 =	sadd.s32 $0x4B00, s17;
	[dreg:$0xa] =	wrdreg s14  }
0x15: {  	s20 =	sadd.s32 $0x6400, s17;
	[dreg:$0xc] =	wrdreg s16  }
0x16: {  	s22 =	sadd.s32 $0x7D00, s17;
	[dreg:$0xe] =	wrdreg s20  }
0x17: {  	s24 =	sadd.s32 $0x9600, s17;
	[dreg:$0x10] =	wrdreg s22  }
0x18: {  	s26 =	sadd.s32 $0xAF00, s17;
	[dreg:$0x12] =	wrdreg s24  }
0x19: {  	s7 =	sadd.s32 s5, s10;
	s5 =	simm.s32 $0x200;
	[dreg:$0x14] =	wrdreg s26  }
0x1a: {  	s10 =	simm.s32 $0x400;
	[dreg:$0x19] =	wrdreg s5  }
0x1b: {  	s11 =	sadd.s32 $0xC80, s7;
	[dreg:$0x1d] =	wrdreg s10  }
0x1c: {  	s13 =	sadd.s32 $0x2580, s7;
	[dreg:$0x7] =	wrdreg s11  }
0x1d: {  	s15 =	sadd.s32 $0x3E80, s7;
	[dreg:$0x9] =	wrdreg s13  }
0x1e: {  	p2 =	por $0x0, $0x0;
	s18 =	sadd.s32 $0x5780, s7;
	[dreg:$0xb] =	wrdreg s15  }
0x1f: {  	p1 =	sgt.u32 s0, $0xC;
	s21 =	sadd.s32 $0x7080, s7;
	[dreg:$0xd] =	wrdreg s18  }
0x20: {  	s3 =	ssub.s32 $0x2, s3;
	s23 =	sadd.s32 $0x8980, s7;
	[dreg:$0xf] =	wrdreg s21  }
0x21: {  	s9 =	sshrl.u32 s3, $0x1;
	s25 =	sadd.s32 $0xA280, s7;
	[dreg:$0x11] =	wrdreg s23  }
0x22: {  	s3 =	ssub.s32 s3, s9;
	s28 =	sadd.s32 $0xBB80, s7;
	[dreg:$0x13] =	wrdreg s25  }
0x23: {  	s9 =	simm.s32 $0x4200;
	s7 =	simm.s32 $0x300;
	[dreg:$0x15] =	wrdreg s28  }
0x24: {  	p0 =	sne.s32 s0, $0x0;
	s12 =	simm.s32 $0x500;
	[dreg:$0x1b] =	wrdreg s7  }
0x25: {  	s8 =	simm.s32 $0x64;
	s14 =	simm.s32 $0x580;
	[dreg:$0x1f] =	wrdreg s12  }
0x26: {  	s6 =	simm.s32 $0x7400;
	s16 =	simm.s32 $0x680;
	[smem:$0x7EF] =	sst s14  }
0x27: {  	s5 =	simm.s32 $0x1;
	s20 =	simm.s32 $0x780;
	[smem:$0x7F1] =	sst s16  }
0x28: {  	s22 =	simm.s32 $0x880;
	s10 =	simm.s32 $0xA600;
	[smem:$0x7F3] =	sst s20  }
0x29: {  	s24 =	simm.s32 $0x980;
	s26 =	simm.s32 $0xA80;
	[smem:$0x7F5] =	sst s22  }
0x2a: {  	s4 =	simm.s32 $0x2;
	s11 =	simm.s32 $0x480;
	[smem:$0x7F7] =	sst s24  }
0x2b: {  	s13 =	smax.u32 s3, $0x1;
	s15 =	simm.s32 $0x600;
	[smem:$0x7F9] =	sst s26  }
0x2c: {  	s18 =	simm.s32 $0x700;
	s7 =	simm.s32 $0x1000;
	[dreg:$0x1e] =	wrdreg s11  }
0x2d: {  	s21 =	simm.s32 $0x800;
	[smem:$0x7F0] =	sst s15;
	s14 =	sadd.s32 $0xFFFFFFFF, s13  }
0x2e: {  	s23 =	simm.s32 $0x900;
	[smem:$0x7F2] =	sst s18;
	p3 =	sne.s32 s14, $0x0  }
.Ltmp0:
0x2f: {  	s12 =	simm.s32 $0xD800;
	[smem:$0x7F4] =	sst s21;
	(pc) =	sbr.rel @!p3 .LBB2_5-.Ltmp0, $4  }
0x30: {  	s25 =	simm.s32 $0xA00;
	s16 =	simm.s32 $0x16E00;
	[smem:$0x7F6] =	sst s23  }
0x31: {  	s28 =	simm.s32 $0xB00;
	s3 =	simm.s32 $0x3;
	[smem:$0x7F8] =	sst s25  }
0x32: {  	s24 =	simm.s32 $0xD00;
	s15 =	simm.s32 $0x10A00;
	[smem:$0x7FA] =	sst s28  }
0x33: {  	s11 =	simm.s32 $0x13C00;
	s21 =	simm.s32 $0xD80;
	s18 =	rddreg [dreg:$0x6]  }
0x34: {  	s0 =	rddreg [dreg:$0x5]  }
0x35: {  	[tilespmem:s2], [sflag:$0x1] =	stream.linear.gather [hbm4b:s18+s2], $0x1000, $0x38;
	[tilespmem:$0x1A080] =	vst v63  }
0x36: {  	s13 =	simm.s32 @!p0 $0x0;
	s19 =	simm.s32 @!p0 $0x1000;
	s20 =	simm.s32 @!p0 $0x4  }
0x37: {  	[tilespmem:s19], [sflag:$0x4] =	stream.linear.gather @!p0 [hbm4b:s0+s13], $0x800, $0x38;
	[tilespmem:$0x1A080] =	vst v63  }
0x38: {  	_ =	swait.ge @!p0 [sflag:s20], $0x800  }
0x39: {  	[sflag:s20] =	ssyncset.done @!p0 $0x0  }
0x3a: {  	[sflag:s20] =	ssyncadd.s32 @!p0 $0xFFFFF800  }
0x3b: {  	[spmem:s1] =	stream.linear.scatter @!p0 [tilespmem:s19], [sflag:$0x4], $0x800, $0x38;
	[tilespmem:$0x1A080] =	vst v63  }
0x3c: {  	_ =	swait.ge @!p0 [sflag:s20], $0x800  }
0x3d: {  	[sflag:s20] =	ssyncset.done @!p0 $0x0  }
0x3e: {  	[sflag:s20] =	ssyncadd.s32 @!p0 $0xFFFFF800  }
0x3f: {  	[bflag:$0x0] =	sbarrier.arrive $0xFFFF  }
0x40: {  	_ =	swait.ge [sflag:s5], $0x1000  }
0x41: {  	[sflag:s5] =	ssyncset.done $0x0  }
0x42: {  	[sflag:s5] =	ssyncadd.s32 $0xFFFFF000  }
0x43: {  	[tilespmem:s7], [sflag:$0x1] =	stream.indirect.gather [spmem:s1], $0x80, s2, s8, $0xb8;
	[tilespmem:$0x1A080] =	vst v63  }
0x44: {  	s23 =	rddreg [dreg:$0x16]  }
0x45: {  	[tilespmem:s9], [sflag:$0x1] =	stream.indirect.gather [spmem:s1], $0x80, s23, s8, $0xb8;
	[tilespmem:$0x1A080] =	vst v63  }
0x46: {  	s25 =	rddreg [dreg:$0x17]  }
0x47: {  	[tilespmem:s6], [sflag:$0x1] =	stream.indirect.gather [spmem:s1], $0x80, s25, s8, $0xb8;
	[tilespmem:$0x1A080] =	vst v63  }
0x48: {  	s26 =	rddreg [dreg:$0x18]  }
0x49: {  	[tilespmem:s10], [sflag:$0x1] =	stream.indirect.gather [spmem:s1], $0x80, s26, s8, $0xb8;
	[tilespmem:$0x1A080] =	vst v63  }
0x4a: {  	_ =	swait.ge [sflag:s5], $0x3200  }
0x4b: {  	[sflag:s5] =	ssyncset.done $0x0  }
0x4c: {  	[sflag:s5] =	ssyncadd.s32 $0xFFFFCE00  }
0x4d: {  	_ =	swait.ge [sflag:s5], $0x3200  }
0x4e: {  	[sflag:s5] =	ssyncset.done $0x0  }
0x4f: {  	[sflag:s5] =	ssyncadd.s32 $0xFFFFCE00  }
0x50: {  	[hbm4b:s17+s2] =	stream.linear.scatter [tilespmem:s7], [sflag:$0x2], $0x6400, $0x38;
	[tilespmem:$0x1A080] =	vst v63  }
0x51: {  	_ =	swait.ge [sflag:s5], $0x3200  }
0x52: {  	[sflag:s5] =	ssyncset.done $0x0  }
0x53: {  	[sflag:s5] =	ssyncadd.s32 $0xFFFFCE00  }
0x54: {  	_ =	swait.ge [sflag:s5], $0x3200  }
0x55: {  	[sflag:s5] =	ssyncset.done $0x0  }
0x56: {  	s18 =	rddreg [dreg:$0x7];
	[sflag:s5] =	ssyncadd.s32 $0xFFFFCE00  }
0x57: {  	[hbm4b:s18+s2] =	stream.linear.scatter [tilespmem:s6], [sflag:$0x2], $0x6400, $0x38;
	[tilespmem:$0x1A080] =	vst v63  }
0x58: {  	s22 =	rddreg [dreg:$0x19]  }
0x59: {  	[tilespmem:s12], [sflag:$0x1] =	stream.indirect.gather [spmem:s1], $0x80, s22, s8, $0xb8;
	[tilespmem:$0x1A080] =	vst v63  }
0x5a: {  	s23 =	rddreg [dreg:$0x1a]  }
0x5b: {  	[tilespmem:s15], [sflag:$0x1] =	stream.indirect.gather [spmem:s1], $0x80, s23, s8, $0xb8;
	[tilespmem:$0x1A080] =	vst v63  }
0x5c: {  	s25 =	rddreg [dreg:$0x1b]  }
0x5d: {  	[tilespmem:s11], [sflag:$0x1] =	stream.indirect.gather [spmem:s1], $0x80, s25, s8, $0xb8;
	[tilespmem:$0x1A080] =	vst v63  }
0x5e: {  	s26 =	rddreg [dreg:$0x1c]  }
0x5f: {  	[tilespmem:s16], [sflag:$0x1] =	stream.indirect.gather [spmem:s1], $0x80, s26, s8, $0xb8;
	[tilespmem:$0x1A080] =	vst v63  }
0x60: {  	_ =	swait.ge [sflag:s5], $0x3200  }
0x61: {  	[sflag:s5] =	ssyncset.done $0x0  }
0x62: {  	[sflag:s5] =	ssyncadd.s32 $0xFFFFCE00  }
0x63: {  	_ =	swait.ge [sflag:s5], $0x3200  }
0x64: {  	[sflag:s5] =	ssyncset.done $0x0  }
0x65: {  	s13 =	rddreg [dreg:$0x8];
	[sflag:s5] =	ssyncadd.s32 $0xFFFFCE00  }
0x66: {  	[hbm4b:s13+s2] =	stream.linear.scatter [tilespmem:s12], [sflag:$0x3], $0x6400, $0x38;
	[tilespmem:$0x1A080] =	vst v63  }
0x67: {  	_ =	swait.ge [sflag:s5], $0x3200  }
0x68: {  	[sflag:s5] =	ssyncset.done $0x0  }
0x69: {  	[sflag:s5] =	ssyncadd.s32 $0xFFFFCE00  }
0x6a: {  	_ =	swait.ge [sflag:s5], $0x3200  }
0x6b: {  	[sflag:s5] =	ssyncset.done $0x0  }
0x6c: {  	s18 =	rddreg [dreg:$0x9];
	[sflag:s5] =	ssyncadd.s32 $0xFFFFCE00  }
0x6d: {  	[hbm4b:s18+s2] =	stream.linear.scatter [tilespmem:s11], [sflag:$0x3], $0x6400, $0x38;
	[tilespmem:$0x1A080] =	vst v63  }
0x6e: {  	_ =	swait.ge [sflag:s4], $0x6400  }
0x6f: {  	[sflag:s4] =	ssyncset.done $0x0  }
0x70: {  	[sflag:s4] =	ssyncadd.s32 $0xFFFF9C00  }
0x71: {  	_ =	swait.ge [sflag:s4], $0x6400  }
0x72: {  	s22 =	rddreg [dreg:$0x1d];
	[sflag:s4] =	ssyncset.done $0x0  }
0x73: {  	s23 =	rddreg [dreg:$0x1e];
	[sflag:s4] =	ssyncadd.s32 $0xFFFF9C00  }
0x74: {  	[tilespmem:s7], [sflag:$0x1] =	stream.indirect.gather [spmem:s1], $0x80, s22, s8, $0xb8;
	[tilespmem:$0x1A080] =	vst v63  }
0x75: {  	s25 =	rddreg [dreg:$0x1f]  }
0x76: {  	[tilespmem:s9], [sflag:$0x1] =	stream.indirect.gather [spmem:s1], $0x80, s23, s8, $0xb8;
	[tilespmem:$0x1A080] =	vst v63  }
0x77: {  	s26 =	sld [smem:$0x7EF]  }
0x78: {  	[tilespmem:s6], [sflag:$0x1] =	stream.indirect.gather [spmem:s1], $0x80, s25, s8, $0xb8;
	[tilespmem:$0x1A080] =	vst v63  }
0x79: {  	_ = 	snop  }
0x7a: {  	[tilespmem:s10], [sflag:$0x1] =	stream.indirect.gather [spmem:s1], $0x80, s26, s8, $0xb8;
	[tilespmem:$0x1A080] =	vst v63  }
0x7b: {  	_ =	swait.ge [sflag:s5], $0x3200  }
0x7c: {  	[sflag:s5] =	ssyncset.done $0x0  }
0x7d: {  	[sflag:s5] =	ssyncadd.s32 $0xFFFFCE00  }
0x7e: {  	_ =	swait.ge [sflag:s5], $0x3200  }
0x7f: {  	[sflag:s5] =	ssyncset.done $0x0  }
0x80: {  	s13 =	rddreg [dreg:$0xa];
	[sflag:s5] =	ssyncadd.s32 $0xFFFFCE00  }
0x81: {  	[hbm4b:s13+s2] =	stream.linear.scatter [tilespmem:s7], [sflag:$0x2], $0x6400, $0x38;
	[tilespmem:$0x1A080] =	vst v63  }
0x82: {  	_ =	swait.ge [sflag:s5], $0x3200  }
0x83: {  	[sflag:s5] =	ssyncset.done $0x0  }
0x84: {  	[sflag:s5] =	ssyncadd.s32 $0xFFFFCE00  }
0x85: {  	_ =	swait.ge [sflag:s5], $0x3200  }
0x86: {  	[sflag:s5] =	ssyncset.done $0x0  }
0x87: {  	s18 =	rddreg [dreg:$0xb];
	[sflag:s5] =	ssyncadd.s32 $0xFFFFCE00  }
0x88: {  	[hbm4b:s18+s2] =	stream.linear.scatter [tilespmem:s6], [sflag:$0x2], $0x6400, $0x38;
	[tilespmem:$0x1A080] =	vst v63  }
0x89: {  	_ =	swait.ge [sflag:s3], $0x6400  }
0x8a: {  	[sflag:s3] =	ssyncset.done $0x0  }
0x8b: {  	[sflag:s3] =	ssyncadd.s32 $0xFFFF9C00  }
0x8c: {  	_ =	swait.ge [sflag:s3], $0x6400  }
0x8d: {  	s22 =	sld [smem:$0x7F0]  }
0x8e: {  	[sflag:s3] =	ssyncset.done $0x0  }
0x8f: {  	s23 =	sld [smem:$0x7F1];
	[sflag:s3] =	ssyncadd.s32 $0xFFFF9C00  }
0x90: {  	[tilespmem:s12], [sflag:$0x1] =	stream.indirect.gather [spmem:s1], $0x80, s22, s8, $0xb8;
	[tilespmem:$0x1A080] =	vst v63  }
0x91: {  	s25 =	sld [smem:$0x7F2]  }
0x92: {  	[tilespmem:s15], [sflag:$0x1] =	stream.indirect.gather [spmem:s1], $0x80, s23, s8, $0xb8;
	[tilespmem:$0x1A080] =	vst v63  }
0x93: {  	s26 =	sld [smem:$0x7F3]  }
0x94: {  	[tilespmem:s11], [sflag:$0x1] =	stream.indirect.gather [spmem:s1], $0x80, s25, s8, $0xb8;
	[tilespmem:$0x1A080] =	vst v63  }
0x95: {  	_ = 	snop  }
0x96: {  	[tilespmem:s16], [sflag:$0x1] =	stream.indirect.gather [spmem:s1], $0x80, s26, s8, $0xb8;
	[tilespmem:$0x1A080] =	vst v63  }
0x97: {  	_ =	swait.ge [sflag:s5], $0x3200  }
0x98: {  	[sflag:s5] =	ssyncset.done $0x0  }
0x99: {  	[sflag:s5] =	ssyncadd.s32 $0xFFFFCE00  }
0x9a: {  	_ =	swait.ge [sflag:s5], $0x3200  }
0x9b: {  	[sflag:s5] =	ssyncset.done $0x0  }
0x9c: {  	s13 =	rddreg [dreg:$0xc];
	[sflag:s5] =	ssyncadd.s32 $0xFFFFCE00  }
0x9d: {  	[hbm4b:s13+s2] =	stream.linear.scatter [tilespmem:s12], [sflag:$0x3], $0x6400, $0x38;
	[tilespmem:$0x1A080] =	vst v63  }
0x9e: {  	_ =	swait.ge [sflag:s5], $0x3200  }
0x9f: {  	[sflag:s5] =	ssyncset.done $0x0  }
0xa0: {  	[sflag:s5] =	ssyncadd.s32 $0xFFFFCE00  }
0xa1: {  	_ =	swait.ge [sflag:s5], $0x3200  }
0xa2: {  	[sflag:s5] =	ssyncset.done $0x0  }
0xa3: {  	s18 =	rddreg [dreg:$0xd];
	[sflag:s5] =	ssyncadd.s32 $0xFFFFCE00  }
0xa4: {  	[hbm4b:s18+s2] =	stream.linear.scatter [tilespmem:s11], [sflag:$0x3], $0x6400, $0x38;
	[tilespmem:$0x1A080] =	vst v63  }
0xa5: {  	_ =	swait.ge [sflag:s4], $0x6400  }
0xa6: {  	[sflag:s4] =	ssyncset.done $0x0  }
0xa7: {  	[sflag:s4] =	ssyncadd.s32 $0xFFFF9C00  }
0xa8: {  	_ =	swait.ge [sflag:s4], $0x6400  }
0xa9: {  	s22 =	sld [smem:$0x7F4]  }
0xaa: {  	[sflag:s4] =	ssyncset.done $0x0  }
0xab: {  	s23 =	sld [smem:$0x7F5];
	[sflag:s4] =	ssyncadd.s32 $0xFFFF9C00  }
0xac: {  	[tilespmem:s7], [sflag:$0x1] =	stream.indirect.gather [spmem:s1], $0x80, s22, s8, $0xb8;
	[tilespmem:$0x1A080] =	vst v63  }
0xad: {  	s25 =	sld [smem:$0x7F6]  }
0xae: {  	[tilespmem:s9], [sflag:$0x1] =	stream.indirect.gather [spmem:s1], $0x80, s23, s8, $0xb8;
	[tilespmem:$0x1A080] =	vst v63  }
0xaf: {  	s26 =	sld [smem:$0x7F7]  }
0xb0: {  	[tilespmem:s6], [sflag:$0x1] =	stream.indirect.gather [spmem:s1], $0x80, s25, s8, $0xb8;
	[tilespmem:$0x1A080] =	vst v63  }
0xb1: {  	_ = 	snop  }
0xb2: {  	[tilespmem:s10], [sflag:$0x1] =	stream.indirect.gather [spmem:s1], $0x80, s26, s8, $0xb8;
	[tilespmem:$0x1A080] =	vst v63  }
0xb3: {  	_ =	swait.ge [sflag:s5], $0x3200  }
0xb4: {  	[sflag:s5] =	ssyncset.done $0x0  }
0xb5: {  	[sflag:s5] =	ssyncadd.s32 $0xFFFFCE00  }
0xb6: {  	_ =	swait.ge [sflag:s5], $0x3200  }
0xb7: {  	[sflag:s5] =	ssyncset.done $0x0  }
0xb8: {  	s13 =	rddreg [dreg:$0xe];
	[sflag:s5] =	ssyncadd.s32 $0xFFFFCE00  }
0xb9: {  	[hbm4b:s13+s2] =	stream.linear.scatter [tilespmem:s7], [sflag:$0x2], $0x6400, $0x38;
	[tilespmem:$0x1A080] =	vst v63  }
0xba: {  	_ =	swait.ge [sflag:s5], $0x3200  }
0xbb: {  	[sflag:s5] =	ssyncset.done $0x0  }
0xbc: {  	[sflag:s5] =	ssyncadd.s32 $0xFFFFCE00  }
0xbd: {  	_ =	swait.ge [sflag:s5], $0x3200  }
0xbe: {  	[sflag:s5] =	ssyncset.done $0x0  }
0xbf: {  	s18 =	rddreg [dreg:$0xf];
	[sflag:s5] =	ssyncadd.s32 $0xFFFFCE00  }
0xc0: {  	[hbm4b:s18+s2] =	stream.linear.scatter [tilespmem:s6], [sflag:$0x2], $0x6400, $0x38;
	[tilespmem:$0x1A080] =	vst v63  }
0xc1: {  	_ =	swait.ge [sflag:s3], $0x6400  }
0xc2: {  	[sflag:s3] =	ssyncset.done $0x0  }
0xc3: {  	[sflag:s3] =	ssyncadd.s32 $0xFFFF9C00  }
0xc4: {  	_ =	swait.ge [sflag:s3], $0x6400  }
0xc5: {  	s22 =	sld [smem:$0x7F8]  }
0xc6: {  	[sflag:s3] =	ssyncset.done $0x0  }
0xc7: {  	s23 =	sld [smem:$0x7F9];
	[sflag:s3] =	ssyncadd.s32 $0xFFFF9C00  }
0xc8: {  	[tilespmem:s12], [sflag:$0x1] =	stream.indirect.gather [spmem:s1], $0x80, s22, s8, $0xb8;
	[tilespmem:$0x1A080] =	vst v63  }
0xc9: {  	s25 =	sld [smem:$0x7FA]  }
0xca: {  	[tilespmem:s15], [sflag:$0x1] =	stream.indirect.gather [spmem:s1], $0x80, s23, s8, $0xb8;
	[tilespmem:$0x1A080] =	vst v63  }
0xcb: {  	s26 =	sld [smem:$0x7FB]  }
0xcc: {  	[tilespmem:s11], [sflag:$0x1] =	stream.indirect.gather [spmem:s1], $0x80, s25, s8, $0xb8;
	[tilespmem:$0x1A080] =	vst v63  }
0xcd: {  	_ = 	snop  }
0xce: {  	[tilespmem:s16], [sflag:$0x1] =	stream.indirect.gather [spmem:s1], $0x80, s26, s8, $0xb8;
	[tilespmem:$0x1A080] =	vst v63  }
0xcf: {  	_ =	swait.ge [sflag:s5], $0x3200  }
0xd0: {  	[sflag:s5] =	ssyncset.done $0x0  }
0xd1: {  	[sflag:s5] =	ssyncadd.s32 $0xFFFFCE00  }
0xd2: {  	_ =	swait.ge [sflag:s5], $0x3200  }
0xd3: {  	[sflag:s5] =	ssyncset.done $0x0  }
0xd4: {  	s13 =	rddreg [dreg:$0x10];
	[sflag:s5] =	ssyncadd.s32 $0xFFFFCE00  }
0xd5: {  	[hbm4b:s13+s2] =	stream.linear.scatter [tilespmem:s12], [sflag:$0x3], $0x6400, $0x38;
	[tilespmem:$0x1A080] =	vst v63  }
0xd6: {  	_ =	swait.ge [sflag:s5], $0x3200  }
0xd7: {  	[sflag:s5] =	ssyncset.done $0x0  }
0xd8: {  	[sflag:s5] =	ssyncadd.s32 $0xFFFFCE00  }
0xd9: {  	_ =	swait.ge [sflag:s5], $0x3200  }
0xda: {  	[sflag:s5] =	ssyncset.done $0x0  }
0xdb: {  	s18 =	rddreg [dreg:$0x11];
	[sflag:s5] =	ssyncadd.s32 $0xFFFFCE00  }
0xdc: {  	[hbm4b:s18+s2] =	stream.linear.scatter [tilespmem:s11], [sflag:$0x3], $0x6400, $0x38;
	[tilespmem:$0x1A080] =	vst v63  }
0xdd: {  	_ =	swait.ge [sflag:s4], $0x6400  }
0xde: {  	[sflag:s4] =	ssyncset.done $0x0  }
0xdf: {  	[sflag:s4] =	ssyncadd.s32 $0xFFFF9C00  }
0xe0: {  	_ =	swait.ge [sflag:s4], $0x6400  }
0xe1: {  	s22 =	sld [smem:$0x7FC]  }
0xe2: {  	[sflag:s4] =	ssyncset.done $0x0  }
0xe3: {  	s23 =	sld [smem:$0x7FD];
	[sflag:s4] =	ssyncadd.s32 $0xFFFF9C00  }
0xe4: {  	[tilespmem:s7], [sflag:$0x1] =	stream.indirect.gather [spmem:s1], $0x80, s22, s8, $0xb8;
	[tilespmem:$0x1A080] =	vst v63  }
0xe5: {  	_ = 	snop  }
0xe6: {  	[tilespmem:s9], [sflag:$0x1] =	stream.indirect.gather [spmem:s1], $0x80, s23, s8, $0xb8;
	[tilespmem:$0x1A080] =	vst v63  }
0xe7: {  	_ = 	snop  }
0xe8: {  	[tilespmem:s6], [sflag:$0x1] =	stream.indirect.gather [spmem:s1], $0x80, s24, s8, $0xb8;
	[tilespmem:$0x1A080] =	vst v63  }
0xe9: {  	_ = 	snop  }
0xea: {  	[tilespmem:s10], [sflag:$0x1] =	stream.indirect.gather [spmem:s1], $0x80, s21, s8, $0xb8;
	[tilespmem:$0x1A080] =	vst v63  }
0xeb: {  	_ =	swait.ge [sflag:s5], $0x3200  }
0xec: {  	[sflag:s5] =	ssyncset.done $0x0  }
0xed: {  	[sflag:s5] =	ssyncadd.s32 $0xFFFFCE00  }
0xee: {  	_ =	swait.ge [sflag:s5], $0x3200  }
0xef: {  	[sflag:s5] =	ssyncset.done $0x0  }
0xf0: {  	s25 =	rddreg [dreg:$0x12];
	[sflag:s5] =	ssyncadd.s32 $0xFFFFCE00  }
0xf1: {  	[hbm4b:s25+s2] =	stream.linear.scatter [tilespmem:s7], [sflag:$0x2], $0x6400, $0x38;
	[tilespmem:$0x1A080] =	vst v63  }
0xf2: {  	_ =	swait.ge [sflag:s5], $0x3200  }
0xf3: {  	[sflag:s5] =	ssyncset.done $0x0  }
0xf4: {  	[sflag:s5] =	ssyncadd.s32 $0xFFFFCE00  }
0xf5: {  	_ =	swait.ge [sflag:s5], $0x3200  }
0xf6: {  	[sflag:s5] =	ssyncset.done $0x0  }
0xf7: {  	s21 =	simm.s32 @!p1 $0x3;
	s26 =	rddreg [dreg:$0x13];
	[sflag:s5] =	ssyncadd.s32 $0xFFFFCE00  }
0xf8: {  	[hbm4b:s26+s2] =	stream.linear.scatter [tilespmem:s6], [sflag:$0x2], $0x6400, $0x38;
	[tilespmem:$0x1A080] =	vst v63  }
0xf9: {  	_ =	swait.ge @!p1 [sflag:s21], $0x6400  }
0xfa: {  	[sflag:s21] =	ssyncset.done @!p1 $0x0  }
0xfb: {  	[sflag:s21] =	ssyncadd.s32 @!p1 $0xFFFF9C00  }
0xfc: {  	_ =	swait.ge @!p1 [sflag:s21], $0x6400  }
0xfd: {  	s0 =	simm.s32 @!p1 $0xE00;
	[sflag:s21] =	ssyncset.done @!p1 $0x0  }
0xfe: {  	s22 =	simm.s32 @!p1 $0xD800;
	s23 =	simm.s32 @!p1 $0x64;
	[sflag:s21] =	ssyncadd.s32 @!p1 $0xFFFF9C00  }
0xff: {  	[tilespmem:s22], [sflag:$0x1] =	stream.indirect.gather @!p1 [spmem:s1], $0x80, s0, s23, $0xb8;
	[tilespmem:$0x1A080] =	vst v63  }
0x100: {  	s25 =	simm.s32 @!p1 $0xE80;
	s26 =	simm.s32 @!p1 $0x10A00  }
0x101: {  	[tilespmem:s26], [sflag:$0x1] =	stream.indirect.gather @!p1 [spmem:s1], $0x80, s25, s23, $0xb8;
	[tilespmem:$0x1A080] =	vst v63  }
0x102: {  	s28 =	simm.s32 @!p1 $0xF00;
	s29 =	simm.s32 @!p1 $0x13C00  }
0x103: {  	[tilespmem:s29], [sflag:$0x1] =	stream.indirect.gather @!p1 [spmem:s1], $0x80, s28, s23, $0xb8;
	[tilespmem:$0x1A080] =	vst v63  }
0x104: {  	s30 =	simm.s32 @!p1 $0xF80;
	s31 =	simm.s32 @!p1 $0x16E00;
	s0 =	simm.s32 @!p1 $0x1  }
0x105: {  	[tilespmem:s31], [sflag:$0x1] =	stream.indirect.gather @!p1 [spmem:s1], $0x80, s30, s23, $0xb8;
	[tilespmem:$0x1A080] =	vst v63  }
0x106: {  	_ =	swait.ge @!p1 [sflag:s0], $0x3200  }
0x107: {  	[sflag:s0] =	ssyncset.done @!p1 $0x0  }
0x108: {  	[sflag:s0] =	ssyncadd.s32 @!p1 $0xFFFFCE00  }
0x109: {  	_ =	swait.ge @!p1 [sflag:s0], $0x3200  }
0x10a: {  	[sflag:s0] =	ssyncset.done @!p1 $0x0  }
0x10b: {  	s13 =	simm.s32 @!p1 $0x0;
	s18 =	rddreg [dreg:$0x14];
	[sflag:s0] =	ssyncadd.s32 @!p1 $0xFFFFCE00  }
0x10c: {  	[hbm4b:s18+s13] =	stream.linear.scatter @!p1 [tilespmem:s22], [sflag:$0x3], $0x6400, $0x38;
	[tilespmem:$0x1A080] =	vst v63  }
0x10d: {  	_ =	swait.ge @!p1 [sflag:s0], $0x3200  }
0x10e: {  	[sflag:s0] =	ssyncset.done @!p1 $0x0  }
0x10f: {  	[sflag:s0] =	ssyncadd.s32 @!p1 $0xFFFFCE00  }
0x110: {  	_ =	swait.ge @!p1 [sflag:s0], $0x3200  }
0x111: {  	[sflag:s0] =	ssyncset.done @!p1 $0x0  }
0x112: {  	s18 =	rddreg [dreg:$0x15];
	[sflag:s0] =	ssyncadd.s32 @!p1 $0xFFFFCE00  }
0x113: {  	[hbm4b:s18+s13] =	stream.linear.scatter @!p1 [tilespmem:s29], [sflag:$0x3], $0x6400, $0x38;
	[tilespmem:$0x1A080] =	vst v63  }
0x114: {  	_ =	swait.ge [sflag:s4], $0x6400  }
0x115: {  	[sflag:s4] =	ssyncset.done $0x0  }
0x116: {  	[sflag:s4] =	ssyncadd.s32 $0xFFFF9C00  }
0x117: {  	_ =	swait.ge [sflag:s4], $0x6400  }
0x118: {  	s14 =	sadd.s32 $0xFFFFFFFF, s14;
	[sflag:s4] =	ssyncset.done $0x0  }
0x119: {  	p3 =	sne.s32 s14, $0x0;
	[sflag:s4] =	ssyncadd.s32 $0xFFFF9C00  }
.Ltmp1:
0x11a: {  	_ =	swait.ge [sflag:s3], $0x6400;
	(pc) =	sbr.rel @!p3 .LBB2_2-.Ltmp1, $4  }
0x11b: {  	[sflag:s3] =	ssyncset.done $0x0  }
0x11c: {  	[sflag:s3] =	ssyncadd.s32 $0xFFFF9C00  }
0x11d: {  	_ =	swait.ge [sflag:s3], $0x6400  }
0x11e: {  	p2 =	por $0x1, $0x1;
	s18 =	rddreg [dreg:$0x6];
	[sflag:s3] =	ssyncset.done $0x0  }
.LBB2_3:
0x11f: {  	[sflag:s3] =	ssyncadd.s32 $0xFFFF9C00  }
0x120: {  	[tilespmem:s2], [sflag:$0x1] =	stream.linear.gather [hbm4b:s18+s2], $0x1000, $0x38;
	[tilespmem:$0x1A080] =	vst v63  }
0x121: {  	s24 =	rddreg [dreg:$0x5];
	s18 =	simm.s32 @!p0 $0x0  }
0x122: {  	[tilespmem:s19], [sflag:$0x4] =	stream.linear.gather @!p0 [hbm4b:s24+s18], $0x800, $0x38;
	[tilespmem:$0x1A080] =	vst v63  }
0x123: {  	_ =	swait.ge @!p0 [sflag:s20], $0x800  }
0x124: {  	[sflag:s20] =	ssyncset.done @!p0 $0x0  }
0x125: {  	[sflag:s20] =	ssyncadd.s32 @!p0 $0xFFFFF800  }
0x126: {  	[spmem:s1] =	stream.linear.scatter @!p0 [tilespmem:s19], [sflag:$0x4], $0x800, $0x38;
	[tilespmem:$0x1A080] =	vst v63  }
0x127: {  	_ =	swait.ge @!p0 [sflag:s20], $0x800  }
0x128: {  	[sflag:s20] =	ssyncset.done @!p0 $0x0  }
0x129: {  	[sflag:s20] =	ssyncadd.s32 @!p0 $0xFFFFF800  }
0x12a: {  	[bflag:$0x0] =	sbarrier.arrive $0xFFFF  }
0x12b: {  	_ =	swait.ge [sflag:s5], $0x1000  }
0x12c: {  	[sflag:s5] =	ssyncset.done $0x0  }
0x12d: {  	[sflag:s5] =	ssyncadd.s32 $0xFFFFF000  }
0x12e: {  	[tilespmem:s7], [sflag:$0x1] =	stream.indirect.gather [spmem:s1], $0x80, s2, s8, $0xb8;
	[tilespmem:$0x1A080] =	vst v63  }
0x12f: {  	s18 =	rddreg [dreg:$0x16]  }
0x130: {  	[tilespmem:s9], [sflag:$0x1] =	stream.indirect.gather [spmem:s1], $0x80, s18, s8, $0xb8;
	[tilespmem:$0x1A080] =	vst v63  }
0x131: {  	s24 =	rddreg [dreg:$0x17]  }
0x132: {  	[tilespmem:s6], [sflag:$0x1] =	stream.indirect.gather [spmem:s1], $0x80, s24, s8, $0xb8;
	[tilespmem:$0x1A080] =	vst v63  }
0x133: {  	s18 =	rddreg [dreg:$0x18]  }
0x134: {  	[tilespmem:s10], [sflag:$0x1] =	stream.indirect.gather [spmem:s1], $0x80, s18, s8, $0xb8;
	[tilespmem:$0x1A080] =	vst v63  }
0x135: {  	_ =	swait.ge [sflag:s5], $0x3200  }
0x136: {  	[sflag:s5] =	ssyncset.done $0x0  }
0x137: {  	[sflag:s5] =	ssyncadd.s32 $0xFFFFCE00  }
0x138: {  	_ =	swait.ge [sflag:s5], $0x3200  }
0x139: {  	[sflag:s5] =	ssyncset.done $0x0  }
0x13a: {  	[sflag:s5] =	ssyncadd.s32 $0xFFFFCE00  }
0x13b: {  	[hbm4b:s17+s2] =	stream.linear.scatter [tilespmem:s7], [sflag:$0x2], $0x6400, $0x38;
	[tilespmem:$0x1A080] =	vst v63  }
0x13c: {  	_ =	swait.ge [sflag:s5], $0x3200  }
0x13d: {  	[sflag:s5] =	ssyncset.done $0x0  }
0x13e: {  	[sflag:s5] =	ssyncadd.s32 $0xFFFFCE00  }
0x13f: {  	_ =	swait.ge [sflag:s5], $0x3200  }
0x140: {  	[sflag:s5] =	ssyncset.done $0x0  }
0x141: {  	s18 =	rddreg [dreg:$0x7];
	[sflag:s5] =	ssyncadd.s32 $0xFFFFCE00  }
0x142: {  	[hbm4b:s18+s2] =	stream.linear.scatter [tilespmem:s6], [sflag:$0x2], $0x6400, $0x38;
	[tilespmem:$0x1A080] =	vst v63  }
0x143: {  	s24 =	rddreg [dreg:$0x19]  }
0x144: {  	[tilespmem:s12], [sflag:$0x1] =	stream.indirect.gather [spmem:s1], $0x80, s24, s8, $0xb8;
	[tilespmem:$0x1A080] =	vst v63  }
0x145: {  	s18 =	rddreg [dreg:$0x1a]  }
0x146: {  	[tilespmem:s15], [sflag:$0x1] =	stream.indirect.gather [spmem:s1], $0x80, s18, s8, $0xb8;
	[tilespmem:$0x1A080] =	vst v63  }
0x147: {  	s24 =	rddreg [dreg:$0x1b]  }
0x148: {  	[tilespmem:s11], [sflag:$0x1] =	stream.indirect.gather [spmem:s1], $0x80, s24, s8, $0xb8;
	[tilespmem:$0x1A080] =	vst v63  }
0x149: {  	s18 =	rddreg [dreg:$0x1c]  }
0x14a: {  	[tilespmem:s16], [sflag:$0x1] =	stream.indirect.gather [spmem:s1], $0x80, s18, s8, $0xb8;
	[tilespmem:$0x1A080] =	vst v63  }
0x14b: {  	_ =	swait.ge [sflag:s5], $0x3200  }
0x14c: {  	[sflag:s5] =	ssyncset.done $0x0  }
0x14d: {  	[sflag:s5] =	ssyncadd.s32 $0xFFFFCE00  }
0x14e: {  	_ =	swait.ge [sflag:s5], $0x3200  }
0x14f: {  	[sflag:s5] =	ssyncset.done $0x0  }
0x150: {  	s24 =	rddreg [dreg:$0x8];
	[sflag:s5] =	ssyncadd.s32 $0xFFFFCE00  }
0x151: {  	[hbm4b:s24+s2] =	stream.linear.scatter [tilespmem:s12], [sflag:$0x3], $0x6400, $0x38;
	[tilespmem:$0x1A080] =	vst v63  }
0x152: {  	_ =	swait.ge [sflag:s5], $0x3200  }
0x153: {  	[sflag:s5] =	ssyncset.done $0x0  }
0x154: {  	[sflag:s5] =	ssyncadd.s32 $0xFFFFCE00  }
0x155: {  	_ =	swait.ge [sflag:s5], $0x3200  }
0x156: {  	[sflag:s5] =	ssyncset.done $0x0  }
0x157: {  	s24 =	rddreg [dreg:$0x9];
	[sflag:s5] =	ssyncadd.s32 $0xFFFFCE00  }
0x158: {  	[hbm4b:s24+s2] =	stream.linear.scatter [tilespmem:s11], [sflag:$0x3], $0x6400, $0x38;
	[tilespmem:$0x1A080] =	vst v63  }
0x159: {  	_ =	swait.ge [sflag:s4], $0x6400  }
0x15a: {  	[sflag:s4] =	ssyncset.done $0x0  }
0x15b: {  	[sflag:s4] =	ssyncadd.s32 $0xFFFF9C00  }
0x15c: {  	_ =	swait.ge [sflag:s4], $0x6400  }
0x15d: {  	s18 =	rddreg [dreg:$0x1d];
	[sflag:s4] =	ssyncset.done $0x0  }
0x15e: {  	s24 =	rddreg [dreg:$0x1e];
	[sflag:s4] =	ssyncadd.s32 $0xFFFF9C00  }
0x15f: {  	[tilespmem:s7], [sflag:$0x1] =	stream.indirect.gather [spmem:s1], $0x80, s18, s8, $0xb8;
	[tilespmem:$0x1A080] =	vst v63  }
0x160: {  	s18 =	rddreg [dreg:$0x1f]  }
0x161: {  	[tilespmem:s9], [sflag:$0x1] =	stream.indirect.gather [spmem:s1], $0x80, s24, s8, $0xb8;
	[tilespmem:$0x1A080] =	vst v63  }
0x162: {  	s24 =	sld [smem:$0x7EF]  }
0x163: {  	[tilespmem:s6], [sflag:$0x1] =	stream.indirect.gather [spmem:s1], $0x80, s18, s8, $0xb8;
	[tilespmem:$0x1A080] =	vst v63  }
0x164: {  	_ = 	snop  }
0x165: {  	[tilespmem:s10], [sflag:$0x1] =	stream.indirect.gather [spmem:s1], $0x80, s24, s8, $0xb8;
	[tilespmem:$0x1A080] =	vst v63  }
0x166: {  	_ =	swait.ge [sflag:s5], $0x3200  }
0x167: {  	[sflag:s5] =	ssyncset.done $0x0  }
0x168: {  	[sflag:s5] =	ssyncadd.s32 $0xFFFFCE00  }
0x169: {  	_ =	swait.ge [sflag:s5], $0x3200  }
0x16a: {  	[sflag:s5] =	ssyncset.done $0x0  }
0x16b: {  	s24 =	rddreg [dreg:$0xa];
	[sflag:s5] =	ssyncadd.s32 $0xFFFFCE00  }
0x16c: {  	[hbm4b:s24+s2] =	stream.linear.scatter [tilespmem:s7], [sflag:$0x2], $0x6400, $0x38;
	[tilespmem:$0x1A080] =	vst v63  }
0x16d: {  	_ =	swait.ge [sflag:s5], $0x3200  }
0x16e: {  	[sflag:s5] =	ssyncset.done $0x0  }
0x16f: {  	[sflag:s5] =	ssyncadd.s32 $0xFFFFCE00  }
0x170: {  	_ =	swait.ge [sflag:s5], $0x3200  }
0x171: {  	[sflag:s5] =	ssyncset.done $0x0  }
0x172: {  	s24 =	rddreg [dreg:$0xb];
	[sflag:s5] =	ssyncadd.s32 $0xFFFFCE00  }
0x173: {  	[hbm4b:s24+s2] =	stream.linear.scatter [tilespmem:s6], [sflag:$0x2], $0x6400, $0x38;
	[tilespmem:$0x1A080] =	vst v63  }
0x174: {  	_ =	swait.ge [sflag:s3], $0x6400  }
0x175: {  	[sflag:s3] =	ssyncset.done $0x0  }
0x176: {  	[sflag:s3] =	ssyncadd.s32 $0xFFFF9C00  }
0x177: {  	_ =	swait.ge [sflag:s3], $0x6400  }
0x178: {  	s18 =	sld [smem:$0x7F0]  }
0x179: {  	[sflag:s3] =	ssyncset.done $0x0  }
0x17a: {  	s24 =	sld [smem:$0x7F1];
	[sflag:s3] =	ssyncadd.s32 $0xFFFF9C00  }
0x17b: {  	[tilespmem:s12], [sflag:$0x1] =	stream.indirect.gather [spmem:s1], $0x80, s18, s8, $0xb8;
	[tilespmem:$0x1A080] =	vst v63  }
0x17c: {  	s18 =	sld [smem:$0x7F2]  }
0x17d: {  	[tilespmem:s15], [sflag:$0x1] =	stream.indirect.gather [spmem:s1], $0x80, s24, s8, $0xb8;
	[tilespmem:$0x1A080] =	vst v63  }
0x17e: {  	s24 =	sld [smem:$0x7F3]  }
0x17f: {  	[tilespmem:s11], [sflag:$0x1] =	stream.indirect.gather [spmem:s1], $0x80, s18, s8, $0xb8;
	[tilespmem:$0x1A080] =	vst v63  }
0x180: {  	_ = 	snop  }
0x181: {  	[tilespmem:s16], [sflag:$0x1] =	stream.indirect.gather [spmem:s1], $0x80, s24, s8, $0xb8;
	[tilespmem:$0x1A080] =	vst v63  }
0x182: {  	_ =	swait.ge [sflag:s5], $0x3200  }
0x183: {  	[sflag:s5] =	ssyncset.done $0x0  }
0x184: {  	[sflag:s5] =	ssyncadd.s32 $0xFFFFCE00  }
0x185: {  	_ =	swait.ge [sflag:s5], $0x3200  }
0x186: {  	[sflag:s5] =	ssyncset.done $0x0  }
0x187: {  	s24 =	rddreg [dreg:$0xc];
	[sflag:s5] =	ssyncadd.s32 $0xFFFFCE00  }
0x188: {  	[hbm4b:s24+s2] =	stream.linear.scatter [tilespmem:s12], [sflag:$0x3], $0x6400, $0x38;
	[tilespmem:$0x1A080] =	vst v63  }
0x189: {  	_ =	swait.ge [sflag:s5], $0x3200  }
0x18a: {  	[sflag:s5] =	ssyncset.done $0x0  }
0x18b: {  	[sflag:s5] =	ssyncadd.s32 $0xFFFFCE00  }
0x18c: {  	_ =	swait.ge [sflag:s5], $0x3200  }
0x18d: {  	[sflag:s5] =	ssyncset.done $0x0  }
0x18e: {  	s24 =	rddreg [dreg:$0xd];
	[sflag:s5] =	ssyncadd.s32 $0xFFFFCE00  }
0x18f: {  	[hbm4b:s24+s2] =	stream.linear.scatter [tilespmem:s11], [sflag:$0x3], $0x6400, $0x38;
	[tilespmem:$0x1A080] =	vst v63  }
0x190: {  	_ =	swait.ge [sflag:s4], $0x6400  }
0x191: {  	[sflag:s4] =	ssyncset.done $0x0  }
0x192: {  	[sflag:s4] =	ssyncadd.s32 $0xFFFF9C00  }
0x193: {  	_ =	swait.ge [sflag:s4], $0x6400  }
0x194: {  	s18 =	sld [smem:$0x7F4]  }
0x195: {  	[sflag:s4] =	ssyncset.done $0x0  }
0x196: {  	s24 =	sld [smem:$0x7F5];
	[sflag:s4] =	ssyncadd.s32 $0xFFFF9C00  }
0x197: {  	[tilespmem:s7], [sflag:$0x1] =	stream.indirect.gather [spmem:s1], $0x80, s18, s8, $0xb8;
	[tilespmem:$0x1A080] =	vst v63  }
0x198: {  	s18 =	sld [smem:$0x7F6]  }
0x199: {  	[tilespmem:s9], [sflag:$0x1] =	stream.indirect.gather [spmem:s1], $0x80, s24, s8, $0xb8;
	[tilespmem:$0x1A080] =	vst v63  }
0x19a: {  	s24 =	sld [smem:$0x7F7]  }
0x19b: {  	[tilespmem:s6], [sflag:$0x1] =	stream.indirect.gather [spmem:s1], $0x80, s18, s8, $0xb8;
	[tilespmem:$0x1A080] =	vst v63  }
0x19c: {  	_ = 	snop  }
0x19d: {  	[tilespmem:s10], [sflag:$0x1] =	stream.indirect.gather [spmem:s1], $0x80, s24, s8, $0xb8;
	[tilespmem:$0x1A080] =	vst v63  }
0x19e: {  	_ =	swait.ge [sflag:s5], $0x3200  }
0x19f: {  	[sflag:s5] =	ssyncset.done $0x0  }
0x1a0: {  	[sflag:s5] =	ssyncadd.s32 $0xFFFFCE00  }
0x1a1: {  	_ =	swait.ge [sflag:s5], $0x3200  }
0x1a2: {  	[sflag:s5] =	ssyncset.done $0x0  }
0x1a3: {  	s24 =	rddreg [dreg:$0xe];
	[sflag:s5] =	ssyncadd.s32 $0xFFFFCE00  }
0x1a4: {  	[hbm4b:s24+s2] =	stream.linear.scatter [tilespmem:s7], [sflag:$0x2], $0x6400, $0x38;
	[tilespmem:$0x1A080] =	vst v63  }
0x1a5: {  	_ =	swait.ge [sflag:s5], $0x3200  }
0x1a6: {  	[sflag:s5] =	ssyncset.done $0x0  }
0x1a7: {  	[sflag:s5] =	ssyncadd.s32 $0xFFFFCE00  }
0x1a8: {  	_ =	swait.ge [sflag:s5], $0x3200  }
0x1a9: {  	[sflag:s5] =	ssyncset.done $0x0  }
0x1aa: {  	s24 =	rddreg [dreg:$0xf];
	[sflag:s5] =	ssyncadd.s32 $0xFFFFCE00  }
0x1ab: {  	[hbm4b:s24+s2] =	stream.linear.scatter [tilespmem:s6], [sflag:$0x2], $0x6400, $0x38;
	[tilespmem:$0x1A080] =	vst v63  }
0x1ac: {  	_ =	swait.ge [sflag:s3], $0x6400  }
0x1ad: {  	[sflag:s3] =	ssyncset.done $0x0  }
0x1ae: {  	[sflag:s3] =	ssyncadd.s32 $0xFFFF9C00  }
0x1af: {  	_ =	swait.ge [sflag:s3], $0x6400  }
0x1b0: {  	s18 =	sld [smem:$0x7F8]  }
0x1b1: {  	[sflag:s3] =	ssyncset.done $0x0  }
0x1b2: {  	s24 =	sld [smem:$0x7F9];
	[sflag:s3] =	ssyncadd.s32 $0xFFFF9C00  }
0x1b3: {  	[tilespmem:s12], [sflag:$0x1] =	stream.indirect.gather [spmem:s1], $0x80, s18, s8, $0xb8;
	[tilespmem:$0x1A080] =	vst v63  }
0x1b4: {  	s18 =	sld [smem:$0x7FA]  }
0x1b5: {  	[tilespmem:s15], [sflag:$0x1] =	stream.indirect.gather [spmem:s1], $0x80, s24, s8, $0xb8;
	[tilespmem:$0x1A080] =	vst v63  }
0x1b6: {  	s24 =	sld [smem:$0x7FB]  }
0x1b7: {  	[tilespmem:s11], [sflag:$0x1] =	stream.indirect.gather [spmem:s1], $0x80, s18, s8, $0xb8;
	[tilespmem:$0x1A080] =	vst v63  }
0x1b8: {  	_ = 	snop  }
0x1b9: {  	[tilespmem:s16], [sflag:$0x1] =	stream.indirect.gather [spmem:s1], $0x80, s24, s8, $0xb8;
	[tilespmem:$0x1A080] =	vst v63  }
0x1ba: {  	_ =	swait.ge [sflag:s5], $0x3200  }
0x1bb: {  	[sflag:s5] =	ssyncset.done $0x0  }
0x1bc: {  	[sflag:s5] =	ssyncadd.s32 $0xFFFFCE00  }
0x1bd: {  	_ =	swait.ge [sflag:s5], $0x3200  }
0x1be: {  	[sflag:s5] =	ssyncset.done $0x0  }
0x1bf: {  	s24 =	rddreg [dreg:$0x10];
	[sflag:s5] =	ssyncadd.s32 $0xFFFFCE00  }
0x1c0: {  	[hbm4b:s24+s2] =	stream.linear.scatter [tilespmem:s12], [sflag:$0x3], $0x6400, $0x38;
	[tilespmem:$0x1A080] =	vst v63  }
0x1c1: {  	_ =	swait.ge [sflag:s5], $0x3200  }
0x1c2: {  	[sflag:s5] =	ssyncset.done $0x0  }
0x1c3: {  	[sflag:s5] =	ssyncadd.s32 $0xFFFFCE00  }
0x1c4: {  	_ =	swait.ge [sflag:s5], $0x3200  }
0x1c5: {  	[sflag:s5] =	ssyncset.done $0x0  }
0x1c6: {  	s24 =	rddreg [dreg:$0x11];
	[sflag:s5] =	ssyncadd.s32 $0xFFFFCE00  }
0x1c7: {  	[hbm4b:s24+s2] =	stream.linear.scatter [tilespmem:s11], [sflag:$0x3], $0x6400, $0x38;
	[tilespmem:$0x1A080] =	vst v63  }
0x1c8: {  	_ =	swait.ge [sflag:s4], $0x6400  }
0x1c9: {  	[sflag:s4] =	ssyncset.done $0x0  }
0x1ca: {  	[sflag:s4] =	ssyncadd.s32 $0xFFFF9C00  }
0x1cb: {  	_ =	swait.ge [sflag:s4], $0x6400  }
0x1cc: {  	s18 =	sld [smem:$0x7FC]  }
0x1cd: {  	[sflag:s4] =	ssyncset.done $0x0  }
0x1ce: {  	s24 =	sld [smem:$0x7FD];
	[sflag:s4] =	ssyncadd.s32 $0xFFFF9C00  }
0x1cf: {  	[tilespmem:s7], [sflag:$0x1] =	stream.indirect.gather [spmem:s1], $0x80, s18, s8, $0xb8;
	[tilespmem:$0x1A080] =	vst v63  }
0x1d0: {  	_ = 	snop  }
0x1d1: {  	[tilespmem:s9], [sflag:$0x1] =	stream.indirect.gather [spmem:s1], $0x80, s24, s8, $0xb8;
	[tilespmem:$0x1A080] =	vst v63  }
0x1d2: {  	s24 =	simm.s32 $0xD00  }
0x1d3: {  	[tilespmem:s6], [sflag:$0x1] =	stream.indirect.gather [spmem:s1], $0x80, s24, s8, $0xb8;
	[tilespmem:$0x1A080] =	vst v63  }
0x1d4: {  	s18 =	simm.s32 $0xD80  }
0x1d5: {  	[tilespmem:s10], [sflag:$0x1] =	stream.indirect.gather [spmem:s1], $0x80, s18, s8, $0xb8;
	[tilespmem:$0x1A080] =	vst v63  }
0x1d6: {  	_ =	swait.ge [sflag:s5], $0x3200  }
0x1d7: {  	[sflag:s5] =	ssyncset.done $0x0  }
0x1d8: {  	[sflag:s5] =	ssyncadd.s32 $0xFFFFCE00  }
0x1d9: {  	_ =	swait.ge [sflag:s5], $0x3200  }
0x1da: {  	[sflag:s5] =	ssyncset.done $0x0  }
0x1db: {  	s18 =	rddreg [dreg:$0x12];
	[sflag:s5] =	ssyncadd.s32 $0xFFFFCE00  }
0x1dc: {  	[hbm4b:s18+s2] =	stream.linear.scatter [tilespmem:s7], [sflag:$0x2], $0x6400, $0x38;
	[tilespmem:$0x1A080] =	vst v63  }
0x1dd: {  	_ =	swait.ge [sflag:s5], $0x3200  }
0x1de: {  	[sflag:s5] =	ssyncset.done $0x0  }
0x1df: {  	[sflag:s5] =	ssyncadd.s32 $0xFFFFCE00  }
0x1e0: {  	_ =	swait.ge [sflag:s5], $0x3200  }
0x1e1: {  	[sflag:s5] =	ssyncset.done $0x0  }
0x1e2: {  	s18 =	rddreg [dreg:$0x13];
	[sflag:s5] =	ssyncadd.s32 $0xFFFFCE00  }
0x1e3: {  	[hbm4b:s18+s2] =	stream.linear.scatter [tilespmem:s6], [sflag:$0x2], $0x6400, $0x38;
	[tilespmem:$0x1A080] =	vst v63  }
0x1e4: {  	_ =	swait.ge @!p1 [sflag:s21], $0x6400  }
0x1e5: {  	[sflag:s21] =	ssyncset.done @!p1 $0x0  }
0x1e6: {  	[sflag:s21] =	ssyncadd.s32 @!p1 $0xFFFF9C00  }
0x1e7: {  	_ =	swait.ge @!p1 [sflag:s21], $0x6400  }
0x1e8: {  	[sflag:s21] =	ssyncset.done @!p1 $0x0  }
0x1e9: {  	s18 =	simm.s32 @!p1 $0xE00;
	[sflag:s21] =	ssyncadd.s32 @!p1 $0xFFFF9C00  }
0x1ea: {  	[tilespmem:s22], [sflag:$0x1] =	stream.indirect.gather @!p1 [spmem:s1], $0x80, s18, s23, $0xb8;
	[tilespmem:$0x1A080] =	vst v63  }
0x1eb: {  	_ = 	snop  }
0x1ec: {  	[tilespmem:s26], [sflag:$0x1] =	stream.indirect.gather @!p1 [spmem:s1], $0x80, s25, s23, $0xb8;
	[tilespmem:$0x1A080] =	vst v63  }
0x1ed: {  	_ = 	snop  }
0x1ee: {  	[tilespmem:s29], [sflag:$0x1] =	stream.indirect.gather @!p1 [spmem:s1], $0x80, s28, s23, $0xb8;
	[tilespmem:$0x1A080] =	vst v63  }
0x1ef: {  	_ = 	snop  }
0x1f0: {  	[tilespmem:s31], [sflag:$0x1] =	stream.indirect.gather @!p1 [spmem:s1], $0x80, s30, s23, $0xb8;
	[tilespmem:$0x1A080] =	vst v63  }
0x1f1: {  	_ =	swait.ge @!p1 [sflag:s0], $0x3200  }
0x1f2: {  	[sflag:s0] =	ssyncset.done @!p1 $0x0  }
0x1f3: {  	[sflag:s0] =	ssyncadd.s32 @!p1 $0xFFFFCE00  }
0x1f4: {  	_ =	swait.ge @!p1 [sflag:s0], $0x3200  }
0x1f5: {  	[sflag:s0] =	ssyncset.done @!p1 $0x0  }
0x1f6: {  	s18 =	rddreg [dreg:$0x14];
	[sflag:s0] =	ssyncadd.s32 @!p1 $0xFFFFCE00  }
0x1f7: {  	[hbm4b:s18+s13] =	stream.linear.scatter @!p1 [tilespmem:s22], [sflag:$0x3], $0x6400, $0x38;
	[tilespmem:$0x1A080] =	vst v63  }
0x1f8: {  	_ =	swait.ge @!p1 [sflag:s0], $0x3200  }
0x1f9: {  	[sflag:s0] =	ssyncset.done @!p1 $0x0  }
0x1fa: {  	[sflag:s0] =	ssyncadd.s32 @!p1 $0xFFFFCE00  }
0x1fb: {  	_ =	swait.ge @!p1 [sflag:s0], $0x3200  }
0x1fc: {  	[sflag:s0] =	ssyncset.done @!p1 $0x0  }
0x1fd: {  	s18 =	rddreg [dreg:$0x15];
	[sflag:s0] =	ssyncadd.s32 @!p1 $0xFFFFCE00  }
0x1fe: {  	[hbm4b:s18+s13] =	stream.linear.scatter @!p1 [tilespmem:s29], [sflag:$0x3], $0x6400, $0x38;
	[tilespmem:$0x1A080] =	vst v63  }
0x1ff: {  	_ =	swait.ge [sflag:s4], $0x6400  }
0x200: {  	[sflag:s4] =	ssyncset.done $0x0  }
0x201: {  	[sflag:s4] =	ssyncadd.s32 $0xFFFF9C00  }
0x202: {  	_ =	swait.ge [sflag:s4], $0x6400  }
0x203: {  	s14 =	sadd.s32 $0xFFFFFFFF, s14;
	[sflag:s4] =	ssyncset.done $0x0  }
0x204: {  	p3 =	sne.s32 s14, $0x0;
	[sflag:s4] =	ssyncadd.s32 $0xFFFF9C00  }
.Ltmp2:
0x205: {  	_ =	swait.ge [sflag:s3], $0x6400;
	(pc) =	sbr.rel @p3 .LBB2_3-.Ltmp2, $4  }
0x206: {  	[sflag:s3] =	ssyncset.done $0x0  }
0x207: {  	[sflag:s3] =	ssyncadd.s32 $0xFFFF9C00  }
0x208: {  	_ =	swait.ge [sflag:s3], $0x6400  }
0x209: {  	s18 =	rddreg [dreg:$0x6];
	[sflag:s3] =	ssyncset.done $0x0  }
0x20a: {  	s19 =	rddreg [dreg:$0x4];
	s21 =	simm.s32 $0xD80  }
.LBB2_5:
0x20b: {  	[sflag:s3] =	ssyncadd.s32 @p2 $0xFFFF9C00;
	s0 =	rddreg [dreg:$0x5]  }
0x20c: {  	[tilespmem:s2], [sflag:$0x1] =	stream.linear.gather [hbm4b:s18+s2], $0x1000, $0x38;
	[tilespmem:$0x1A080] =	vst v63  }
0x20d: {  	s13 =	simm.s32 @!p0 $0x0;
	s14 =	simm.s32 @!p0 $0x1000;
	s18 =	simm.s32 @!p0 $0x4  }
0x20e: {  	[tilespmem:s14], [sflag:$0x4] =	stream.linear.gather @!p0 [hbm4b:s0+s13], $0x800, $0x38;
	[tilespmem:$0x1A080] =	vst v63  }
0x20f: {  	_ =	swait.ge @!p0 [sflag:s18], $0x800  }
0x210: {  	[sflag:s18] =	ssyncset.done @!p0 $0x0  }
0x211: {  	[sflag:s18] =	ssyncadd.s32 @!p0 $0xFFFFF800  }
0x212: {  	[spmem:s1] =	stream.linear.scatter @!p0 [tilespmem:s14], [sflag:$0x4], $0x800, $0x38;
	[tilespmem:$0x1A080] =	vst v63  }
0x213: {  	_ =	swait.ge @!p0 [sflag:s18], $0x800  }
0x214: {  	[sflag:s18] =	ssyncset.done @!p0 $0x0  }
0x215: {  	[sflag:s18] =	ssyncadd.s32 @!p0 $0xFFFFF800  }
0x216: {  	[bflag:$0x0] =	sbarrier.arrive $0xFFFF  }
0x217: {  	_ =	swait.ge [sflag:s5], $0x1000  }
0x218: {  	[sflag:s5] =	ssyncset.done $0x0  }
0x219: {  	[sflag:s5] =	ssyncadd.s32 $0xFFFFF000  }
0x21a: {  	[tilespmem:s7], [sflag:$0x1] =	stream.indirect.gather [spmem:s1], $0x80, s2, s8, $0xb8;
	[tilespmem:$0x1A080] =	vst v63  }
0x21b: {  	s30 =	rddreg [dreg:$0x16]  }
0x21c: {  	[tilespmem:s9], [sflag:$0x1] =	stream.indirect.gather [spmem:s1], $0x80, s30, s8, $0xb8;
	[tilespmem:$0x1A080] =	vst v63  }
0x21d: {  	s31 =	rddreg [dreg:$0x17]  }
0x21e: {  	[tilespmem:s6], [sflag:$0x1] =	stream.indirect.gather [spmem:s1], $0x80, s31, s8, $0xb8;
	[tilespmem:$0x1A080] =	vst v63  }
0x21f: {  	s14 =	rddreg [dreg:$0x18]  }
0x220: {  	[tilespmem:s10], [sflag:$0x1] =	stream.indirect.gather [spmem:s1], $0x80, s14, s8, $0xb8;
	[tilespmem:$0x1A080] =	vst v63  }
0x221: {  	_ =	swait.ge [sflag:s5], $0x3200  }
0x222: {  	[sflag:s5] =	ssyncset.done $0x0  }
0x223: {  	[sflag:s5] =	ssyncadd.s32 $0xFFFFCE00  }
0x224: {  	_ =	swait.ge [sflag:s5], $0x3200  }
0x225: {  	[sflag:s5] =	ssyncset.done $0x0  }
0x226: {  	[sflag:s5] =	ssyncadd.s32 $0xFFFFCE00  }
0x227: {  	[hbm4b:s17+s2] =	stream.linear.scatter [tilespmem:s7], [sflag:$0x2], $0x6400, $0x38;
	[tilespmem:$0x1A080] =	vst v63  }
0x228: {  	_ =	swait.ge [sflag:s5], $0x3200  }
0x229: {  	[sflag:s5] =	ssyncset.done $0x0  }
0x22a: {  	[sflag:s5] =	ssyncadd.s32 $0xFFFFCE00  }
0x22b: {  	_ =	swait.ge [sflag:s5], $0x3200  }
0x22c: {  	[sflag:s5] =	ssyncset.done $0x0  }
0x22d: {  	s17 =	rddreg [dreg:$0x7];
	[sflag:s5] =	ssyncadd.s32 $0xFFFFCE00  }
0x22e: {  	[hbm4b:s17+s2] =	stream.linear.scatter [tilespmem:s6], [sflag:$0x2], $0x6400, $0x38;
	[tilespmem:$0x1A080] =	vst v63  }
0x22f: {  	s18 =	rddreg [dreg:$0x19]  }
0x230: {  	[tilespmem:s12], [sflag:$0x1] =	stream.indirect.gather [spmem:s1], $0x80, s18, s8, $0xb8;
	[tilespmem:$0x1A080] =	vst v63  }
0x231: {  	s20 =	rddreg [dreg:$0x1a]  }
0x232: {  	[tilespmem:s15], [sflag:$0x1] =	stream.indirect.gather [spmem:s1], $0x80, s20, s8, $0xb8;
	[tilespmem:$0x1A080] =	vst v63  }
0x233: {  	s22 =	rddreg [dreg:$0x1b]  }
0x234: {  	[tilespmem:s11], [sflag:$0x1] =	stream.indirect.gather [spmem:s1], $0x80, s22, s8, $0xb8;
	[tilespmem:$0x1A080] =	vst v63  }
0x235: {  	s23 =	rddreg [dreg:$0x1c]  }
0x236: {  	[tilespmem:s16], [sflag:$0x1] =	stream.indirect.gather [spmem:s1], $0x80, s23, s8, $0xb8;
	[tilespmem:$0x1A080] =	vst v63  }
0x237: {  	_ =	swait.ge [sflag:s5], $0x3200  }
0x238: {  	[sflag:s5] =	ssyncset.done $0x0  }
0x239: {  	[sflag:s5] =	ssyncadd.s32 $0xFFFFCE00  }
0x23a: {  	_ =	swait.ge [sflag:s5], $0x3200  }
0x23b: {  	[sflag:s5] =	ssyncset.done $0x0  }
0x23c: {  	s25 =	rddreg [dreg:$0x8];
	[sflag:s5] =	ssyncadd.s32 $0xFFFFCE00  }
0x23d: {  	[hbm4b:s25+s2] =	stream.linear.scatter [tilespmem:s12], [sflag:$0x3], $0x6400, $0x38;
	[tilespmem:$0x1A080] =	vst v63  }
0x23e: {  	_ =	swait.ge [sflag:s5], $0x3200  }
0x23f: {  	[sflag:s5] =	ssyncset.done $0x0  }
0x240: {  	[sflag:s5] =	ssyncadd.s32 $0xFFFFCE00  }
0x241: {  	_ =	swait.ge [sflag:s5], $0x3200  }
0x242: {  	[sflag:s5] =	ssyncset.done $0x0  }
0x243: {  	s26 =	rddreg [dreg:$0x9];
	[sflag:s5] =	ssyncadd.s32 $0xFFFFCE00  }
0x244: {  	[hbm4b:s26+s2] =	stream.linear.scatter [tilespmem:s11], [sflag:$0x3], $0x6400, $0x38;
	[tilespmem:$0x1A080] =	vst v63  }
0x245: {  	_ =	swait.ge [sflag:s4], $0x6400  }
0x246: {  	[sflag:s4] =	ssyncset.done $0x0  }
0x247: {  	[sflag:s4] =	ssyncadd.s32 $0xFFFF9C00  }
0x248: {  	_ =	swait.ge [sflag:s4], $0x6400  }
0x249: {  	s28 =	rddreg [dreg:$0x1d];
	[sflag:s4] =	ssyncset.done $0x0  }
0x24a: {  	s29 =	rddreg [dreg:$0x1e];
	[sflag:s4] =	ssyncadd.s32 $0xFFFF9C00  }
0x24b: {  	[tilespmem:s7], [sflag:$0x1] =	stream.indirect.gather [spmem:s1], $0x80, s28, s8, $0xb8;
	[tilespmem:$0x1A080] =	vst v63  }
0x24c: {  	s30 =	rddreg [dreg:$0x1f]  }
0x24d: {  	[tilespmem:s9], [sflag:$0x1] =	stream.indirect.gather [spmem:s1], $0x80, s29, s8, $0xb8;
	[tilespmem:$0x1A080] =	vst v63  }
0x24e: {  	s31 =	sld [smem:$0x7EF]  }
0x24f: {  	[tilespmem:s6], [sflag:$0x1] =	stream.indirect.gather [spmem:s1], $0x80, s30, s8, $0xb8;
	[tilespmem:$0x1A080] =	vst v63  }
0x250: {  	_ = 	snop  }
0x251: {  	[tilespmem:s10], [sflag:$0x1] =	stream.indirect.gather [spmem:s1], $0x80, s31, s8, $0xb8;
	[tilespmem:$0x1A080] =	vst v63  }
0x252: {  	_ =	swait.ge [sflag:s5], $0x3200  }
0x253: {  	[sflag:s5] =	ssyncset.done $0x0  }
0x254: {  	[sflag:s5] =	ssyncadd.s32 $0xFFFFCE00  }
0x255: {  	_ =	swait.ge [sflag:s5], $0x3200  }
0x256: {  	[sflag:s5] =	ssyncset.done $0x0  }
0x257: {  	s14 =	rddreg [dreg:$0xa];
	[sflag:s5] =	ssyncadd.s32 $0xFFFFCE00  }
0x258: {  	[hbm4b:s14+s2] =	stream.linear.scatter [tilespmem:s7], [sflag:$0x2], $0x6400, $0x38;
	[tilespmem:$0x1A080] =	vst v63  }
0x259: {  	_ =	swait.ge [sflag:s5], $0x3200  }
0x25a: {  	[sflag:s5] =	ssyncset.done $0x0  }
0x25b: {  	[sflag:s5] =	ssyncadd.s32 $0xFFFFCE00  }
0x25c: {  	_ =	swait.ge [sflag:s5], $0x3200  }
0x25d: {  	[sflag:s5] =	ssyncset.done $0x0  }
0x25e: {  	s17 =	rddreg [dreg:$0xb];
	[sflag:s5] =	ssyncadd.s32 $0xFFFFCE00  }
0x25f: {  	[hbm4b:s17+s2] =	stream.linear.scatter [tilespmem:s6], [sflag:$0x2], $0x6400, $0x38;
	[tilespmem:$0x1A080] =	vst v63  }
0x260: {  	_ =	swait.ge [sflag:s3], $0x6400  }
0x261: {  	[sflag:s3] =	ssyncset.done $0x0  }
0x262: {  	[sflag:s3] =	ssyncadd.s32 $0xFFFF9C00  }
0x263: {  	_ =	swait.ge [sflag:s3], $0x6400  }
0x264: {  	s18 =	sld [smem:$0x7F0]  }
0x265: {  	[sflag:s3] =	ssyncset.done $0x0  }
0x266: {  	s20 =	sld [smem:$0x7F1];
	[sflag:s3] =	ssyncadd.s32 $0xFFFF9C00  }
0x267: {  	[tilespmem:s12], [sflag:$0x1] =	stream.indirect.gather [spmem:s1], $0x80, s18, s8, $0xb8;
	[tilespmem:$0x1A080] =	vst v63  }
0x268: {  	s22 =	sld [smem:$0x7F2]  }
0x269: {  	[tilespmem:s15], [sflag:$0x1] =	stream.indirect.gather [spmem:s1], $0x80, s20, s8, $0xb8;
	[tilespmem:$0x1A080] =	vst v63  }
0x26a: {  	s23 =	sld [smem:$0x7F3]  }
0x26b: {  	[tilespmem:s11], [sflag:$0x1] =	stream.indirect.gather [spmem:s1], $0x80, s22, s8, $0xb8;
	[tilespmem:$0x1A080] =	vst v63  }
0x26c: {  	_ = 	snop  }
0x26d: {  	[tilespmem:s16], [sflag:$0x1] =	stream.indirect.gather [spmem:s1], $0x80, s23, s8, $0xb8;
	[tilespmem:$0x1A080] =	vst v63  }
0x26e: {  	_ =	swait.ge [sflag:s5], $0x3200  }
0x26f: {  	[sflag:s5] =	ssyncset.done $0x0  }
0x270: {  	[sflag:s5] =	ssyncadd.s32 $0xFFFFCE00  }
0x271: {  	_ =	swait.ge [sflag:s5], $0x3200  }
0x272: {  	[sflag:s5] =	ssyncset.done $0x0  }
0x273: {  	s25 =	rddreg [dreg:$0xc];
	[sflag:s5] =	ssyncadd.s32 $0xFFFFCE00  }
0x274: {  	[hbm4b:s25+s2] =	stream.linear.scatter [tilespmem:s12], [sflag:$0x3], $0x6400, $0x38;
	[tilespmem:$0x1A080] =	vst v63  }
0x275: {  	_ =	swait.ge [sflag:s5], $0x3200  }
0x276: {  	[sflag:s5] =	ssyncset.done $0x0  }
0x277: {  	[sflag:s5] =	ssyncadd.s32 $0xFFFFCE00  }
0x278: {  	_ =	swait.ge [sflag:s5], $0x3200  }
0x279: {  	[sflag:s5] =	ssyncset.done $0x0  }
0x27a: {  	s26 =	rddreg [dreg:$0xd];
	[sflag:s5] =	ssyncadd.s32 $0xFFFFCE00  }
0x27b: {  	[hbm4b:s26+s2] =	stream.linear.scatter [tilespmem:s11], [sflag:$0x3], $0x6400, $0x38;
	[tilespmem:$0x1A080] =	vst v63  }
0x27c: {  	_ =	swait.ge [sflag:s4], $0x6400  }
0x27d: {  	[sflag:s4] =	ssyncset.done $0x0  }
0x27e: {  	[sflag:s4] =	ssyncadd.s32 $0xFFFF9C00  }
0x27f: {  	_ =	swait.ge [sflag:s4], $0x6400  }
0x280: {  	s28 =	sld [smem:$0x7F4]  }
0x281: {  	[sflag:s4] =	ssyncset.done $0x0  }
0x282: {  	s29 =	sld [smem:$0x7F5];
	[sflag:s4] =	ssyncadd.s32 $0xFFFF9C00  }
0x283: {  	[tilespmem:s7], [sflag:$0x1] =	stream.indirect.gather [spmem:s1], $0x80, s28, s8, $0xb8;
	[tilespmem:$0x1A080] =	vst v63  }
0x284: {  	s30 =	sld [smem:$0x7F6]  }
0x285: {  	[tilespmem:s9], [sflag:$0x1] =	stream.indirect.gather [spmem:s1], $0x80, s29, s8, $0xb8;
	[tilespmem:$0x1A080] =	vst v63  }
0x286: {  	s31 =	sld [smem:$0x7F7]  }
0x287: {  	[tilespmem:s6], [sflag:$0x1] =	stream.indirect.gather [spmem:s1], $0x80, s30, s8, $0xb8;
	[tilespmem:$0x1A080] =	vst v63  }
0x288: {  	_ = 	snop  }
0x289: {  	[tilespmem:s10], [sflag:$0x1] =	stream.indirect.gather [spmem:s1], $0x80, s31, s8, $0xb8;
	[tilespmem:$0x1A080] =	vst v63  }
0x28a: {  	_ =	swait.ge [sflag:s5], $0x3200  }
0x28b: {  	[sflag:s5] =	ssyncset.done $0x0  }
0x28c: {  	[sflag:s5] =	ssyncadd.s32 $0xFFFFCE00  }
0x28d: {  	_ =	swait.ge [sflag:s5], $0x3200  }
0x28e: {  	[sflag:s5] =	ssyncset.done $0x0  }
0x28f: {  	s14 =	rddreg [dreg:$0xe];
	[sflag:s5] =	ssyncadd.s32 $0xFFFFCE00  }
0x290: {  	[hbm4b:s14+s2] =	stream.linear.scatter [tilespmem:s7], [sflag:$0x2], $0x6400, $0x38;
	[tilespmem:$0x1A080] =	vst v63  }
0x291: {  	_ =	swait.ge [sflag:s5], $0x3200  }
0x292: {  	[sflag:s5] =	ssyncset.done $0x0  }
0x293: {  	[sflag:s5] =	ssyncadd.s32 $0xFFFFCE00  }
0x294: {  	_ =	swait.ge [sflag:s5], $0x3200  }
0x295: {  	[sflag:s5] =	ssyncset.done $0x0  }
0x296: {  	s17 =	rddreg [dreg:$0xf];
	[sflag:s5] =	ssyncadd.s32 $0xFFFFCE00  }
0x297: {  	[hbm4b:s17+s2] =	stream.linear.scatter [tilespmem:s6], [sflag:$0x2], $0x6400, $0x38;
	[tilespmem:$0x1A080] =	vst v63  }
0x298: {  	_ =	swait.ge [sflag:s3], $0x6400  }
0x299: {  	[sflag:s3] =	ssyncset.done $0x0  }
0x29a: {  	[sflag:s3] =	ssyncadd.s32 $0xFFFF9C00  }
0x29b: {  	_ =	swait.ge [sflag:s3], $0x6400  }
0x29c: {  	s18 =	sld [smem:$0x7F8]  }
0x29d: {  	[sflag:s3] =	ssyncset.done $0x0  }
0x29e: {  	s20 =	sld [smem:$0x7F9];
	[sflag:s3] =	ssyncadd.s32 $0xFFFF9C00  }
0x29f: {  	[tilespmem:s12], [sflag:$0x1] =	stream.indirect.gather [spmem:s1], $0x80, s18, s8, $0xb8;
	[tilespmem:$0x1A080] =	vst v63  }
0x2a0: {  	s22 =	sld [smem:$0x7FA]  }
0x2a1: {  	[tilespmem:s15], [sflag:$0x1] =	stream.indirect.gather [spmem:s1], $0x80, s20, s8, $0xb8;
	[tilespmem:$0x1A080] =	vst v63  }
0x2a2: {  	s23 =	sld [smem:$0x7FB]  }
0x2a3: {  	[tilespmem:s11], [sflag:$0x1] =	stream.indirect.gather [spmem:s1], $0x80, s22, s8, $0xb8;
	[tilespmem:$0x1A080] =	vst v63  }
0x2a4: {  	_ = 	snop  }
0x2a5: {  	[tilespmem:s16], [sflag:$0x1] =	stream.indirect.gather [spmem:s1], $0x80, s23, s8, $0xb8;
	[tilespmem:$0x1A080] =	vst v63  }
0x2a6: {  	_ =	swait.ge [sflag:s5], $0x3200  }
0x2a7: {  	[sflag:s5] =	ssyncset.done $0x0  }
0x2a8: {  	[sflag:s5] =	ssyncadd.s32 $0xFFFFCE00  }
0x2a9: {  	_ =	swait.ge [sflag:s5], $0x3200  }
0x2aa: {  	[sflag:s5] =	ssyncset.done $0x0  }
0x2ab: {  	s25 =	rddreg [dreg:$0x10];
	[sflag:s5] =	ssyncadd.s32 $0xFFFFCE00  }
0x2ac: {  	[hbm4b:s25+s2] =	stream.linear.scatter [tilespmem:s12], [sflag:$0x3], $0x6400, $0x38;
	[tilespmem:$0x1A080] =	vst v63  }
0x2ad: {  	_ =	swait.ge [sflag:s5], $0x3200  }
0x2ae: {  	[sflag:s5] =	ssyncset.done $0x0  }
0x2af: {  	[sflag:s5] =	ssyncadd.s32 $0xFFFFCE00  }
0x2b0: {  	_ =	swait.ge [sflag:s5], $0x3200  }
0x2b1: {  	[sflag:s5] =	ssyncset.done $0x0  }
0x2b2: {  	s26 =	rddreg [dreg:$0x11];
	[sflag:s5] =	ssyncadd.s32 $0xFFFFCE00  }
0x2b3: {  	[hbm4b:s26+s2] =	stream.linear.scatter [tilespmem:s11], [sflag:$0x3], $0x6400, $0x38;
	[tilespmem:$0x1A080] =	vst v63  }
0x2b4: {  	_ =	swait.ge [sflag:s4], $0x6400  }
0x2b5: {  	[sflag:s4] =	ssyncset.done $0x0  }
0x2b6: {  	[sflag:s4] =	ssyncadd.s32 $0xFFFF9C00  }
0x2b7: {  	_ =	swait.ge [sflag:s4], $0x6400  }
0x2b8: {  	s28 =	sld [smem:$0x7FC]  }
0x2b9: {  	[sflag:s4] =	ssyncset.done $0x0  }
0x2ba: {  	s29 =	sld [smem:$0x7FD];
	[sflag:s4] =	ssyncadd.s32 $0xFFFF9C00  }
0x2bb: {  	[tilespmem:s7], [sflag:$0x1] =	stream.indirect.gather [spmem:s1], $0x80, s28, s8, $0xb8;
	[tilespmem:$0x1A080] =	vst v63  }
0x2bc: {  	_ = 	snop  }
0x2bd: {  	[tilespmem:s9], [sflag:$0x1] =	stream.indirect.gather [spmem:s1], $0x80, s29, s8, $0xb8;
	[tilespmem:$0x1A080] =	vst v63  }
0x2be: {  	_ = 	snop  }
0x2bf: {  	[tilespmem:s6], [sflag:$0x1] =	stream.indirect.gather [spmem:s1], $0x80, s24, s8, $0xb8;
	[tilespmem:$0x1A080] =	vst v63  }
0x2c0: {  	_ = 	snop  }
0x2c1: {  	[tilespmem:s10], [sflag:$0x1] =	stream.indirect.gather [spmem:s1], $0x80, s21, s8, $0xb8;
	[tilespmem:$0x1A080] =	vst v63  }
0x2c2: {  	_ =	swait.ge [sflag:s5], $0x3200  }
0x2c3: {  	[sflag:s5] =	ssyncset.done $0x0  }
0x2c4: {  	[sflag:s5] =	ssyncadd.s32 $0xFFFFCE00  }
0x2c5: {  	_ =	swait.ge [sflag:s5], $0x3200  }
0x2c6: {  	[sflag:s5] =	ssyncset.done $0x0  }
0x2c7: {  	s30 =	rddreg [dreg:$0x12];
	[sflag:s5] =	ssyncadd.s32 $0xFFFFCE00  }
0x2c8: {  	[hbm4b:s30+s2] =	stream.linear.scatter [tilespmem:s7], [sflag:$0x2], $0x6400, $0x38;
	[tilespmem:$0x1A080] =	vst v63  }
0x2c9: {  	_ =	swait.ge [sflag:s5], $0x3200  }
0x2ca: {  	[sflag:s5] =	ssyncset.done $0x0  }
0x2cb: {  	[sflag:s5] =	ssyncadd.s32 $0xFFFFCE00  }
0x2cc: {  	_ =	swait.ge [sflag:s5], $0x3200  }
0x2cd: {  	[sflag:s5] =	ssyncset.done $0x0  }
0x2ce: {  	s31 =	rddreg [dreg:$0x13];
	[sflag:s5] =	ssyncadd.s32 $0xFFFFCE00;
	s5 =	simm.s32 @!p1 $0x3  }
0x2cf: {  	[hbm4b:s31+s2] =	stream.linear.scatter [tilespmem:s6], [sflag:$0x2], $0x6400, $0x38;
	[tilespmem:$0x1A080] =	vst v63  }
0x2d0: {  	_ =	swait.ge @!p1 [sflag:s5], $0x6400  }
0x2d1: {  	[sflag:s5] =	ssyncset.done @!p1 $0x0  }
0x2d2: {  	[sflag:s5] =	ssyncadd.s32 @!p1 $0xFFFF9C00  }
0x2d3: {  	_ =	swait.ge @!p1 [sflag:s5], $0x6400  }
0x2d4: {  	s0 =	simm.s32 @!p1 $0xD800;
	[sflag:s5] =	ssyncset.done @!p1 $0x0  }
0x2d5: {  	s2 =	simm.s32 @!p1 $0x64;
	[sflag:s5] =	ssyncadd.s32 @!p1 $0xFFFF9C00;
	s5 =	simm.s32 @!p1 $0xE00  }
0x2d6: {  	[tilespmem:s0], [sflag:$0x1] =	stream.indirect.gather @!p1 [spmem:s1], $0x80, s5, s2, $0xb8;
	[tilespmem:$0x1A080] =	vst v63  }
0x2d7: {  	s6 =	simm.s32 @!p1 $0x10A00;
	s5 =	simm.s32 @!p1 $0xE80  }
0x2d8: {  	[tilespmem:s6], [sflag:$0x1] =	stream.indirect.gather @!p1 [spmem:s1], $0x80, s5, s2, $0xb8;
	[tilespmem:$0x1A080] =	vst v63  }
0x2d9: {  	s5 =	simm.s32 @!p1 $0xF00;
	s6 =	simm.s32 @!p1 $0x13C00  }
0x2da: {  	[tilespmem:s6], [sflag:$0x1] =	stream.indirect.gather @!p1 [spmem:s1], $0x80, s5, s2, $0xb8;
	[tilespmem:$0x1A080] =	vst v63  }
0x2db: {  	s8 =	simm.s32 @!p1 $0x1;
	s7 =	simm.s32 @!p1 $0x16E00;
	s5 =	simm.s32 @!p1 $0xF80  }
0x2dc: {  	[tilespmem:s7], [sflag:$0x1] =	stream.indirect.gather @!p1 [spmem:s1], $0x80, s5, s2, $0xb8;
	[tilespmem:$0x1A080] =	vst v63  }
0x2dd: {  	_ =	swait.ge @!p1 [sflag:s8], $0x3200  }
0x2de: {  	[sflag:s8] =	ssyncset.done @!p1 $0x0  }
0x2df: {  	[sflag:s8] =	ssyncadd.s32 @!p1 $0xFFFFCE00  }
0x2e0: {  	_ =	swait.ge @!p1 [sflag:s8], $0x3200  }
0x2e1: {  	[sflag:s8] =	ssyncset.done @!p1 $0x0  }
0x2e2: {  	s2 =	simm.s32 @!p1 $0x0;
	s1 =	rddreg [dreg:$0x14];
	[sflag:s8] =	ssyncadd.s32 @!p1 $0xFFFFCE00  }
0x2e3: {  	[hbm4b:s1+s2] =	stream.linear.scatter @!p1 [tilespmem:s0], [sflag:$0x3], $0x6400, $0x38;
	[tilespmem:$0x1A080] =	vst v63  }
0x2e4: {  	_ =	swait.ge @!p1 [sflag:s8], $0x3200  }
0x2e5: {  	[sflag:s8] =	ssyncset.done @!p1 $0x0  }
0x2e6: {  	[sflag:s8] =	ssyncadd.s32 @!p1 $0xFFFFCE00  }
0x2e7: {  	_ =	swait.ge @!p1 [sflag:s8], $0x3200  }
0x2e8: {  	[sflag:s8] =	ssyncset.done @!p1 $0x0  }
0x2e9: {  	s0 =	rddreg [dreg:$0x15];
	[sflag:s8] =	ssyncadd.s32 @!p1 $0xFFFFCE00  }
0x2ea: {  	[hbm4b:s0+s2] =	stream.linear.scatter @!p1 [tilespmem:s6], [sflag:$0x3], $0x6400, $0x38;
	[tilespmem:$0x1A080] =	vst v63  }
0x2eb: {  	_ =	swait.ge [sflag:s4], $0x6400  }
0x2ec: {  	[sflag:s4] =	ssyncset.done $0x0  }
0x2ed: {  	[sflag:s4] =	ssyncadd.s32 $0xFFFF9C00  }
0x2ee: {  	_ =	swait.ge [sflag:s4], $0x6400  }
0x2ef: {  	[sflag:s4] =	ssyncset.done $0x0  }
0x2f0: {  	[sflag:s4] =	ssyncadd.s32 $0xFFFF9C00  }
0x2f1: {  	_ =	swait.ge [sflag:s3], $0x6400  }
0x2f2: {  	[sflag:s3] =	ssyncset.done $0x0  }
0x2f3: {  	[sflag:s3] =	ssyncadd.s32 $0xFFFF9C00  }
0x2f4: {  	_ =	swait.ge [sflag:s3], $0x6400  }
0x2f5: {  	[sflag:s3] =	ssyncset.done $0x0  }
0x2f6: {  	[sflag:s3] =	ssyncadd.s32 $0xFFFF9C00  }
0x2f7: {  	_ =	sfence.sel $0x180000  }
0x2f8: {  	[bflag:$0x0] =	sbarrier.arrive $0xFFFF  }
0x2f9: {  	_ =	strace $0x90000047  }
0x2fa: {  	s0 =	sadd.s32 @!p0 $0x100000, s19;
	[bflag:$0x2] =	sbarrier.arrive $0xFFFF  }
0x2fb: {  	[sflag:s0] =	ssyncadd.tile.s32 @!p0 $0x1;
	_ =	shalt  }
.LBB2_2:
.Ltmp3:
0x2fc: {  	(pc) =	sbr.rel .LBB2_5-.Ltmp3, $2  }
0x2fd: {  	_ =	sdelay $0x2  }
0x2fe: {  	s19 =	rddreg [dreg:$0x4];
	s21 =	simm.s32 $0xD80  }
.Lfunc_end2:
_tile_overlayer_lowered:
.L_overlay_start_2:
0x2ff: {  	(tag) =	ssettag $0x2  }
0x300: {  	s0 =	rddreg [dreg:$0x0];
	s2 =	stileid.u32  }
0x301: {  	s1 =	rddreg [dreg:$0x1];
	p0 =	sne.s32 s2, $0x0  }
0x302: {  	s3 =	rddreg [dreg:$0x2];
	[bflag:$0x3] =	sbarrier.arrive $0xFFFF;
	s2 =	simm.s32 @!p0 $0x1C04  }
0x303: {  	[timem:s3], [sflag:s2] =	dma.local @!p0 [hbm:s0], s1  }
0x304: {  	s0 =	simm.s32 @!p0 $0x4  }
0x305: {  	_ =	swait.ge @!p0 [sflag:s0], s1  }
0x306: {  	s1 =	ssub.s32 @!p0 $0x0, s1;
	[sflag:s0] =	ssyncset.done @!p0 $0x0  }
0x307: {  	[sflag:s0] =	ssyncadd.s32 @!p0 s1  }
0x308: {  	[bflag:$0x3] =	sbarrier.arrive $0xFFFF  }
0x309: {  	_ =	shalt  }

</sc_bundles>
